<compile_context>
chip_gen: v7x
topology: tpu7x:2x2x1
jax: 0.10.2.dev20260603
libtpu: 0.0.44.dev20260713+nightly
codegen_flags: <defaults>
</compile_context>

<pallas_src>
import functools

import jax
import jax.numpy as jnp
from jax import lax
from jax.experimental import pallas as pl
from jax.experimental.pallas import tpu as pltpu
from jax.experimental.pallas import tpu_sc as plsc

N = 10000
E = 320000
D = 128
H = 64
NC = 2
NS = 16
CHUNK = 64
NCHUNKS = E // CHUNK
BASE_CH = NCHUNKS // NS
EXTRA_CH = NCHUNKS % NS
ZROWS = 48
ZREP = 13
TAIL0 = NS * ZREP * ZROWS
TAILN = N - TAIL0
F32 = jnp.float32


def _dot(x, w):
    return lax.dot_general(x, w, (((1,), (1,)), ((), ())),
                           preferred_element_type=F32)



def _proj_body(h_ref, aw, ab, bw, bb, dw, db, ew, eb,
               ah_ref, dhbh_lo_ref, dhbh_hi_ref, eh_ref):
    hb = h_ref[...]
    ah = _dot(hb, aw[...]) + ab[...]
    bh = _dot(hb, bw[...]) + bb[...]
    dh = _dot(hb, dw[...]) + db[...]
    eh = _dot(hb, ew[...]) + eb[...]
    ah_ref[...] = ah
    dhbh_lo_ref[:, :H] = dh[:, :H]
    dhbh_lo_ref[:, H:] = bh[:, :H]
    dhbh_hi_ref[:, :H] = dh[:, H:]
    dhbh_hi_ref[:, H:] = bh[:, H:]
    eh_ref[...] = eh


def _run_proj(h, aw, ab, bw, bb, dw, db, ew, eb):
    nb = 10
    rb = N // nb
    wspec = pl.BlockSpec((D, D), lambda i: (0, 0))
    bspec = pl.BlockSpec((1, D), lambda i: (0, 0))
    return pl.pallas_call(
        _proj_body,
        grid=(nb,),
        in_specs=[pl.BlockSpec((rb, D), lambda i: (i, 0)),
                  wspec, bspec, wspec, bspec, wspec, bspec, wspec, bspec],
        out_specs=[pl.BlockSpec((rb, D), lambda i: (i, 0)),
                   pl.BlockSpec((rb, D), lambda i: (i, 0)),
                   pl.BlockSpec((rb, D), lambda i: (i, 0)),
                   pl.BlockSpec((rb, D), lambda i: (i, 0))],
        out_shape=[jax.ShapeDtypeStruct((N, D), F32),
                   jax.ShapeDtypeStruct((N, D), F32),
                   jax.ShapeDtypeStruct((N, D), F32),
                   jax.ShapeDtypeStruct((N, D), F32)],
    )(h, aw, ab, bw, bb, dw, db, ew, eb)



def _ce_body(e_ref, cw, cb, ce_lo_ref, ce_hi_ref):
    ce = _dot(e_ref[...], cw[...]) + cb[...]
    ce_lo_ref[...] = ce[:, :H]
    ce_hi_ref[...] = ce[:, H:]


def _run_ce(e, cw, cb):
    nb = 160
    rb = E // nb
    return pl.pallas_call(
        _ce_body,
        grid=(nb,),
        in_specs=[pl.BlockSpec((rb, D), lambda i: (i, 0)),
                  pl.BlockSpec((D, D), lambda i: (0, 0)),
                  pl.BlockSpec((1, D), lambda i: (0, 0))],
        out_specs=[pl.BlockSpec((rb, H), lambda i: (i, 0)),
                   pl.BlockSpec((rb, H), lambda i: (i, 0))],
        out_shape=[jax.ShapeDtypeStruct((E, H), F32),
                   jax.ShapeDtypeStruct((E, H), F32)],
    )(e, cw, cb)



def _sc_body(src_hbm, dst_hbm, dhbh_lo, dhbh_hi, eh_t, ce_lo, ce_hi,
             eij_lo, eij_hi, acc0, acc1, stats,
             src_v, dst_v, dhbh_v, eh_v, ce_v, eij_v, consig_v,
             zbuf, stats_v, acc_sh, sem):
    c = lax.axis_index("c")
    s = lax.axis_index("s")

    def _zb(i, carry):
        for k in range(D // 16):
            zbuf[i, pl.ds(k * 16, 16)] = jnp.zeros((16,), F32)
        return carry
    lax.fori_loop(0, ZROWS, _zb, 0)
    for j in range(ZREP):
        r0 = s * (ZREP * ZROWS) + j * ZROWS
        pltpu.sync_copy(zbuf, acc_sh.at[pl.ds(r0, ZROWS)])

    @pl.when(s == 0)
    def _():
        pltpu.sync_copy(zbuf.at[pl.ds(0, TAILN)], acc_sh.at[pl.ds(TAIL0, TAILN)])

    plsc.subcore_barrier()

    def chunk_body(i, carry):
        cid = s + i * NS
        base = cid * CHUNK
        pltpu.sync_copy(src_hbm.at[pl.ds(base, CHUNK)], src_v)
        pltpu.sync_copy(dst_hbm.at[pl.ds(base, CHUNK)], dst_v)

        d2 = pltpu.async_copy(eh_t.at[dst_v], eh_v, sem)

        @pl.when(c == 0)
        def _():
            d1 = pltpu.async_copy(dhbh_lo.at[src_v], dhbh_v, sem)
            d3 = pltpu.async_copy(ce_lo.at[pl.ds(base, CHUNK)], ce_v, sem)
            d1.wait(); d3.wait()

        @pl.when(c == 1)
        def _():
            d1 = pltpu.async_copy(dhbh_hi.at[src_v], dhbh_v, sem)
            d3 = pltpu.async_copy(ce_hi.at[pl.ds(base, CHUNK)], ce_v, sem)
            d1.wait(); d3.wait()

        d2.wait()

        def edge_body(ei, cc):
            accs = list(cc)
            for k in range(H // 16):
                sl = pl.ds(k * 16, 16)
                ehk = jnp.where(c == 0,
                                eh_v[ei, pl.ds(k * 16, 16)],
                                eh_v[ei, pl.ds(H + k * 16, 16)])
                x = ce_v[ei, sl] + dhbh_v[ei, sl] + ehk
                eij_v[ei, sl] = x
                sg = 1.0 / (1.0 + jnp.exp(-x))
                consig_v[ei, pl.ds(H + k * 16, 16)] = sg
                consig_v[ei, sl] = sg * dhbh_v[ei, pl.ds(H + k * 16, 16)]
                accs[k] = accs[k] + x
                accs[4 + k] = accs[4 + k] + x * x
            return tuple(accs)

        cc = lax.fori_loop(0, CHUNK, edge_body, carry)

        @pl.when(c == 0)
        def _():
            pltpu.sync_copy(eij_v, eij_lo.at[pl.ds(base, CHUNK)])

        @pl.when(c == 1)
        def _():
            pltpu.sync_copy(eij_v, eij_hi.at[pl.ds(base, CHUNK)])

        pltpu.sync_copy(consig_v, acc_sh.at[dst_v], add=True)
        return cc

    nch = BASE_CH + (s < EXTRA_CH).astype(jnp.int32)
    carry0 = tuple(jnp.zeros((16,), F32) for _ in range(8))
    carry = lax.fori_loop(0, nch, chunk_body, carry0)

    for k in range(H // 16):
        stats_v[0, pl.ds(k * 16, 16)] = carry[k]
        stats_v[1, pl.ds(k * 16, 16)] = carry[4 + k]
    pltpu.sync_copy(stats_v, stats.at[c, s])

    plsc.subcore_barrier()

    @pl.when(c == 0)
    def _():
        for j in range(ZREP):
            r0 = s * (ZREP * ZROWS) + j * ZROWS
            pltpu.sync_copy(acc_sh.at[pl.ds(r0, ZROWS)], acc0.at[pl.ds(r0, ZROWS)])

        @pl.when(s == 0)
        def _():
            pltpu.sync_copy(acc_sh.at[pl.ds(TAIL0, TAILN)], acc0.at[pl.ds(TAIL0, TAILN)])

    @pl.when(c == 1)
    def _():
        for j in range(ZREP):
            r0 = s * (ZREP * ZROWS) + j * ZROWS
            pltpu.sync_copy(acc_sh.at[pl.ds(r0, ZROWS)], acc1.at[pl.ds(r0, ZROWS)])

        @pl.when(s == 0)
        def _():
            pltpu.sync_copy(acc_sh.at[pl.ds(TAIL0, TAILN)], acc1.at[pl.ds(TAIL0, TAILN)])


def _run_sc(src, dst, dhbh_lo, dhbh_hi, eh_t, ce_lo, ce_hi):
    mesh = plsc.VectorSubcoreMesh(core_axis_name="c", subcore_axis_name="s",
                                  num_cores=NC, num_subcores=NS)
    fn = pl.kernel(
        _sc_body,
        out_type=[jax.ShapeDtypeStruct((E, H), F32),
                  jax.ShapeDtypeStruct((E, H), F32),
                  jax.ShapeDtypeStruct((N, D), F32),
                  jax.ShapeDtypeStruct((N, D), F32),
                  jax.ShapeDtypeStruct((NC, NS, 2, H), F32)],
        mesh=mesh,
        scratch_types=[pltpu.VMEM((CHUNK,), jnp.int32),
                       pltpu.VMEM((CHUNK,), jnp.int32),
                       pltpu.VMEM((CHUNK, D), F32),
                       pltpu.VMEM((CHUNK, D), F32),
                       pltpu.VMEM((CHUNK, H), F32),
                       pltpu.VMEM((CHUNK, H), F32),
                       pltpu.VMEM((CHUNK, D), F32),
                       pltpu.VMEM((ZROWS, D), F32),
                       pltpu.VMEM((2, H), F32),
                       pltpu.VMEM_SHARED((N, D), F32),
                       pltpu.SemaphoreType.DMA],
    )
    return fn(src, dst, dhbh_lo, dhbh_hi, eh_t, ce_lo, ce_hi)



def _fin_body(ah, a0, a1, st, gh, bh_, ge, be,
              hout, esc, esh):
    for hx, aref in enumerate((a0, a1)):
        sl = slice(hx * H, (hx + 1) * H)
        hn = ah[:, sl] + aref[:, :H] / (aref[:, H:] + 1e-6)
        mu = jnp.mean(hn, axis=0, keepdims=True)
        xc = hn - mu
        var = jnp.mean(xc * xc, axis=0, keepdims=True)
        y = gh[hx:hx + 1, :] * xc / jnp.sqrt(var + 1e-5) + bh_[hx:hx + 1, :]
        hout[:, sl] = jnp.maximum(y, 0.0)
    ssum = jnp.sum(st[...], axis=1)
    mu_e = ssum[:, 0, :] / E
    var_e = ssum[:, 1, :] / E - mu_e * mu_e
    scl = ge[...] / jnp.sqrt(var_e + 1e-5)
    esc[...] = scl
    esh[...] = be[...] - mu_e * scl


def _run_fin(ah, a0, a1, st, gh, bh_, ge, be):
    return pl.pallas_call(
        _fin_body,
        out_shape=[jax.ShapeDtypeStruct((N, D), F32),
                   jax.ShapeDtypeStruct((NC, H), F32),
                   jax.ShapeDtypeStruct((NC, H), F32)],
    )(ah, a0, a1, st, gh, bh_, ge, be)



def _eout_body(lo, hi, esc, esh, out):
    out[:, :H] = jnp.maximum(lo[...] * esc[0:1, :] + esh[0:1, :], 0.0)
    out[:, H:] = jnp.maximum(hi[...] * esc[1:2, :] + esh[1:2, :], 0.0)


def _run_eout(eij_lo, eij_hi, esc, esh):
    nb = 160
    rb = E // nb
    sspec = pl.BlockSpec((NC, H), lambda i: (0, 0))
    return pl.pallas_call(
        _eout_body,
        grid=(nb,),
        in_specs=[pl.BlockSpec((rb, H), lambda i: (i, 0)),
                  pl.BlockSpec((rb, H), lambda i: (i, 0)),
                  sspec, sspec],
        out_specs=pl.BlockSpec((rb, D), lambda i: (i, 0)),
        out_shape=jax.ShapeDtypeStruct((E, D), F32),
    )(eij_lo, eij_hi, esc, esh)



@jax.jit
def kernel(h, e, edge_index, A_w, A_b, B_w, B_b, C_w, C_b, D_w, D_b, E_w, E_b,
           bn_h_gamma, bn_h_beta, bn_e_gamma, bn_e_beta):
    src = edge_index[0]
    dst = edge_index[1]
    ah, dhbh_lo, dhbh_hi, eh_t = _run_proj(
        h, A_w, A_b.reshape(1, D), B_w, B_b.reshape(1, D),
        D_w, D_b.reshape(1, D), E_w, E_b.reshape(1, D))
    ce_lo, ce_hi = _run_ce(e, C_w, C_b.reshape(1, D))
    eij_lo, eij_hi, acc0, acc1, stats = _run_sc(
        src, dst, dhbh_lo, dhbh_hi, eh_t, ce_lo, ce_hi)
    h_out, esc, esh = _run_fin(
        ah, acc0, acc1, stats,
        bn_h_gamma.reshape(NC, H), bn_h_beta.reshape(NC, H),
        bn_e_gamma.reshape(NC, H), bn_e_beta.reshape(NC, H))
    e_out = _run_eout(eij_lo, eij_hi, esc, esh)
    return (h_out, e_out)

# --- scband reference (transcript-rebuilt; emitter-appended) ---
"""Pipeline reference for scband-gated-gcnlayer-64441689309912 (READ-ONLY COPY).

The authoritative reference and input builder live on the scoring server;
editing this copy changes nothing except your own understanding.
"""

import jax, jax.numpy as jnp
import numpy as np

N_NODES = 10000
N_EDGES = 320000
D = 128


def _linear(x, W, b):
    return x @ W.T + b


def _batchnorm(x, gamma, beta, eps=1e-5):
    mu = jnp.mean(x, axis=0)
    var = jnp.var(x, axis=0)
    return gamma * (x - mu) / jnp.sqrt(var + eps) + beta


def setup_inputs(seed: int = 0) -> dict:
    key = jax.random.key(seed)
    ks = jax.random.split(key, 20)
    h = jax.random.normal(ks[0], (N_NODES, D), dtype=jnp.float32)
    e = jax.random.normal(ks[1], (N_EDGES, D), dtype=jnp.float32)
    edge_index = jax.random.randint(ks[2], (2, N_EDGES), 0, N_NODES, dtype=jnp.int32)
    inp = {"h": h, "e": e, "edge_index": edge_index}
    for i, name in enumerate(["A", "B", "C", "D", "E"]):
        inp[name + "_w"] = jax.random.normal(ks[3 + i], (D, D), dtype=jnp.float32) * 0.05
        inp[name + "_b"] = jnp.zeros((D,), dtype=jnp.float32)
    inp["bn_h_gamma"] = jnp.ones((D,), dtype=jnp.float32)
    inp["bn_h_beta"] = jnp.zeros((D,), dtype=jnp.float32)
    inp["bn_e_gamma"] = jnp.ones((D,), dtype=jnp.float32)
    inp["bn_e_beta"] = jnp.zeros((D,), dtype=jnp.float32)
    return inp


def reference(h, e, edge_index, A_w, A_b, B_w, B_b, C_w, C_b, D_w, D_b, E_w, E_b,
              bn_h_gamma, bn_h_beta, bn_e_gamma, bn_e_beta):
    src = edge_index[0]
    dst = edge_index[1]
    Ah = _linear(h, A_w, A_b)
    Bh = _linear(h, B_w, B_b)
    Dh = _linear(h, D_w, D_b)
    Eh = _linear(h, E_w, E_b)
    Ce = _linear(e, C_w, C_b)
    # message: e_ij = Ce + Dh[src] + Eh[dst]
    e_ij = Ce + jnp.take(Dh, src, axis=0) + jnp.take(Eh, dst, axis=0)
    sigma = jax.nn.sigmoid(e_ij)
    # reduce: gated mean aggregation over incoming edges (grouped by dst)
    num = jax.ops.segment_sum(sigma * jnp.take(Bh, src, axis=0), dst, num_segments=N_NODES)
    den = jax.ops.segment_sum(sigma, dst, num_segments=N_NODES)
    h_new = Ah + num / (den + 1e-6)
    h_out = jax.nn.relu(_batchnorm(h_new, bn_h_gamma, bn_h_beta))
    e_out = jax.nn.relu(_batchnorm(e_ij, bn_e_gamma, bn_e_beta))
    return (h_out, e_out)

if __name__ == "__main__":
    import jax
    _d = setup_inputs()
    print(jax.jit(kernel)(*tuple(_d.values())))

</pallas_src>

<mosaic_0001>
#map = affine_map<(d0, d1) -> (0)>
#map1 = affine_map<(d0, d1) -> (0, 0)>
#map2 = affine_map<(d0, d1) -> (0, 0, 0, 0)>
module attributes {stable_mosaic.version = 14 : i64} {
  func.func @_sc_body(%arg0: i32, %arg1: i32, %arg2: memref<320000xi32, #tpu.memory_space<hbm>>, %arg3: memref<320000xi32, #tpu.memory_space<hbm>>, %arg4: memref<10000x128xf32, #tpu.memory_space<hbm>>, %arg5: memref<10000x128xf32, #tpu.memory_space<hbm>>, %arg6: memref<10000x128xf32, #tpu.memory_space<hbm>>, %arg7: memref<320000x64xf32, #tpu.memory_space<hbm>>, %arg8: memref<320000x64xf32, #tpu.memory_space<hbm>>, %arg9: memref<320000x64xf32, #tpu.memory_space<hbm>>, %arg10: memref<320000x64xf32, #tpu.memory_space<hbm>>, %arg11: memref<10000x128xf32, #tpu.memory_space<hbm>>, %arg12: memref<10000x128xf32, #tpu.memory_space<hbm>>, %arg13: memref<2x16x2x64xf32, #tpu.memory_space<hbm>>, %arg14: memref<64xi32, #tpu.memory_space<vmem>>, %arg15: memref<64xi32, #tpu.memory_space<vmem>>, %arg16: memref<64x128xf32, #tpu.memory_space<vmem>>, %arg17: memref<64x128xf32, #tpu.memory_space<vmem>>, %arg18: memref<64x64xf32, #tpu.memory_space<vmem>>, %arg19: memref<64x64xf32, #tpu.memory_space<vmem>>, %arg20: memref<64x128xf32, #tpu.memory_space<vmem>>, %arg21: memref<48x128xf32, #tpu.memory_space<vmem>>, %arg22: memref<2x64xf32, #tpu.memory_space<vmem>>, %arg23: memref<10000x128xf32, #tpu.memory_space<vmem_shared>>, %arg24: memref<!tpu.dma_semaphore, #tpu.memory_space<semaphore_mem>>) attributes {dimension_semantics = [#tpu.dimension_semantics<core_parallel>, #tpu.dimension_semantics<subcore_parallel>], iteration_bounds = array<i64: 2, 16>, scalar_prefetch = 0 : i64, scratch_operands = 11 : i64, tpu.core_type = #tpu.core_type<sc_vector_subcore>, window_params = [{transform_indices = #map}, {transform_indices = #map}, {transform_indices = #map1}, {transform_indices = #map1}, {transform_indices = #map1}, {transform_indices = #map1}, {transform_indices = #map1}, {transform_indices = #map1}, {transform_indices = #map1}, {transform_indices = #map1}, {transform_indices = #map1}, {transform_indices = #map2}]} {
    %scan3A = arith.constant 0 : i32
    %scan3A_0 = arith.constant 0 : i32
    %scan3A_1 = arith.constant 48 : i32
    %scan3A_2 = arith.addi %scan3A_0, %scan3A_1 : i32
    %scan3A_3 = arith.constant 1 : i32
    scf.for %scan3A_144 = %scan3A_0 to %scan3A_2 step %scan3A_3  : i32 {
      %broadcast_in_dim3A_145 = arith.constant 0.000000e+00 : f32
      %broadcast_in_dim3A_146 = vector.broadcast %broadcast_in_dim3A_145 : f32 to vector<16xf32>
      %swap3A_147 = arith.index_cast %scan3A_144 : i32 to index
      %swap3A_148 = arith.constant 0 : index
      %swap3A_149 = tpu.vector_load %arg21[%swap3A_147, %swap3A_148] {strides = array<i32>} : memref<48x128xf32, #tpu.memory_space<vmem>>, vector<1x16xf32>,
      %swap3A_150 = vector.shape_cast %swap3A_149 : vector<1x16xf32> to vector<16xf32>
      %swap3A_151 = vector.shape_cast %broadcast_in_dim3A_146 : vector<16xf32> to vector<1x16xf32>
      tpu.vector_store %arg21[%swap3A_147, %swap3A_148], %swap3A_151 {strides = array<i32>} : memref<48x128xf32, #tpu.memory_space<vmem>>, vector<1x16xf32>,
      %broadcast_in_dim3A_152 = arith.constant 0.000000e+00 : f32
      %broadcast_in_dim3A_153 = vector.broadcast %broadcast_in_dim3A_152 : f32 to vector<16xf32>
      %swap3A_154 = arith.index_cast %scan3A_144 : i32 to index
      %swap3A_155 = arith.constant 16 : index
      %swap3A_156 = tpu.vector_load %arg21[%swap3A_154, %swap3A_155] {strides = array<i32>} : memref<48x128xf32, #tpu.memory_space<vmem>>, vector<1x16xf32>,
      %swap3A_157 = vector.shape_cast %swap3A_156 : vector<1x16xf32> to vector<16xf32>
      %swap3A_158 = vector.shape_cast %broadcast_in_dim3A_153 : vector<16xf32> to vector<1x16xf32>
      tpu.vector_store %arg21[%swap3A_154, %swap3A_155], %swap3A_158 {strides = array<i32>} : memref<48x128xf32, #tpu.memory_space<vmem>>, vector<1x16xf32>,
      %broadcast_in_dim3A_159 = arith.constant 0.000000e+00 : f32
      %broadcast_in_dim3A_160 = vector.broadcast %broadcast_in_dim3A_159 : f32 to vector<16xf32>
      %swap3A_161 = arith.index_cast %scan3A_144 : i32 to index
      %swap3A_162 = arith.constant 32 : index
      %swap3A_163 = tpu.vector_load %arg21[%swap3A_161, %swap3A_162] {strides = array<i32>} : memref<48x128xf32, #tpu.memory_space<vmem>>, vector<1x16xf32>,
      %swap3A_164 = vector.shape_cast %swap3A_163 : vector<1x16xf32> to vector<16xf32>
      %swap3A_165 = vector.shape_cast %broadcast_in_dim3A_160 : vector<16xf32> to vector<1x16xf32>
      tpu.vector_store %arg21[%swap3A_161, %swap3A_162], %swap3A_165 {strides = array<i32>} : memref<48x128xf32, #tpu.memory_space<vmem>>, vector<1x16xf32>,
      %broadcast_in_dim3A_166 = arith.constant 0.000000e+00 : f32
      %broadcast_in_dim3A_167 = vector.broadcast %broadcast_in_dim3A_166 : f32 to vector<16xf32>
      %swap3A_168 = arith.index_cast %scan3A_144 : i32 to index
      %swap3A_169 = arith.constant 48 : index
      %swap3A_170 = tpu.vector_load %arg21[%swap3A_168, %swap3A_169] {strides = array<i32>} : memref<48x128xf32, #tpu.memory_space<vmem>>, vector<1x16xf32>,
      %swap3A_171 = vector.shape_cast %swap3A_170 : vector<1x16xf32> to vector<16xf32>
      %swap3A_172 = vector.shape_cast %broadcast_in_dim3A_167 : vector<16xf32> to vector<1x16xf32>
      tpu.vector_store %arg21[%swap3A_168, %swap3A_169], %swap3A_172 {strides = array<i32>} : memref<48x128xf32, #tpu.memory_space<vmem>>, vector<1x16xf32>,
      %broadcast_in_dim3A_173 = arith.constant 0.000000e+00 : f32
      %broadcast_in_dim3A_174 = vector.broadcast %broadcast_in_dim3A_173 : f32 to vector<16xf32>
      %swap3A_175 = arith.index_cast %scan3A_144 : i32 to index
      %swap3A_176 = arith.constant 64 : index
      %swap3A_177 = tpu.vector_load %arg21[%swap3A_175, %swap3A_176] {strides = array<i32>} : memref<48x128xf32, #tpu.memory_space<vmem>>, vector<1x16xf32>,
      %swap3A_178 = vector.shape_cast %swap3A_177 : vector<1x16xf32> to vector<16xf32>
      %swap3A_179 = vector.shape_cast %broadcast_in_dim3A_174 : vector<16xf32> to vector<1x16xf32>
      tpu.vector_store %arg21[%swap3A_175, %swap3A_176], %swap3A_179 {strides = array<i32>} : memref<48x128xf32, #tpu.memory_space<vmem>>, vector<1x16xf32>,
      %broadcast_in_dim3A_180 = arith.constant 0.000000e+00 : f32
      %broadcast_in_dim3A_181 = vector.broadcast %broadcast_in_dim3A_180 : f32 to vector<16xf32>
      %swap3A_182 = arith.index_cast %scan3A_144 : i32 to index
      %swap3A_183 = arith.constant 80 : index
      %swap3A_184 = tpu.vector_load %arg21[%swap3A_182, %swap3A_183] {strides = array<i32>} : memref<48x128xf32, #tpu.memory_space<vmem>>, vector<1x16xf32>,
      %swap3A_185 = vector.shape_cast %swap3A_184 : vector<1x16xf32> to vector<16xf32>
      %swap3A_186 = vector.shape_cast %broadcast_in_dim3A_181 : vector<16xf32> to vector<1x16xf32>
      tpu.vector_store %arg21[%swap3A_182, %swap3A_183], %swap3A_186 {strides = array<i32>} : memref<48x128xf32, #tpu.memory_space<vmem>>, vector<1x16xf32>,
      %broadcast_in_dim3A_187 = arith.constant 0.000000e+00 : f32
      %broadcast_in_dim3A_188 = vector.broadcast %broadcast_in_dim3A_187 : f32 to vector<16xf32>
      %swap3A_189 = arith.index_cast %scan3A_144 : i32 to index
      %swap3A_190 = arith.constant 96 : index
      %swap3A_191 = tpu.vector_load %arg21[%swap3A_189, %swap3A_190] {strides = array<i32>} : memref<48x128xf32, #tpu.memory_space<vmem>>, vector<1x16xf32>,
      %swap3A_192 = vector.shape_cast %swap3A_191 : vector<1x16xf32> to vector<16xf32>
      %swap3A_193 = vector.shape_cast %broadcast_in_dim3A_188 : vector<16xf32> to vector<1x16xf32>
      tpu.vector_store %arg21[%swap3A_189, %swap3A_190], %swap3A_193 {strides = array<i32>} : memref<48x128xf32, #tpu.memory_space<vmem>>, vector<1x16xf32>,
      %broadcast_in_dim3A_194 = arith.constant 0.000000e+00 : f32
      %broadcast_in_dim3A_195 = vector.broadcast %broadcast_in_dim3A_194 : f32 to vector<16xf32>
      %swap3A_196 = arith.index_cast %scan3A_144 : i32 to index
      %swap3A_197 = arith.constant 112 : index
      %swap3A_198 = tpu.vector_load %arg21[%swap3A_196, %swap3A_197] {strides = array<i32>} : memref<48x128xf32, #tpu.memory_space<vmem>>, vector<1x16xf32>,
      %swap3A_199 = vector.shape_cast %swap3A_198 : vector<1x16xf32> to vector<16xf32>
      %swap3A_200 = vector.shape_cast %broadcast_in_dim3A_195 : vector<16xf32> to vector<1x16xf32>
      tpu.vector_store %arg21[%swap3A_196, %swap3A_197], %swap3A_200 {strides = array<i32>} : memref<48x128xf32, #tpu.memory_space<vmem>>, vector<1x16xf32>,
    }
    %scan3A_4 = arith.constant 48 : i32
    %mul3A = arith.constant 624 : i32
    %mul3A_5 = arith.muli %arg1, %mul3A : i32
    %add3A = arith.constant 0 : i32
    %add3A_6 = arith.addi %mul3A_5, %add3A : i32
    "tpu.region"() ({
      %run_scoped3A = tpu.sem_alloc : memref<!tpu.dma_semaphore, #tpu.memory_space<semaphore_mem>>
      %dma_start3A = arith.constant 0 : i32
      %dma_start3A_144 = tpu.memref_slice %arg23[%add3A_6, %dma_start3A] : memref<10000x128xf32, #tpu.memory_space<vmem_shared>> -> memref<48x128xf32, #tpu.memory_space<vmem_shared>>
      %dma_start3A_145 = arith.constant 0 : i32
      %dma_start3A_146 = tpu.memref_slice %arg23[%add3A_6, %dma_start3A_145] : memref<10000x128xf32, #tpu.memory_space<vmem_shared>> -> memref<48x128xf32, #tpu.memory_space<vmem_shared>>
      tpu.enqueue_dma source(%arg21 : memref<48x128xf32, #tpu.memory_space<vmem>>) target(%dma_start3A_146 : memref<48x128xf32, #tpu.memory_space<vmem_shared>>) target_semaphore(%run_scoped3A : memref<!tpu.dma_semaphore, #tpu.memory_space<semaphore_mem>>)
      %dma_wait3A = arith.constant 0 : i32
      %dma_wait3A_147 = tpu.memref_slice %arg23[%add3A_6, %dma_wait3A] : memref<10000x128xf32, #tpu.memory_space<vmem_shared>> -> memref<48x128xf32, #tpu.memory_space<vmem_shared>>
      %dma_wait3A_148 = arith.constant 0 : i32
      %dma_wait3A_149 = tpu.memref_slice %arg23[%add3A_6, %dma_wait3A_148] : memref<10000x128xf32, #tpu.memory_space<vmem_shared>> -> memref<48x128xf32, #tpu.memory_space<vmem_shared>>
      tpu.wait_dma2 semaphore(%run_scoped3A : memref<!tpu.dma_semaphore, #tpu.memory_space<semaphore_mem>>) src(%arg21 : memref<48x128xf32, #tpu.memory_space<vmem>>) dst(%dma_wait3A_149 : memref<48x128xf32, #tpu.memory_space<vmem_shared>>)
      tpu.yield
    }) : () -> ()
    %mul3A_7 = arith.constant 624 : i32
    %mul3A_8 = arith.muli %arg1, %mul3A_7 : i32
    %add3A_9 = arith.constant 48 : i32
    %add3A_10 = arith.addi %mul3A_8, %add3A_9 : i32
    "tpu.region"() ({
      %run_scoped3A = tpu.sem_alloc : memref<!tpu.dma_semaphore, #tpu.memory_space<semaphore_mem>>
      %dma_start3A = arith.constant 0 : i32
      %dma_start3A_144 = tpu.memref_slice %arg23[%add3A_10, %dma_start3A] : memref<10000x128xf32, #tpu.memory_space<vmem_shared>> -> memref<48x128xf32, #tpu.memory_space<vmem_shared>>
      %dma_start3A_145 = arith.constant 0 : i32
      %dma_start3A_146 = tpu.memref_slice %arg23[%add3A_10, %dma_start3A_145] : memref<10000x128xf32, #tpu.memory_space<vmem_shared>> -> memref<48x128xf32, #tpu.memory_space<vmem_shared>>
      tpu.enqueue_dma source(%arg21 : memref<48x128xf32, #tpu.memory_space<vmem>>) target(%dma_start3A_146 : memref<48x128xf32, #tpu.memory_space<vmem_shared>>) target_semaphore(%run_scoped3A : memref<!tpu.dma_semaphore, #tpu.memory_space<semaphore_mem>>)
      %dma_wait3A = arith.constant 0 : i32
      %dma_wait3A_147 = tpu.memref_slice %arg23[%add3A_10, %dma_wait3A] : memref<10000x128xf32, #tpu.memory_space<vmem_shared>> -> memref<48x128xf32, #tpu.memory_space<vmem_shared>>
      %dma_wait3A_148 = arith.constant 0 : i32
      %dma_wait3A_149 = tpu.memref_slice %arg23[%add3A_10, %dma_wait3A_148] : memref<10000x128xf32, #tpu.memory_space<vmem_shared>> -> memref<48x128xf32, #tpu.memory_space<vmem_shared>>
      tpu.wait_dma2 semaphore(%run_scoped3A : memref<!tpu.dma_semaphore, #tpu.memory_space<semaphore_mem>>) src(%arg21 : memref<48x128xf32, #tpu.memory_space<vmem>>) dst(%dma_wait3A_149 : memref<48x128xf32, #tpu.memory_space<vmem_shared>>)
      tpu.yield
    }) : () -> ()
    %mul3A_11 = arith.constant 624 : i32
    %mul3A_12 = arith.muli %arg1, %mul3A_11 : i32
    %add3A_13 = arith.constant 96 : i32
    %add3A_14 = arith.addi %mul3A_12, %add3A_13 : i32
    "tpu.region"() ({
      %run_scoped3A = tpu.sem_alloc : memref<!tpu.dma_semaphore, #tpu.memory_space<semaphore_mem>>
      %dma_start3A = arith.constant 0 : i32
      %dma_start3A_144 = tpu.memref_slice %arg23[%add3A_14, %dma_start3A] : memref<10000x128xf32, #tpu.memory_space<vmem_shared>> -> memref<48x128xf32, #tpu.memory_space<vmem_shared>>
      %dma_start3A_145 = arith.constant 0 : i32
      %dma_start3A_146 = tpu.memref_slice %arg23[%add3A_14, %dma_start3A_145] : memref<10000x128xf32, #tpu.memory_space<vmem_shared>> -> memref<48x128xf32, #tpu.memory_space<vmem_shared>>
      tpu.enqueue_dma source(%arg21 : memref<48x128xf32, #tpu.memory_space<vmem>>) target(%dma_start3A_146 : memref<48x128xf32, #tpu.memory_space<vmem_shared>>) target_semaphore(%run_scoped3A : memref<!tpu.dma_semaphore, #tpu.memory_space<semaphore_mem>>)
      %dma_wait3A = arith.constant 0 : i32
      %dma_wait3A_147 = tpu.memref_slice %arg23[%add3A_14, %dma_wait3A] : memref<10000x128xf32, #tpu.memory_space<vmem_shared>> -> memref<48x128xf32, #tpu.memory_space<vmem_shared>>
      %dma_wait3A_148 = arith.constant 0 : i32
      %dma_wait3A_149 = tpu.memref_slice %arg23[%add3A_14, %dma_wait3A_148] : memref<10000x128xf32, #tpu.memory_space<vmem_shared>> -> memref<48x128xf32, #tpu.memory_space<vmem_shared>>
      tpu.wait_dma2 semaphore(%run_scoped3A : memref<!tpu.dma_semaphore, #tpu.memory_space<semaphore_mem>>) src(%arg21 : memref<48x128xf32, #tpu.memory_space<vmem>>) dst(%dma_wait3A_149 : memref<48x128xf32, #tpu.memory_space<vmem_shared>>)
      tpu.yield
    }) : () -> ()
    %mul3A_15 = arith.constant 624 : i32
    %mul3A_16 = arith.muli %arg1, %mul3A_15 : i32
    %add3A_17 = arith.constant 144 : i32
    %add3A_18 = arith.addi %mul3A_16, %add3A_17 : i32
    "tpu.region"() ({
      %run_scoped3A = tpu.sem_alloc : memref<!tpu.dma_semaphore, #tpu.memory_space<semaphore_mem>>
      %dma_start3A = arith.constant 0 : i32
      %dma_start3A_144 = tpu.memref_slice %arg23[%add3A_18, %dma_start3A] : memref<10000x128xf32, #tpu.memory_space<vmem_shared>> -> memref<48x128xf32, #tpu.memory_space<vmem_shared>>
      %dma_start3A_145 = arith.constant 0 : i32
      %dma_start3A_146 = tpu.memref_slice %arg23[%add3A_18, %dma_start3A_145] : memref<10000x128xf32, #tpu.memory_space<vmem_shared>> -> memref<48x128xf32, #tpu.memory_space<vmem_shared>>
      tpu.enqueue_dma source(%arg21 : memref<48x128xf32, #tpu.memory_space<vmem>>) target(%dma_start3A_146 : memref<48x128xf32, #tpu.memory_space<vmem_shared>>) target_semaphore(%run_scoped3A : memref<!tpu.dma_semaphore, #tpu.memory_space<semaphore_mem>>)
      %dma_wait3A = arith.constant 0 : i32
      %dma_wait3A_147 = tpu.memref_slice %arg23[%add3A_18, %dma_wait3A] : memref<10000x128xf32, #tpu.memory_space<vmem_shared>> -> memref<48x128xf32, #tpu.memory_space<vmem_shared>>
      %dma_wait3A_148 = arith.constant 0 : i32
      %dma_wait3A_149 = tpu.memref_slice %arg23[%add3A_18, %dma_wait3A_148] : memref<10000x128xf32, #tpu.memory_space<vmem_shared>> -> memref<48x128xf32, #tpu.memory_space<vmem_shared>>
      tpu.wait_dma2 semaphore(%run_scoped3A : memref<!tpu.dma_semaphore, #tpu.memory_space<semaphore_mem>>) src(%arg21 : memref<48x128xf32, #tpu.memory_space<vmem>>) dst(%dma_wait3A_149 : memref<48x128xf32, #tpu.memory_space<vmem_shared>>)
      tpu.yield
    }) : () -> ()
    %mul3A_19 = arith.constant 624 : i32
    %mul3A_20 = arith.muli %arg1, %mul3A_19 : i32
    %add3A_21 = arith.constant 192 : i32
    %add3A_22 = arith.addi %mul3A_20, %add3A_21 : i32
    "tpu.region"() ({
      %run_scoped3A = tpu.sem_alloc : memref<!tpu.dma_semaphore, #tpu.memory_space<semaphore_mem>>
      %dma_start3A = arith.constant 0 : i32
      %dma_start3A_144 = tpu.memref_slice %arg23[%add3A_22, %dma_start3A] : memref<10000x128xf32, #tpu.memory_space<vmem_shared>> -> memref<48x128xf32, #tpu.memory_space<vmem_shared>>
      %dma_start3A_145 = arith.constant 0 : i32
      %dma_start3A_146 = tpu.memref_slice %arg23[%add3A_22, %dma_start3A_145] : memref<10000x128xf32, #tpu.memory_space<vmem_shared>> -> memref<48x128xf32, #tpu.memory_space<vmem_shared>>
      tpu.enqueue_dma source(%arg21 : memref<48x128xf32, #tpu.memory_space<vmem>>) target(%dma_start3A_146 : memref<48x128xf32, #tpu.memory_space<vmem_shared>>) target_semaphore(%run_scoped3A : memref<!tpu.dma_semaphore, #tpu.memory_space<semaphore_mem>>)
      %dma_wait3A = arith.constant 0 : i32
      %dma_wait3A_147 = tpu.memref_slice %arg23[%add3A_22, %dma_wait3A] : memref<10000x128xf32, #tpu.memory_space<vmem_shared>> -> memref<48x128xf32, #tpu.memory_space<vmem_shared>>
      %dma_wait3A_148 = arith.constant 0 : i32
      %dma_wait3A_149 = tpu.memref_slice %arg23[%add3A_22, %dma_wait3A_148] : memref<10000x128xf32, #tpu.memory_space<vmem_shared>> -> memref<48x128xf32, #tpu.memory_space<vmem_shared>>
      tpu.wait_dma2 semaphore(%run_scoped3A : memref<!tpu.dma_semaphore, #tpu.memory_space<semaphore_mem>>) src(%arg21 : memref<48x128xf32, #tpu.memory_space<vmem>>) dst(%dma_wait3A_149 : memref<48x128xf32, #tpu.memory_space<vmem_shared>>)
      tpu.yield
    }) : () -> ()
    %mul3A_23 = arith.constant 624 : i32
    %mul3A_24 = arith.muli %arg1, %mul3A_23 : i32
    %add3A_25 = arith.constant 240 : i32
    %add3A_26 = arith.addi %mul3A_24, %add3A_25 : i32
    "tpu.region"() ({
      %run_scoped3A = tpu.sem_alloc : memref<!tpu.dma_semaphore, #tpu.memory_space<semaphore_mem>>
      %dma_start3A = arith.constant 0 : i32
      %dma_start3A_144 = tpu.memref_slice %arg23[%add3A_26, %dma_start3A] : memref<10000x128xf32, #tpu.memory_space<vmem_shared>> -> memref<48x128xf32, #tpu.memory_space<vmem_shared>>
      %dma_start3A_145 = arith.constant 0 : i32
      %dma_start3A_146 = tpu.memref_slice %arg23[%add3A_26, %dma_start3A_145] : memref<10000x128xf32, #tpu.memory_space<vmem_shared>> -> memref<48x128xf32, #tpu.memory_space<vmem_shared>>
      tpu.enqueue_dma source(%arg21 : memref<48x128xf32, #tpu.memory_space<vmem>>) target(%dma_start3A_146 : memref<48x128xf32, #tpu.memory_space<vmem_shared>>) target_semaphore(%run_scoped3A : memref<!tpu.dma_semaphore, #tpu.memory_space<semaphore_mem>>)
      %dma_wait3A = arith.constant 0 : i32
      %dma_wait3A_147 = tpu.memref_slice %arg23[%add3A_26, %dma_wait3A] : memref<10000x128xf32, #tpu.memory_space<vmem_shared>> -> memref<48x128xf32, #tpu.memory_space<vmem_shared>>
      %dma_wait3A_148 = arith.constant 0 : i32
      %dma_wait3A_149 = tpu.memref_slice %arg23[%add3A_26, %dma_wait3A_148] : memref<10000x128xf32, #tpu.memory_space<vmem_shared>> -> memref<48x128xf32, #tpu.memory_space<vmem_shared>>
      tpu.wait_dma2 semaphore(%run_scoped3A : memref<!tpu.dma_semaphore, #tpu.memory_space<semaphore_mem>>) src(%arg21 : memref<48x128xf32, #tpu.memory_space<vmem>>) dst(%dma_wait3A_149 : memref<48x128xf32, #tpu.memory_space<vmem_shared>>)
      tpu.yield
    }) : () -> ()
    %mul3A_27 = arith.constant 624 : i32
    %mul3A_28 = arith.muli %arg1, %mul3A_27 : i32
    %add3A_29 = arith.constant 288 : i32
    %add3A_30 = arith.addi %mul3A_28, %add3A_29 : i32
    "tpu.region"() ({
      %run_scoped3A = tpu.sem_alloc : memref<!tpu.dma_semaphore, #tpu.memory_space<semaphore_mem>>
      %dma_start3A = arith.constant 0 : i32
      %dma_start3A_144 = tpu.memref_slice %arg23[%add3A_30, %dma_start3A] : memref<10000x128xf32, #tpu.memory_space<vmem_shared>> -> memref<48x128xf32, #tpu.memory_space<vmem_shared>>
      %dma_start3A_145 = arith.constant 0 : i32
      %dma_start3A_146 = tpu.memref_slice %arg23[%add3A_30, %dma_start3A_145] : memref<10000x128xf32, #tpu.memory_space<vmem_shared>> -> memref<48x128xf32, #tpu.memory_space<vmem_shared>>
      tpu.enqueue_dma source(%arg21 : memref<48x128xf32, #tpu.memory_space<vmem>>) target(%dma_start3A_146 : memref<48x128xf32, #tpu.memory_space<vmem_shared>>) target_semaphore(%run_scoped3A : memref<!tpu.dma_semaphore, #tpu.memory_space<semaphore_mem>>)
      %dma_wait3A = arith.constant 0 : i32
      %dma_wait3A_147 = tpu.memref_slice %arg23[%add3A_30, %dma_wait3A] : memref<10000x128xf32, #tpu.memory_space<vmem_shared>> -> memref<48x128xf32, #tpu.memory_space<vmem_shared>>
      %dma_wait3A_148 = arith.constant 0 : i32
      %dma_wait3A_149 = tpu.memref_slice %arg23[%add3A_30, %dma_wait3A_148] : memref<10000x128xf32, #tpu.memory_space<vmem_shared>> -> memref<48x128xf32, #tpu.memory_space<vmem_shared>>
      tpu.wait_dma2 semaphore(%run_scoped3A : memref<!tpu.dma_semaphore, #tpu.memory_space<semaphore_mem>>) src(%arg21 : memref<48x128xf32, #tpu.memory_space<vmem>>) dst(%dma_wait3A_149 : memref<48x128xf32, #tpu.memory_space<vmem_shared>>)
      tpu.yield
    }) : () -> ()
    %mul3A_31 = arith.constant 624 : i32
    %mul3A_32 = arith.muli %arg1, %mul3A_31 : i32
    %add3A_33 = arith.constant 336 : i32
    %add3A_34 = arith.addi %mul3A_32, %add3A_33 : i32
    "tpu.region"() ({
      %run_scoped3A = tpu.sem_alloc : memref<!tpu.dma_semaphore, #tpu.memory_space<semaphore_mem>>
      %dma_start3A = arith.constant 0 : i32
      %dma_start3A_144 = tpu.memref_slice %arg23[%add3A_34, %dma_start3A] : memref<10000x128xf32, #tpu.memory_space<vmem_shared>> -> memref<48x128xf32, #tpu.memory_space<vmem_shared>>
      %dma_start3A_145 = arith.constant 0 : i32
      %dma_start3A_146 = tpu.memref_slice %arg23[%add3A_34, %dma_start3A_145] : memref<10000x128xf32, #tpu.memory_space<vmem_shared>> -> memref<48x128xf32, #tpu.memory_space<vmem_shared>>
      tpu.enqueue_dma source(%arg21 : memref<48x128xf32, #tpu.memory_space<vmem>>) target(%dma_start3A_146 : memref<48x128xf32, #tpu.memory_space<vmem_shared>>) target_semaphore(%run_scoped3A : memref<!tpu.dma_semaphore, #tpu.memory_space<semaphore_mem>>)
      %dma_wait3A = arith.constant 0 : i32
      %dma_wait3A_147 = tpu.memref_slice %arg23[%add3A_34, %dma_wait3A] : memref<10000x128xf32, #tpu.memory_space<vmem_shared>> -> memref<48x128xf32, #tpu.memory_space<vmem_shared>>
      %dma_wait3A_148 = arith.constant 0 : i32
      %dma_wait3A_149 = tpu.memref_slice %arg23[%add3A_34, %dma_wait3A_148] : memref<10000x128xf32, #tpu.memory_space<vmem_shared>> -> memref<48x128xf32, #tpu.memory_space<vmem_shared>>
      tpu.wait_dma2 semaphore(%run_scoped3A : memref<!tpu.dma_semaphore, #tpu.memory_space<semaphore_mem>>) src(%arg21 : memref<48x128xf32, #tpu.memory_space<vmem>>) dst(%dma_wait3A_149 : memref<48x128xf32, #tpu.memory_space<vmem_shared>>)
      tpu.yield
    }) : () -> ()
    %mul3A_35 = arith.constant 624 : i32
    %mul3A_36 = arith.muli %arg1, %mul3A_35 : i32
    %add3A_37 = arith.constant 384 : i32
    %add3A_38 = arith.addi %mul3A_36, %add3A_37 : i32
    "tpu.region"() ({
      %run_scoped3A = tpu.sem_alloc : memref<!tpu.dma_semaphore, #tpu.memory_space<semaphore_mem>>
      %dma_start3A = arith.constant 0 : i32
      %dma_start3A_144 = tpu.memref_slice %arg23[%add3A_38, %dma_start3A] : memref<10000x128xf32, #tpu.memory_space<vmem_shared>> -> memref<48x128xf32, #tpu.memory_space<vmem_shared>>
      %dma_start3A_145 = arith.constant 0 : i32
      %dma_start3A_146 = tpu.memref_slice %arg23[%add3A_38, %dma_start3A_145] : memref<10000x128xf32, #tpu.memory_space<vmem_shared>> -> memref<48x128xf32, #tpu.memory_space<vmem_shared>>
      tpu.enqueue_dma source(%arg21 : memref<48x128xf32, #tpu.memory_space<vmem>>) target(%dma_start3A_146 : memref<48x128xf32, #tpu.memory_space<vmem_shared>>) target_semaphore(%run_scoped3A : memref<!tpu.dma_semaphore, #tpu.memory_space<semaphore_mem>>)
      %dma_wait3A = arith.constant 0 : i32
      %dma_wait3A_147 = tpu.memref_slice %arg23[%add3A_38, %dma_wait3A] : memref<10000x128xf32, #tpu.memory_space<vmem_shared>> -> memref<48x128xf32, #tpu.memory_space<vmem_shared>>
      %dma_wait3A_148 = arith.constant 0 : i32
      %dma_wait3A_149 = tpu.memref_slice %arg23[%add3A_38, %dma_wait3A_148] : memref<10000x128xf32, #tpu.memory_space<vmem_shared>> -> memref<48x128xf32, #tpu.memory_space<vmem_shared>>
      tpu.wait_dma2 semaphore(%run_scoped3A : memref<!tpu.dma_semaphore, #tpu.memory_space<semaphore_mem>>) src(%arg21 : memref<48x128xf32, #tpu.memory_space<vmem>>) dst(%dma_wait3A_149 : memref<48x128xf32, #tpu.memory_space<vmem_shared>>)
      tpu.yield
    }) : () -> ()
    %mul3A_39 = arith.constant 624 : i32
    %mul3A_40 = arith.muli %arg1, %mul3A_39 : i32
    %add3A_41 = arith.constant 432 : i32
    %add3A_42 = arith.addi %mul3A_40, %add3A_41 : i32
    "tpu.region"() ({
      %run_scoped3A = tpu.sem_alloc : memref<!tpu.dma_semaphore, #tpu.memory_space<semaphore_mem>>
      %dma_start3A = arith.constant 0 : i32
      %dma_start3A_144 = tpu.memref_slice %arg23[%add3A_42, %dma_start3A] : memref<10000x128xf32, #tpu.memory_space<vmem_shared>> -> memref<48x128xf32, #tpu.memory_space<vmem_shared>>
      %dma_start3A_145 = arith.constant 0 : i32
      %dma_start3A_146 = tpu.memref_slice %arg23[%add3A_42, %dma_start3A_145] : memref<10000x128xf32, #tpu.memory_space<vmem_shared>> -> memref<48x128xf32, #tpu.memory_space<vmem_shared>>
      tpu.enqueue_dma source(%arg21 : memref<48x128xf32, #tpu.memory_space<vmem>>) target(%dma_start3A_146 : memref<48x128xf32, #tpu.memory_space<vmem_shared>>) target_semaphore(%run_scoped3A : memref<!tpu.dma_semaphore, #tpu.memory_space<semaphore_mem>>)
      %dma_wait3A = arith.constant 0 : i32
      %dma_wait3A_147 = tpu.memref_slice %arg23[%add3A_42, %dma_wait3A] : memref<10000x128xf32, #tpu.memory_space<vmem_shared>> -> memref<48x128xf32, #tpu.memory_space<vmem_shared>>
      %dma_wait3A_148 = arith.constant 0 : i32
      %dma_wait3A_149 = tpu.memref_slice %arg23[%add3A_42, %dma_wait3A_148] : memref<10000x128xf32, #tpu.memory_space<vmem_shared>> -> memref<48x128xf32, #tpu.memory_space<vmem_shared>>
      tpu.wait_dma2 semaphore(%run_scoped3A : memref<!tpu.dma_semaphore, #tpu.memory_space<semaphore_mem>>) src(%arg21 : memref<48x128xf32, #tpu.memory_space<vmem>>) dst(%dma_wait3A_149 : memref<48x128xf32, #tpu.memory_space<vmem_shared>>)
      tpu.yield
    }) : () -> ()
    %mul3A_43 = arith.constant 624 : i32
    %mul3A_44 = arith.muli %arg1, %mul3A_43 : i32
    %add3A_45 = arith.constant 480 : i32
    %add3A_46 = arith.addi %mul3A_44, %add3A_45 : i32
    "tpu.region"() ({
      %run_scoped3A = tpu.sem_alloc : memref<!tpu.dma_semaphore, #tpu.memory_space<semaphore_mem>>
      %dma_start3A = arith.constant 0 : i32
      %dma_start3A_144 = tpu.memref_slice %arg23[%add3A_46, %dma_start3A] : memref<10000x128xf32, #tpu.memory_space<vmem_shared>> -> memref<48x128xf32, #tpu.memory_space<vmem_shared>>
      %dma_start3A_145 = arith.constant 0 : i32
      %dma_start3A_146 = tpu.memref_slice %arg23[%add3A_46, %dma_start3A_145] : memref<10000x128xf32, #tpu.memory_space<vmem_shared>> -> memref<48x128xf32, #tpu.memory_space<vmem_shared>>
      tpu.enqueue_dma source(%arg21 : memref<48x128xf32, #tpu.memory_space<vmem>>) target(%dma_start3A_146 : memref<48x128xf32, #tpu.memory_space<vmem_shared>>) target_semaphore(%run_scoped3A : memref<!tpu.dma_semaphore, #tpu.memory_space<semaphore_mem>>)
      %dma_wait3A = arith.constant 0 : i32
      %dma_wait3A_147 = tpu.memref_slice %arg23[%add3A_46, %dma_wait3A] : memref<10000x128xf32, #tpu.memory_space<vmem_shared>> -> memref<48x128xf32, #tpu.memory_space<vmem_shared>>
      %dma_wait3A_148 = arith.constant 0 : i32
      %dma_wait3A_149 = tpu.memref_slice %arg23[%add3A_46, %dma_wait3A_148] : memref<10000x128xf32, #tpu.memory_space<vmem_shared>> -> memref<48x128xf32, #tpu.memory_space<vmem_shared>>
      tpu.wait_dma2 semaphore(%run_scoped3A : memref<!tpu.dma_semaphore, #tpu.memory_space<semaphore_mem>>) src(%arg21 : memref<48x128xf32, #tpu.memory_space<vmem>>) dst(%dma_wait3A_149 : memref<48x128xf32, #tpu.memory_space<vmem_shared>>)
      tpu.yield
    }) : () -> ()
    %mul3A_47 = arith.constant 624 : i32
    %mul3A_48 = arith.muli %arg1, %mul3A_47 : i32
    %add3A_49 = arith.constant 528 : i32
    %add3A_50 = arith.addi %mul3A_48, %add3A_49 : i32
    "tpu.region"() ({
      %run_scoped3A = tpu.sem_alloc : memref<!tpu.dma_semaphore, #tpu.memory_space<semaphore_mem>>
      %dma_start3A = arith.constant 0 : i32
      %dma_start3A_144 = tpu.memref_slice %arg23[%add3A_50, %dma_start3A] : memref<10000x128xf32, #tpu.memory_space<vmem_shared>> -> memref<48x128xf32, #tpu.memory_space<vmem_shared>>
      %dma_start3A_145 = arith.constant 0 : i32
      %dma_start3A_146 = tpu.memref_slice %arg23[%add3A_50, %dma_start3A_145] : memref<10000x128xf32, #tpu.memory_space<vmem_shared>> -> memref<48x128xf32, #tpu.memory_space<vmem_shared>>
      tpu.enqueue_dma source(%arg21 : memref<48x128xf32, #tpu.memory_space<vmem>>) target(%dma_start3A_146 : memref<48x128xf32, #tpu.memory_space<vmem_shared>>) target_semaphore(%run_scoped3A : memref<!tpu.dma_semaphore, #tpu.memory_space<semaphore_mem>>)
      %dma_wait3A = arith.constant 0 : i32
      %dma_wait3A_147 = tpu.memref_slice %arg23[%add3A_50, %dma_wait3A] : memref<10000x128xf32, #tpu.memory_space<vmem_shared>> -> memref<48x128xf32, #tpu.memory_space<vmem_shared>>
      %dma_wait3A_148 = arith.constant 0 : i32
      %dma_wait3A_149 = tpu.memref_slice %arg23[%add3A_50, %dma_wait3A_148] : memref<10000x128xf32, #tpu.memory_space<vmem_shared>> -> memref<48x128xf32, #tpu.memory_space<vmem_shared>>
      tpu.wait_dma2 semaphore(%run_scoped3A : memref<!tpu.dma_semaphore, #tpu.memory_space<semaphore_mem>>) src(%arg21 : memref<48x128xf32, #tpu.memory_space<vmem>>) dst(%dma_wait3A_149 : memref<48x128xf32, #tpu.memory_space<vmem_shared>>)
      tpu.yield
    }) : () -> ()
    %mul3A_51 = arith.constant 624 : i32
    %mul3A_52 = arith.muli %arg1, %mul3A_51 : i32
    %add3A_53 = arith.constant 576 : i32
    %add3A_54 = arith.addi %mul3A_52, %add3A_53 : i32
    "tpu.region"() ({
      %run_scoped3A = tpu.sem_alloc : memref<!tpu.dma_semaphore, #tpu.memory_space<semaphore_mem>>
      %dma_start3A = arith.constant 0 : i32
      %dma_start3A_144 = tpu.memref_slice %arg23[%add3A_54, %dma_start3A] : memref<10000x128xf32, #tpu.memory_space<vmem_shared>> -> memref<48x128xf32, #tpu.memory_space<vmem_shared>>
      %dma_start3A_145 = arith.constant 0 : i32
      %dma_start3A_146 = tpu.memref_slice %arg23[%add3A_54, %dma_start3A_145] : memref<10000x128xf32, #tpu.memory_space<vmem_shared>> -> memref<48x128xf32, #tpu.memory_space<vmem_shared>>
      tpu.enqueue_dma source(%arg21 : memref<48x128xf32, #tpu.memory_space<vmem>>) target(%dma_start3A_146 : memref<48x128xf32, #tpu.memory_space<vmem_shared>>) target_semaphore(%run_scoped3A : memref<!tpu.dma_semaphore, #tpu.memory_space<semaphore_mem>>)
      %dma_wait3A = arith.constant 0 : i32
      %dma_wait3A_147 = tpu.memref_slice %arg23[%add3A_54, %dma_wait3A] : memref<10000x128xf32, #tpu.memory_space<vmem_shared>> -> memref<48x128xf32, #tpu.memory_space<vmem_shared>>
      %dma_wait3A_148 = arith.constant 0 : i32
      %dma_wait3A_149 = tpu.memref_slice %arg23[%add3A_54, %dma_wait3A_148] : memref<10000x128xf32, #tpu.memory_space<vmem_shared>> -> memref<48x128xf32, #tpu.memory_space<vmem_shared>>
      tpu.wait_dma2 semaphore(%run_scoped3A : memref<!tpu.dma_semaphore, #tpu.memory_space<semaphore_mem>>) src(%arg21 : memref<48x128xf32, #tpu.memory_space<vmem>>) dst(%dma_wait3A_149 : memref<48x128xf32, #tpu.memory_space<vmem_shared>>)
      tpu.yield
    }) : () -> ()
    %eq3A = arith.constant 0 : i32
    %eq3A_55 = arith.cmpi eq, %arg1, %eq3A : i32
    %convert_element_type3A = arith.extui %eq3A_55 : i1 to i32
    %cond3A = arith.constant 0 : i32
    %cond3A_56 = arith.cmpi ne, %convert_element_type3A, %cond3A : i32
    scf.if %cond3A_56 {
      "tpu.region"() ({
        %run_scoped3A = tpu.sem_alloc : memref<!tpu.dma_semaphore, #tpu.memory_space<semaphore_mem>>
        %dma_start3A = arith.constant 0 : i32
        %dma_start3A_144 = arith.constant 0 : i32
        %dma_start3A_145 = tpu.memref_slice %arg21[%dma_start3A, %dma_start3A_144] : memref<48x128xf32, #tpu.memory_space<vmem>> -> memref<16x128xf32, #tpu.memory_space<vmem>>
        %dma_start3A_146 = arith.constant 9984 : i32
        %dma_start3A_147 = arith.constant 0 : i32
        %dma_start3A_148 = tpu.memref_slice %arg23[%dma_start3A_146, %dma_start3A_147] : memref<10000x128xf32, #tpu.memory_space<vmem_shared>> -> memref<16x128xf32, #tpu.memory_space<vmem_shared>>
        %dma_start3A_149 = arith.constant 9984 : i32
        %dma_start3A_150 = arith.constant 0 : i32
        %dma_start3A_151 = tpu.memref_slice %arg23[%dma_start3A_149, %dma_start3A_150] : memref<10000x128xf32, #tpu.memory_space<vmem_shared>> -> memref<16x128xf32, #tpu.memory_space<vmem_shared>>
        %dma_start3A_152 = arith.constant 0 : i32
        %dma_start3A_153 = arith.constant 0 : i32
        %dma_start3A_154 = tpu.memref_slice %arg21[%dma_start3A_152, %dma_start3A_153] : memref<48x128xf32, #tpu.memory_space<vmem>> -> memref<16x128xf32, #tpu.memory_space<vmem>>
        tpu.enqueue_dma source(%dma_start3A_154 : memref<16x128xf32, #tpu.memory_space<vmem>>) target(%dma_start3A_151 : memref<16x128xf32, #tpu.memory_space<vmem_shared>>) target_semaphore(%run_scoped3A : memref<!tpu.dma_semaphore, #tpu.memory_space<semaphore_mem>>)
        %dma_wait3A = arith.constant 0 : i32
        %dma_wait3A_155 = arith.constant 0 : i32
        %dma_wait3A_156 = tpu.memref_slice %arg21[%dma_wait3A, %dma_wait3A_155] : memref<48x128xf32, #tpu.memory_space<vmem>> -> memref<16x128xf32, #tpu.memory_space<vmem>>
        %dma_wait3A_157 = arith.constant 9984 : i32
        %dma_wait3A_158 = arith.constant 0 : i32
        %dma_wait3A_159 = tpu.memref_slice %arg23[%dma_wait3A_157, %dma_wait3A_158] : memref<10000x128xf32, #tpu.memory_space<vmem_shared>> -> memref<16x128xf32, #tpu.memory_space<vmem_shared>>
        %dma_wait3A_160 = arith.constant 9984 : i32
        %dma_wait3A_161 = arith.constant 0 : i32
        %dma_wait3A_162 = tpu.memref_slice %arg23[%dma_wait3A_160, %dma_wait3A_161] : memref<10000x128xf32, #tpu.memory_space<vmem_shared>> -> memref<16x128xf32, #tpu.memory_space<vmem_shared>>
        %dma_wait3A_163 = arith.constant 0 : i32
        %dma_wait3A_164 = arith.constant 0 : i32
        %dma_wait3A_165 = tpu.memref_slice %arg21[%dma_wait3A_163, %dma_wait3A_164] : memref<48x128xf32, #tpu.memory_space<vmem>> -> memref<16x128xf32, #tpu.memory_space<vmem>>
        tpu.wait_dma2 semaphore(%run_scoped3A : memref<!tpu.dma_semaphore, #tpu.memory_space<semaphore_mem>>) src(%dma_wait3A_165 : memref<16x128xf32, #tpu.memory_space<vmem>>) dst(%dma_wait3A_162 : memref<16x128xf32, #tpu.memory_space<vmem_shared>>)
        tpu.yield
      }) : () -> ()
    } else {
    }
    %barrier3A = arith.constant 0 : index
    tpu.barrier barrier_id(%barrier3A)
    %lt3A = arith.constant 8 : i32
    %lt3A_57 = arith.cmpi slt, %arg1, %lt3A : i32
    %convert_element_type3A_58 = arith.extui %lt3A_57 : i1 to i32
    %add3A_59 = arith.constant 312 : i32
    %add3A_60 = arith.addi %add3A_59, %convert_element_type3A_58 : i32
    %broadcast_in_dim3A = arith.constant 0.000000e+00 : f32
    %broadcast_in_dim3A_61 = vector.broadcast %broadcast_in_dim3A : f32 to vector<16xf32>
    %broadcast_in_dim3A_62 = arith.constant 0.000000e+00 : f32
    %broadcast_in_dim3A_63 = vector.broadcast %broadcast_in_dim3A_62 : f32 to vector<16xf32>
    %broadcast_in_dim3A_64 = arith.constant 0.000000e+00 : f32
    %broadcast_in_dim3A_65 = vector.broadcast %broadcast_in_dim3A_64 : f32 to vector<16xf32>
    %broadcast_in_dim3A_66 = arith.constant 0.000000e+00 : f32
    %broadcast_in_dim3A_67 = vector.broadcast %broadcast_in_dim3A_66 : f32 to vector<16xf32>
    %broadcast_in_dim3A_68 = arith.constant 0.000000e+00 : f32
    %broadcast_in_dim3A_69 = vector.broadcast %broadcast_in_dim3A_68 : f32 to vector<16xf32>
    %broadcast_in_dim3A_70 = arith.constant 0.000000e+00 : f32
    %broadcast_in_dim3A_71 = vector.broadcast %broadcast_in_dim3A_70 : f32 to vector<16xf32>
    %broadcast_in_dim3A_72 = arith.constant 0.000000e+00 : f32
    %broadcast_in_dim3A_73 = vector.broadcast %broadcast_in_dim3A_72 : f32 to vector<16xf32>
    %broadcast_in_dim3A_74 = arith.constant 0.000000e+00 : f32
    %broadcast_in_dim3A_75 = vector.broadcast %broadcast_in_dim3A_74 : f32 to vector<16xf32>
    %while3A = arith.constant 0 : i32
    %while3A_76 = arith.subi %add3A_60, %while3A : i32
    %while3A_77 = arith.addi %while3A, %while3A_76 : i32
    %while3A_78 = arith.constant 1 : i32
    %while3A_79 = arith.divsi %while3A_76, %while3A_78 : i32
    %while3A_80 = arith.muli %while3A_79, %while3A_78 : i32
    %while3A_81 = arith.addi %while3A, %while3A_80 : i32
    %while3A_82 = arith.constant 1 : i32
    %while3A_83:8 = scf.for %while3A_144 = %while3A to %while3A_81 step %while3A_82 iter_args(%while3A_145 = %broadcast_in_dim3A_61, %while3A_146 = %broadcast_in_dim3A_63, %while3A_147 = %broadcast_in_dim3A_65, %while3A_148 = %broadcast_in_dim3A_67, %while3A_149 = %broadcast_in_dim3A_69, %while3A_150 = %broadcast_in_dim3A_71, %while3A_151 = %broadcast_in_dim3A_73, %while3A_152 = %broadcast_in_dim3A_75) -> (vector<16xf32>, vector<16xf32>, vector<16xf32>, vector<16xf32>, vector<16xf32>, vector<16xf32>, vector<16xf32>, vector<16xf32>)  : i32 {
      %mul3A_153 = arith.constant 16 : i32
      %mul3A_154 = arith.muli %while3A_144, %mul3A_153 : i32
      %add3A_155 = arith.addi %arg1, %mul3A_154 : i32
      %mul3A_156 = arith.constant 64 : i32
      %mul3A_157 = arith.muli %add3A_155, %mul3A_156 : i32
      "tpu.region"() ({
        %run_scoped3A = tpu.sem_alloc : memref<!tpu.dma_semaphore, #tpu.memory_space<semaphore_mem>>
        %dma_start3A_188 = tpu.memref_slice %arg2[%mul3A_157] : memref<320000xi32, #tpu.memory_space<hbm>> -> memref<64xi32, #tpu.memory_space<hbm>>
        %dma_start3A_189 = tpu.memref_slice %arg2[%mul3A_157] : memref<320000xi32, #tpu.memory_space<hbm>> -> memref<64xi32, #tpu.memory_space<hbm>>
        tpu.enqueue_dma source(%dma_start3A_189 : memref<64xi32, #tpu.memory_space<hbm>>) target(%arg14 : memref<64xi32, #tpu.memory_space<vmem>>) target_semaphore(%run_scoped3A : memref<!tpu.dma_semaphore, #tpu.memory_space<semaphore_mem>>)
        %dma_wait3A_190 = tpu.memref_slice %arg2[%mul3A_157] : memref<320000xi32, #tpu.memory_space<hbm>> -> memref<64xi32, #tpu.memory_space<hbm>>
        %dma_wait3A_191 = tpu.memref_slice %arg2[%mul3A_157] : memref<320000xi32, #tpu.memory_space<hbm>> -> memref<64xi32, #tpu.memory_space<hbm>>
        tpu.wait_dma2 semaphore(%run_scoped3A : memref<!tpu.dma_semaphore, #tpu.memory_space<semaphore_mem>>) src(%dma_wait3A_191 : memref<64xi32, #tpu.memory_space<hbm>>) dst(%arg14 : memref<64xi32, #tpu.memory_space<vmem>>)
        tpu.yield
      }) : () -> ()
      "tpu.region"() ({
        %run_scoped3A = tpu.sem_alloc : memref<!tpu.dma_semaphore, #tpu.memory_space<semaphore_mem>>
        %dma_start3A_188 = tpu.memref_slice %arg3[%mul3A_157] : memref<320000xi32, #tpu.memory_space<hbm>> -> memref<64xi32, #tpu.memory_space<hbm>>
        %dma_start3A_189 = tpu.memref_slice %arg3[%mul3A_157] : memref<320000xi32, #tpu.memory_space<hbm>> -> memref<64xi32, #tpu.memory_space<hbm>>
        tpu.enqueue_dma source(%dma_start3A_189 : memref<64xi32, #tpu.memory_space<hbm>>) target(%arg15 : memref<64xi32, #tpu.memory_space<vmem>>) target_semaphore(%run_scoped3A : memref<!tpu.dma_semaphore, #tpu.memory_space<semaphore_mem>>)
        %dma_wait3A_190 = tpu.memref_slice %arg3[%mul3A_157] : memref<320000xi32, #tpu.memory_space<hbm>> -> memref<64xi32, #tpu.memory_space<hbm>>
        %dma_wait3A_191 = tpu.memref_slice %arg3[%mul3A_157] : memref<320000xi32, #tpu.memory_space<hbm>> -> memref<64xi32, #tpu.memory_space<hbm>>
        tpu.wait_dma2 semaphore(%run_scoped3A : memref<!tpu.dma_semaphore, #tpu.memory_space<semaphore_mem>>) src(%dma_wait3A_191 : memref<64xi32, #tpu.memory_space<hbm>>) dst(%arg15 : memref<64xi32, #tpu.memory_space<vmem>>)
        tpu.yield
      }) : () -> ()
      %dma_start3A = arith.constant 0 : i32
      %dma_start3A_158 = arith.constant 0 : i32
      %dma_start3A_159 = tpu.memref_slice %arg6[%dma_start3A, %dma_start3A_158] : memref<10000x128xf32, #tpu.memory_space<hbm>> -> memref<10000x128xf32, #tpu.memory_space<hbm>>
      tpu.enqueue_indirect_dma source(%dma_start3A_159 : memref<10000x128xf32, #tpu.memory_space<hbm>>) target(%arg17 : memref<64x128xf32, #tpu.memory_space<vmem>>) offsets(%arg15 : memref<64xi32, #tpu.memory_space<vmem>>) semaphore(%arg24 : memref<!tpu.dma_semaphore, #tpu.memory_space<semaphore_mem>>)
      %eq3A_160 = arith.constant 0 : i32
      %eq3A_161 = arith.cmpi eq, %arg0, %eq3A_160 : i32
      %convert_element_type3A_162 = arith.extui %eq3A_161 : i1 to i32
      %cond3A_163 = arith.constant 0 : i32
      %cond3A_164 = arith.cmpi ne, %convert_element_type3A_162, %cond3A_163 : i32
      scf.if %cond3A_164 {
        %dma_start3A_188 = arith.constant 0 : i32
        %dma_start3A_189 = arith.constant 0 : i32
        %dma_start3A_190 = tpu.memref_slice %arg4[%dma_start3A_188, %dma_start3A_189] : memref<10000x128xf32, #tpu.memory_space<hbm>> -> memref<10000x128xf32, #tpu.memory_space<hbm>>
        tpu.enqueue_indirect_dma source(%dma_start3A_190 : memref<10000x128xf32, #tpu.memory_space<hbm>>) target(%arg16 : memref<64x128xf32, #tpu.memory_space<vmem>>) offsets(%arg14 : memref<64xi32, #tpu.memory_space<vmem>>) semaphore(%arg24 : memref<!tpu.dma_semaphore, #tpu.memory_space<semaphore_mem>>)
        %dma_start3A_191 = arith.constant 0 : i32
        %dma_start3A_192 = tpu.memref_slice %arg7[%mul3A_157, %dma_start3A_191] : memref<320000x64xf32, #tpu.memory_space<hbm>> -> memref<64x64xf32, #tpu.memory_space<hbm>>
        %dma_start3A_193 = arith.constant 0 : i32
        %dma_start3A_194 = tpu.memref_slice %arg7[%mul3A_157, %dma_start3A_193] : memref<320000x64xf32, #tpu.memory_space<hbm>> -> memref<64x64xf32, #tpu.memory_space<hbm>>
        tpu.enqueue_dma source(%dma_start3A_194 : memref<64x64xf32, #tpu.memory_space<hbm>>) target(%arg18 : memref<64x64xf32, #tpu.memory_space<vmem>>) target_semaphore(%arg24 : memref<!tpu.dma_semaphore, #tpu.memory_space<semaphore_mem>>)
        %dma_wait3A_195 = arith.constant 0 : i32
        %dma_wait3A_196 = arith.constant 0 : i32
        %dma_wait3A_197 = tpu.memref_slice %arg4[%dma_wait3A_195, %dma_wait3A_196] : memref<10000x128xf32, #tpu.memory_space<hbm>> -> memref<10000x128xf32, #tpu.memory_space<hbm>>
        tpu.wait_indirect_dma semaphore(%arg24 : memref<!tpu.dma_semaphore, #tpu.memory_space<semaphore_mem>>) src(%dma_wait3A_197 : memref<10000x128xf32, #tpu.memory_space<hbm>>) dst(%arg16 : memref<64x128xf32, #tpu.memory_space<vmem>>)
        %dma_wait3A_198 = arith.constant 0 : i32
        %dma_wait3A_199 = tpu.memref_slice %arg7[%mul3A_157, %dma_wait3A_198] : memref<320000x64xf32, #tpu.memory_space<hbm>> -> memref<64x64xf32, #tpu.memory_space<hbm>>
        %dma_wait3A_200 = arith.constant 0 : i32
        %dma_wait3A_201 = tpu.memref_slice %arg7[%mul3A_157, %dma_wait3A_200] : memref<320000x64xf32, #tpu.memory_space<hbm>> -> memref<64x64xf32, #tpu.memory_space<hbm>>
        tpu.wait_dma2 semaphore(%arg24 : memref<!tpu.dma_semaphore, #tpu.memory_space<semaphore_mem>>) src(%dma_wait3A_201 : memref<64x64xf32, #tpu.memory_space<hbm>>) dst(%arg18 : memref<64x64xf32, #tpu.memory_space<vmem>>)
      } else {
      }
      %eq3A_165 = arith.constant 1 : i32
      %eq3A_166 = arith.cmpi eq, %arg0, %eq3A_165 : i32
      %convert_element_type3A_167 = arith.extui %eq3A_166 : i1 to i32
      %cond3A_168 = arith.constant 0 : i32
      %cond3A_169 = arith.cmpi ne, %convert_element_type3A_167, %cond3A_168 : i32
      scf.if %cond3A_169 {
        %dma_start3A_188 = arith.constant 0 : i32
        %dma_start3A_189 = arith.constant 0 : i32
        %dma_start3A_190 = tpu.memref_slice %arg5[%dma_start3A_188, %dma_start3A_189] : memref<10000x128xf32, #tpu.memory_space<hbm>> -> memref<10000x128xf32, #tpu.memory_space<hbm>>
        tpu.enqueue_indirect_dma source(%dma_start3A_190 : memref<10000x128xf32, #tpu.memory_space<hbm>>) target(%arg16 : memref<64x128xf32, #tpu.memory_space<vmem>>) offsets(%arg14 : memref<64xi32, #tpu.memory_space<vmem>>) semaphore(%arg24 : memref<!tpu.dma_semaphore, #tpu.memory_space<semaphore_mem>>)
        %dma_start3A_191 = arith.constant 0 : i32
        %dma_start3A_192 = tpu.memref_slice %arg8[%mul3A_157, %dma_start3A_191] : memref<320000x64xf32, #tpu.memory_space<hbm>> -> memref<64x64xf32, #tpu.memory_space<hbm>>
        %dma_start3A_193 = arith.constant 0 : i32
        %dma_start3A_194 = tpu.memref_slice %arg8[%mul3A_157, %dma_start3A_193] : memref<320000x64xf32, #tpu.memory_space<hbm>> -> memref<64x64xf32, #tpu.memory_space<hbm>>
        tpu.enqueue_dma source(%dma_start3A_194 : memref<64x64xf32, #tpu.memory_space<hbm>>) target(%arg18 : memref<64x64xf32, #tpu.memory_space<vmem>>) target_semaphore(%arg24 : memref<!tpu.dma_semaphore, #tpu.memory_space<semaphore_mem>>)
        %dma_wait3A_195 = arith.constant 0 : i32
        %dma_wait3A_196 = arith.constant 0 : i32
        %dma_wait3A_197 = tpu.memref_slice %arg5[%dma_wait3A_195, %dma_wait3A_196] : memref<10000x128xf32, #tpu.memory_space<hbm>> -> memref<10000x128xf32, #tpu.memory_space<hbm>>
        tpu.wait_indirect_dma semaphore(%arg24 : memref<!tpu.dma_semaphore, #tpu.memory_space<semaphore_mem>>) src(%dma_wait3A_197 : memref<10000x128xf32, #tpu.memory_space<hbm>>) dst(%arg16 : memref<64x128xf32, #tpu.memory_space<vmem>>)
        %dma_wait3A_198 = arith.constant 0 : i32
        %dma_wait3A_199 = tpu.memref_slice %arg8[%mul3A_157, %dma_wait3A_198] : memref<320000x64xf32, #tpu.memory_space<hbm>> -> memref<64x64xf32, #tpu.memory_space<hbm>>
        %dma_wait3A_200 = arith.constant 0 : i32
        %dma_wait3A_201 = tpu.memref_slice %arg8[%mul3A_157, %dma_wait3A_200] : memref<320000x64xf32, #tpu.memory_space<hbm>> -> memref<64x64xf32, #tpu.memory_space<hbm>>
        tpu.wait_dma2 semaphore(%arg24 : memref<!tpu.dma_semaphore, #tpu.memory_space<semaphore_mem>>) src(%dma_wait3A_201 : memref<64x64xf32, #tpu.memory_space<hbm>>) dst(%arg18 : memref<64x64xf32, #tpu.memory_space<vmem>>)
      } else {
      }
      %dma_wait3A = arith.constant 0 : i32
      %dma_wait3A_170 = arith.constant 0 : i32
      %dma_wait3A_171 = tpu.memref_slice %arg6[%dma_wait3A, %dma_wait3A_170] : memref<10000x128xf32, #tpu.memory_space<hbm>> -> memref<10000x128xf32, #tpu.memory_space<hbm>>
      tpu.wait_indirect_dma semaphore(%arg24 : memref<!tpu.dma_semaphore, #tpu.memory_space<semaphore_mem>>) src(%dma_wait3A_171 : memref<10000x128xf32, #tpu.memory_space<hbm>>) dst(%arg17 : memref<64x128xf32, #tpu.memory_space<vmem>>)
      %scan3A_172 = arith.constant 0 : i32
      %scan3A_173 = arith.constant 64 : i32
      %scan3A_174 = arith.addi %scan3A_172, %scan3A_173 : i32
      %scan3A_175 = arith.constant 1 : i32
      %scan3A_176:8 = scf.for %scan3A_188 = %scan3A_172 to %scan3A_174 step %scan3A_175 iter_args(%scan3A_189 = %while3A_145, %scan3A_190 = %while3A_146, %scan3A_191 = %while3A_147, %scan3A_192 = %while3A_148, %scan3A_193 = %while3A_149, %scan3A_194 = %while3A_150, %scan3A_195 = %while3A_151, %scan3A_196 = %while3A_152) -> (vector<16xf32>, vector<16xf32>, vector<16xf32>, vector<16xf32>, vector<16xf32>, vector<16xf32>, vector<16xf32>, vector<16xf32>)  : i32 {
        %eq3A_197 = arith.constant 0 : i32
        %eq3A_198 = arith.cmpi eq, %arg0, %eq3A_197 : i32
        %get3A = arith.index_cast %scan3A_188 : i32 to index
        %get3A_199 = arith.constant 0 : index
        %get3A_200 = tpu.vector_load %arg17[%get3A, %get3A_199] {strides = array<i32>} : memref<64x128xf32, #tpu.memory_space<vmem>>, vector<1x16xf32>,
        %get3A_201 = vector.shape_cast %get3A_200 : vector<1x16xf32> to vector<16xf32>
        %get3A_202 = arith.index_cast %scan3A_188 : i32 to index
        %get3A_203 = arith.constant 64 : index
        %get3A_204 = tpu.vector_load %arg17[%get3A_202, %get3A_203] {strides = array<i32>} : memref<64x128xf32, #tpu.memory_space<vmem>>, vector<1x16xf32>,
        %get3A_205 = vector.shape_cast %get3A_204 : vector<1x16xf32> to vector<16xf32>
        %select_n3A = arith.select %eq3A_198, %get3A_201, %get3A_205 : vector<16xf32>
        %get3A_206 = arith.index_cast %scan3A_188 : i32 to index
        %get3A_207 = arith.constant 0 : index
        %get3A_208 = tpu.vector_load %arg18[%get3A_206, %get3A_207] {strides = array<i32>} : memref<64x64xf32, #tpu.memory_space<vmem>>, vector<1x16xf32>,
        %get3A_209 = vector.shape_cast %get3A_208 : vector<1x16xf32> to vector<16xf32>
        %get3A_210 = arith.index_cast %scan3A_188 : i32 to index
        %get3A_211 = arith.constant 0 : index
        %get3A_212 = tpu.vector_load %arg16[%get3A_210, %get3A_211] {strides = array<i32>} : memref<64x128xf32, #tpu.memory_space<vmem>>, vector<1x16xf32>,
        %get3A_213 = vector.shape_cast %get3A_212 : vector<1x16xf32> to vector<16xf32>
        %add3A_214 = arith.addf %get3A_209, %get3A_213 : vector<16xf32>
        %add3A_215 = arith.addf %add3A_214, %select_n3A : vector<16xf32>
        %swap3A_216 = arith.index_cast %scan3A_188 : i32 to index
        %swap3A_217 = arith.constant 0 : index
        %swap3A_218 = tpu.vector_load %arg19[%swap3A_216, %swap3A_217] {strides = array<i32>} : memref<64x64xf32, #tpu.memory_space<vmem>>, vector<1x16xf32>,
        %swap3A_219 = vector.shape_cast %swap3A_218 : vector<1x16xf32> to vector<16xf32>
        %swap3A_220 = vector.shape_cast %add3A_215 : vector<16xf32> to vector<1x16xf32>
        tpu.vector_store %arg19[%swap3A_216, %swap3A_217], %swap3A_220 {strides = array<i32>} : memref<64x64xf32, #tpu.memory_space<vmem>>, vector<1x16xf32>,
        %neg3A = arith.constant 0.000000e+00 : f32
        %neg3A_221 = vector.broadcast %neg3A : f32 to vector<16xf32>
        %neg3A_222 = arith.subf %neg3A_221, %add3A_215 : vector<16xf32>
        %exp3A = math.exp %neg3A_222 : vector<16xf32>
        %add3A_223 = arith.constant 1.000000e+00 : f32
        %add3A_224 = vector.broadcast %add3A_223 : f32 to vector<16xf32>
        %add3A_225 = arith.addf %add3A_224, %exp3A : vector<16xf32>
        %div3A = arith.constant 1.000000e+00 : f32
        %div3A_226 = vector.broadcast %div3A : f32 to vector<16xf32>
        %div3A_227 = arith.divf %div3A_226, %add3A_225 : vector<16xf32>
        %swap3A_228 = arith.index_cast %scan3A_188 : i32 to index
        %swap3A_229 = arith.constant 64 : index
        %swap3A_230 = tpu.vector_load %arg20[%swap3A_228, %swap3A_229] {strides = array<i32>} : memref<64x128xf32, #tpu.memory_space<vmem>>, vector<1x16xf32>,
        %swap3A_231 = vector.shape_cast %swap3A_230 : vector<1x16xf32> to vector<16xf32>
        %swap3A_232 = vector.shape_cast %div3A_227 : vector<16xf32> to vector<1x16xf32>
        tpu.vector_store %arg20[%swap3A_228, %swap3A_229], %swap3A_232 {strides = array<i32>} : memref<64x128xf32, #tpu.memory_space<vmem>>, vector<1x16xf32>,
        %get3A_233 = arith.index_cast %scan3A_188 : i32 to index
        %get3A_234 = arith.constant 64 : index
        %get3A_235 = tpu.vector_load %arg16[%get3A_233, %get3A_234] {strides = array<i32>} : memref<64x128xf32, #tpu.memory_space<vmem>>, vector<1x16xf32>,
        %get3A_236 = vector.shape_cast %get3A_235 : vector<1x16xf32> to vector<16xf32>
        %mul3A_237 = arith.mulf %div3A_227, %get3A_236 : vector<16xf32>
        %swap3A_238 = arith.index_cast %scan3A_188 : i32 to index
        %swap3A_239 = arith.constant 0 : index
        %swap3A_240 = tpu.vector_load %arg20[%swap3A_238, %swap3A_239] {strides = array<i32>} : memref<64x128xf32, #tpu.memory_space<vmem>>, vector<1x16xf32>,
        %swap3A_241 = vector.shape_cast %swap3A_240 : vector<1x16xf32> to vector<16xf32>
        %swap3A_242 = vector.shape_cast %mul3A_237 : vector<16xf32> to vector<1x16xf32>
        tpu.vector_store %arg20[%swap3A_238, %swap3A_239], %swap3A_242 {strides = array<i32>} : memref<64x128xf32, #tpu.memory_space<vmem>>, vector<1x16xf32>,
        %add3A_243 = arith.addf %scan3A_189, %add3A_215 : vector<16xf32>
        %mul3A_244 = arith.mulf %add3A_215, %add3A_215 : vector<16xf32>
        %add3A_245 = arith.addf %scan3A_193, %mul3A_244 : vector<16xf32>
        %eq3A_246 = arith.constant 0 : i32
        %eq3A_247 = arith.cmpi eq, %arg0, %eq3A_246 : i32
        %get3A_248 = arith.index_cast %scan3A_188 : i32 to index
        %get3A_249 = arith.constant 16 : index
        %get3A_250 = tpu.vector_load %arg17[%get3A_248, %get3A_249] {strides = array<i32>} : memref<64x128xf32, #tpu.memory_space<vmem>>, vector<1x16xf32>,
        %get3A_251 = vector.shape_cast %get3A_250 : vector<1x16xf32> to vector<16xf32>
        %get3A_252 = arith.index_cast %scan3A_188 : i32 to index
        %get3A_253 = arith.constant 80 : index
        %get3A_254 = tpu.vector_load %arg17[%get3A_252, %get3A_253] {strides = array<i32>} : memref<64x128xf32, #tpu.memory_space<vmem>>, vector<1x16xf32>,
        %get3A_255 = vector.shape_cast %get3A_254 : vector<1x16xf32> to vector<16xf32>
        %select_n3A_256 = arith.select %eq3A_247, %get3A_251, %get3A_255 : vector<16xf32>
        %get3A_257 = arith.index_cast %scan3A_188 : i32 to index
        %get3A_258 = arith.constant 16 : index
        %get3A_259 = tpu.vector_load %arg18[%get3A_257, %get3A_258] {strides = array<i32>} : memref<64x64xf32, #tpu.memory_space<vmem>>, vector<1x16xf32>,
        %get3A_260 = vector.shape_cast %get3A_259 : vector<1x16xf32> to vector<16xf32>
        %get3A_261 = arith.index_cast %scan3A_188 : i32 to index
        %get3A_262 = arith.constant 16 : index
        %get3A_263 = tpu.vector_load %arg16[%get3A_261, %get3A_262] {strides = array<i32>} : memref<64x128xf32, #tpu.memory_space<vmem>>, vector<1x16xf32>,
        %get3A_264 = vector.shape_cast %get3A_263 : vector<1x16xf32> to vector<16xf32>
        %add3A_265 = arith.addf %get3A_260, %get3A_264 : vector<16xf32>
        %add3A_266 = arith.addf %add3A_265, %select_n3A_256 : vector<16xf32>
        %swap3A_267 = arith.index_cast %scan3A_188 : i32 to index
        %swap3A_268 = arith.constant 16 : index
        %swap3A_269 = tpu.vector_load %arg19[%swap3A_267, %swap3A_268] {strides = array<i32>} : memref<64x64xf32, #tpu.memory_space<vmem>>, vector<1x16xf32>,
        %swap3A_270 = vector.shape_cast %swap3A_269 : vector<1x16xf32> to vector<16xf32>
        %swap3A_271 = vector.shape_cast %add3A_266 : vector<16xf32> to vector<1x16xf32>
        tpu.vector_store %arg19[%swap3A_267, %swap3A_268], %swap3A_271 {strides = array<i32>} : memref<64x64xf32, #tpu.memory_space<vmem>>, vector<1x16xf32>,
        %neg3A_272 = arith.constant 0.000000e+00 : f32
        %neg3A_273 = vector.broadcast %neg3A_272 : f32 to vector<16xf32>
        %neg3A_274 = arith.subf %neg3A_273, %add3A_266 : vector<16xf32>
        %exp3A_275 = math.exp %neg3A_274 : vector<16xf32>
        %add3A_276 = arith.constant 1.000000e+00 : f32
        %add3A_277 = vector.broadcast %add3A_276 : f32 to vector<16xf32>
        %add3A_278 = arith.addf %add3A_277, %exp3A_275 : vector<16xf32>
        %div3A_279 = arith.constant 1.000000e+00 : f32
        %div3A_280 = vector.broadcast %div3A_279 : f32 to vector<16xf32>
        %div3A_281 = arith.divf %div3A_280, %add3A_278 : vector<16xf32>
        %swap3A_282 = arith.index_cast %scan3A_188 : i32 to index
        %swap3A_283 = arith.constant 80 : index
        %swap3A_284 = tpu.vector_load %arg20[%swap3A_282, %swap3A_283] {strides = array<i32>} : memref<64x128xf32, #tpu.memory_space<vmem>>, vector<1x16xf32>,
        %swap3A_285 = vector.shape_cast %swap3A_284 : vector<1x16xf32> to vector<16xf32>
        %swap3A_286 = vector.shape_cast %div3A_281 : vector<16xf32> to vector<1x16xf32>
        tpu.vector_store %arg20[%swap3A_282, %swap3A_283], %swap3A_286 {strides = array<i32>} : memref<64x128xf32, #tpu.memory_space<vmem>>, vector<1x16xf32>,
        %get3A_287 = arith.index_cast %scan3A_188 : i32 to index
        %get3A_288 = arith.constant 80 : index
        %get3A_289 = tpu.vector_load %arg16[%get3A_287, %get3A_288] {strides = array<i32>} : memref<64x128xf32, #tpu.memory_space<vmem>>, vector<1x16xf32>,
        %get3A_290 = vector.shape_cast %get3A_289 : vector<1x16xf32> to vector<16xf32>
        %mul3A_291 = arith.mulf %div3A_281, %get3A_290 : vector<16xf32>
        %swap3A_292 = arith.index_cast %scan3A_188 : i32 to index
        %swap3A_293 = arith.constant 16 : index
        %swap3A_294 = tpu.vector_load %arg20[%swap3A_292, %swap3A_293] {strides = array<i32>} : memref<64x128xf32, #tpu.memory_space<vmem>>, vector<1x16xf32>,
        %swap3A_295 = vector.shape_cast %swap3A_294 : vector<1x16xf32> to vector<16xf32>
        %swap3A_296 = vector.shape_cast %mul3A_291 : vector<16xf32> to vector<1x16xf32>
        tpu.vector_store %arg20[%swap3A_292, %swap3A_293], %swap3A_296 {strides = array<i32>} : memref<64x128xf32, #tpu.memory_space<vmem>>, vector<1x16xf32>,
        %add3A_297 = arith.addf %scan3A_190, %add3A_266 : vector<16xf32>
        %mul3A_298 = arith.mulf %add3A_266, %add3A_266 : vector<16xf32>
        %add3A_299 = arith.addf %scan3A_194, %mul3A_298 : vector<16xf32>
        %eq3A_300 = arith.constant 0 : i32
        %eq3A_301 = arith.cmpi eq, %arg0, %eq3A_300 : i32
        %get3A_302 = arith.index_cast %scan3A_188 : i32 to index
        %get3A_303 = arith.constant 32 : index
        %get3A_304 = tpu.vector_load %arg17[%get3A_302, %get3A_303] {strides = array<i32>} : memref<64x128xf32, #tpu.memory_space<vmem>>, vector<1x16xf32>,
        %get3A_305 = vector.shape_cast %get3A_304 : vector<1x16xf32> to vector<16xf32>
        %get3A_306 = arith.index_cast %scan3A_188 : i32 to index
        %get3A_307 = arith.constant 96 : index
        %get3A_308 = tpu.vector_load %arg17[%get3A_306, %get3A_307] {strides = array<i32>} : memref<64x128xf32, #tpu.memory_space<vmem>>, vector<1x16xf32>,
        %get3A_309 = vector.shape_cast %get3A_308 : vector<1x16xf32> to vector<16xf32>
        %select_n3A_310 = arith.select %eq3A_301, %get3A_305, %get3A_309 : vector<16xf32>
        %get3A_311 = arith.index_cast %scan3A_188 : i32 to index
        %get3A_312 = arith.constant 32 : index
        %get3A_313 = tpu.vector_load %arg18[%get3A_311, %get3A_312] {strides = array<i32>} : memref<64x64xf32, #tpu.memory_space<vmem>>, vector<1x16xf32>,
        %get3A_314 = vector.shape_cast %get3A_313 : vector<1x16xf32> to vector<16xf32>
        %get3A_315 = arith.index_cast %scan3A_188 : i32 to index
        %get3A_316 = arith.constant 32 : index
        %get3A_317 = tpu.vector_load %arg16[%get3A_315, %get3A_316] {strides = array<i32>} : memref<64x128xf32, #tpu.memory_space<vmem>>, vector<1x16xf32>,
        %get3A_318 = vector.shape_cast %get3A_317 : vector<1x16xf32> to vector<16xf32>
        %add3A_319 = arith.addf %get3A_314, %get3A_318 : vector<16xf32>
        %add3A_320 = arith.addf %add3A_319, %select_n3A_310 : vector<16xf32>
        %swap3A_321 = arith.index_cast %scan3A_188 : i32 to index
        %swap3A_322 = arith.constant 32 : index
        %swap3A_323 = tpu.vector_load %arg19[%swap3A_321, %swap3A_322] {strides = array<i32>} : memref<64x64xf32, #tpu.memory_space<vmem>>, vector<1x16xf32>,
        %swap3A_324 = vector.shape_cast %swap3A_323 : vector<1x16xf32> to vector<16xf32>
        %swap3A_325 = vector.shape_cast %add3A_320 : vector<16xf32> to vector<1x16xf32>
        tpu.vector_store %arg19[%swap3A_321, %swap3A_322], %swap3A_325 {strides = array<i32>} : memref<64x64xf32, #tpu.memory_space<vmem>>, vector<1x16xf32>,
        %neg3A_326 = arith.constant 0.000000e+00 : f32
        %neg3A_327 = vector.broadcast %neg3A_326 : f32 to vector<16xf32>
        %neg3A_328 = arith.subf %neg3A_327, %add3A_320 : vector<16xf32>
        %exp3A_329 = math.exp %neg3A_328 : vector<16xf32>
        %add3A_330 = arith.constant 1.000000e+00 : f32
        %add3A_331 = vector.broadcast %add3A_330 : f32 to vector<16xf32>
        %add3A_332 = arith.addf %add3A_331, %exp3A_329 : vector<16xf32>
        %div3A_333 = arith.constant 1.000000e+00 : f32
        %div3A_334 = vector.broadcast %div3A_333 : f32 to vector<16xf32>
        %div3A_335 = arith.divf %div3A_334, %add3A_332 : vector<16xf32>
        %swap3A_336 = arith.index_cast %scan3A_188 : i32 to index
        %swap3A_337 = arith.constant 96 : index
        %swap3A_338 = tpu.vector_load %arg20[%swap3A_336, %swap3A_337] {strides = array<i32>} : memref<64x128xf32, #tpu.memory_space<vmem>>, vector<1x16xf32>,
        %swap3A_339 = vector.shape_cast %swap3A_338 : vector<1x16xf32> to vector<16xf32>
        %swap3A_340 = vector.shape_cast %div3A_335 : vector<16xf32> to vector<1x16xf32>
        tpu.vector_store %arg20[%swap3A_336, %swap3A_337], %swap3A_340 {strides = array<i32>} : memref<64x128xf32, #tpu.memory_space<vmem>>, vector<1x16xf32>,
        %get3A_341 = arith.index_cast %scan3A_188 : i32 to index
        %get3A_342 = arith.constant 96 : index
        %get3A_343 = tpu.vector_load %arg16[%get3A_341, %get3A_342] {strides = array<i32>} : memref<64x128xf32, #tpu.memory_space<vmem>>, vector<1x16xf32>,
        %get3A_344 = vector.shape_cast %get3A_343 : vector<1x16xf32> to vector<16xf32>
        %mul3A_345 = arith.mulf %div3A_335, %get3A_344 : vector<16xf32>
        %swap3A_346 = arith.index_cast %scan3A_188 : i32 to index
        %swap3A_347 = arith.constant 32 : index
        %swap3A_348 = tpu.vector_load %arg20[%swap3A_346, %swap3A_347] {strides = array<i32>} : memref<64x128xf32, #tpu.memory_space<vmem>>, vector<1x16xf32>,
        %swap3A_349 = vector.shape_cast %swap3A_348 : vector<1x16xf32> to vector<16xf32>
        %swap3A_350 = vector.shape_cast %mul3A_345 : vector<16xf32> to vector<1x16xf32>
        tpu.vector_store %arg20[%swap3A_346, %swap3A_347], %swap3A_350 {strides = array<i32>} : memref<64x128xf32, #tpu.memory_space<vmem>>, vector<1x16xf32>,
        %add3A_351 = arith.addf %scan3A_191, %add3A_320 : vector<16xf32>
        %mul3A_352 = arith.mulf %add3A_320, %add3A_320 : vector<16xf32>
        %add3A_353 = arith.addf %scan3A_195, %mul3A_352 : vector<16xf32>
        %eq3A_354 = arith.constant 0 : i32
        %eq3A_355 = arith.cmpi eq, %arg0, %eq3A_354 : i32
        %get3A_356 = arith.index_cast %scan3A_188 : i32 to index
        %get3A_357 = arith.constant 48 : index
        %get3A_358 = tpu.vector_load %arg17[%get3A_356, %get3A_357] {strides = array<i32>} : memref<64x128xf32, #tpu.memory_space<vmem>>, vector<1x16xf32>,
        %get3A_359 = vector.shape_cast %get3A_358 : vector<1x16xf32> to vector<16xf32>
        %get3A_360 = arith.index_cast %scan3A_188 : i32 to index
        %get3A_361 = arith.constant 112 : index
        %get3A_362 = tpu.vector_load %arg17[%get3A_360, %get3A_361] {strides = array<i32>} : memref<64x128xf32, #tpu.memory_space<vmem>>, vector<1x16xf32>,
        %get3A_363 = vector.shape_cast %get3A_362 : vector<1x16xf32> to vector<16xf32>
        %select_n3A_364 = arith.select %eq3A_355, %get3A_359, %get3A_363 : vector<16xf32>
        %get3A_365 = arith.index_cast %scan3A_188 : i32 to index
        %get3A_366 = arith.constant 48 : index
        %get3A_367 = tpu.vector_load %arg18[%get3A_365, %get3A_366] {strides = array<i32>} : memref<64x64xf32, #tpu.memory_space<vmem>>, vector<1x16xf32>,
        %get3A_368 = vector.shape_cast %get3A_367 : vector<1x16xf32> to vector<16xf32>
        %get3A_369 = arith.index_cast %scan3A_188 : i32 to index
        %get3A_370 = arith.constant 48 : index
        %get3A_371 = tpu.vector_load %arg16[%get3A_369, %get3A_370] {strides = array<i32>} : memref<64x128xf32, #tpu.memory_space<vmem>>, vector<1x16xf32>,
        %get3A_372 = vector.shape_cast %get3A_371 : vector<1x16xf32> to vector<16xf32>
        %add3A_373 = arith.addf %get3A_368, %get3A_372 : vector<16xf32>
        %add3A_374 = arith.addf %add3A_373, %select_n3A_364 : vector<16xf32>
        %swap3A_375 = arith.index_cast %scan3A_188 : i32 to index
        %swap3A_376 = arith.constant 48 : index
        %swap3A_377 = tpu.vector_load %arg19[%swap3A_375, %swap3A_376] {strides = array<i32>} : memref<64x64xf32, #tpu.memory_space<vmem>>, vector<1x16xf32>,
        %swap3A_378 = vector.shape_cast %swap3A_377 : vector<1x16xf32> to vector<16xf32>
        %swap3A_379 = vector.shape_cast %add3A_374 : vector<16xf32> to vector<1x16xf32>
        tpu.vector_store %arg19[%swap3A_375, %swap3A_376], %swap3A_379 {strides = array<i32>} : memref<64x64xf32, #tpu.memory_space<vmem>>, vector<1x16xf32>,
        %neg3A_380 = arith.constant 0.000000e+00 : f32
        %neg3A_381 = vector.broadcast %neg3A_380 : f32 to vector<16xf32>
        %neg3A_382 = arith.subf %neg3A_381, %add3A_374 : vector<16xf32>
        %exp3A_383 = math.exp %neg3A_382 : vector<16xf32>
        %add3A_384 = arith.constant 1.000000e+00 : f32
        %add3A_385 = vector.broadcast %add3A_384 : f32 to vector<16xf32>
        %add3A_386 = arith.addf %add3A_385, %exp3A_383 : vector<16xf32>
        %div3A_387 = arith.constant 1.000000e+00 : f32
        %div3A_388 = vector.broadcast %div3A_387 : f32 to vector<16xf32>
        %div3A_389 = arith.divf %div3A_388, %add3A_386 : vector<16xf32>
        %swap3A_390 = arith.index_cast %scan3A_188 : i32 to index
        %swap3A_391 = arith.constant 112 : index
        %swap3A_392 = tpu.vector_load %arg20[%swap3A_390, %swap3A_391] {strides = array<i32>} : memref<64x128xf32, #tpu.memory_space<vmem>>, vector<1x16xf32>,
        %swap3A_393 = vector.shape_cast %swap3A_392 : vector<1x16xf32> to vector<16xf32>
        %swap3A_394 = vector.shape_cast %div3A_389 : vector<16xf32> to vector<1x16xf32>
        tpu.vector_store %arg20[%swap3A_390, %swap3A_391], %swap3A_394 {strides = array<i32>} : memref<64x128xf32, #tpu.memory_space<vmem>>, vector<1x16xf32>,
        %get3A_395 = arith.index_cast %scan3A_188 : i32 to index
        %get3A_396 = arith.constant 112 : index
        %get3A_397 = tpu.vector_load %arg16[%get3A_395, %get3A_396] {strides = array<i32>} : memref<64x128xf32, #tpu.memory_space<vmem>>, vector<1x16xf32>,
        %get3A_398 = vector.shape_cast %get3A_397 : vector<1x16xf32> to vector<16xf32>
        %mul3A_399 = arith.mulf %div3A_389, %get3A_398 : vector<16xf32>
        %swap3A_400 = arith.index_cast %scan3A_188 : i32 to index
        %swap3A_401 = arith.constant 48 : index
        %swap3A_402 = tpu.vector_load %arg20[%swap3A_400, %swap3A_401] {strides = array<i32>} : memref<64x128xf32, #tpu.memory_space<vmem>>, vector<1x16xf32>,
        %swap3A_403 = vector.shape_cast %swap3A_402 : vector<1x16xf32> to vector<16xf32>
        %swap3A_404 = vector.shape_cast %mul3A_399 : vector<16xf32> to vector<1x16xf32>
        tpu.vector_store %arg20[%swap3A_400, %swap3A_401], %swap3A_404 {strides = array<i32>} : memref<64x128xf32, #tpu.memory_space<vmem>>, vector<1x16xf32>,
        %add3A_405 = arith.addf %scan3A_192, %add3A_374 : vector<16xf32>
        %mul3A_406 = arith.mulf %add3A_374, %add3A_374 : vector<16xf32>
        %add3A_407 = arith.addf %scan3A_196, %mul3A_406 : vector<16xf32>
        scf.yield %add3A_243, %add3A_297, %add3A_351, %add3A_405, %add3A_245, %add3A_299, %add3A_353, %add3A_407 : vector<16xf32>, vector<16xf32>, vector<16xf32>, vector<16xf32>, vector<16xf32>, vector<16xf32>, vector<16xf32>, vector<16xf32>
      }
      %scan3A_177 = arith.constant 64 : i32
      %eq3A_178 = arith.constant 0 : i32
      %eq3A_179 = arith.cmpi eq, %arg0, %eq3A_178 : i32
      %convert_element_type3A_180 = arith.extui %eq3A_179 : i1 to i32
      %cond3A_181 = arith.constant 0 : i32
      %cond3A_182 = arith.cmpi ne, %convert_element_type3A_180, %cond3A_181 : i32
      scf.if %cond3A_182 {
        "tpu.region"() ({
          %run_scoped3A = tpu.sem_alloc : memref<!tpu.dma_semaphore, #tpu.memory_space<semaphore_mem>>
          %dma_start3A_188 = arith.constant 0 : i32
          %dma_start3A_189 = tpu.memref_slice %arg9[%mul3A_157, %dma_start3A_188] : memref<320000x64xf32, #tpu.memory_space<hbm>> -> memref<64x64xf32, #tpu.memory_space<hbm>>
          %dma_start3A_190 = arith.constant 0 : i32
          %dma_start3A_191 = tpu.memref_slice %arg9[%mul3A_157, %dma_start3A_190] : memref<320000x64xf32, #tpu.memory_space<hbm>> -> memref<64x64xf32, #tpu.memory_space<hbm>>
          tpu.enqueue_dma source(%arg19 : memref<64x64xf32, #tpu.memory_space<vmem>>) target(%dma_start3A_191 : memref<64x64xf32, #tpu.memory_space<hbm>>) target_semaphore(%run_scoped3A : memref<!tpu.dma_semaphore, #tpu.memory_space<semaphore_mem>>)
          %dma_wait3A_192 = arith.constant 0 : i32
          %dma_wait3A_193 = tpu.memref_slice %arg9[%mul3A_157, %dma_wait3A_192] : memref<320000x64xf32, #tpu.memory_space<hbm>> -> memref<64x64xf32, #tpu.memory_space<hbm>>
          %dma_wait3A_194 = arith.constant 0 : i32
          %dma_wait3A_195 = tpu.memref_slice %arg9[%mul3A_157, %dma_wait3A_194] : memref<320000x64xf32, #tpu.memory_space<hbm>> -> memref<64x64xf32, #tpu.memory_space<hbm>>
          tpu.wait_dma2 semaphore(%run_scoped3A : memref<!tpu.dma_semaphore, #tpu.memory_space<semaphore_mem>>) src(%arg19 : memref<64x64xf32, #tpu.memory_space<vmem>>) dst(%dma_wait3A_195 : memref<64x64xf32, #tpu.memory_space<hbm>>)
          tpu.yield
        }) : () -> ()
      } else {
      }
      %eq3A_183 = arith.constant 1 : i32
      %eq3A_184 = arith.cmpi eq, %arg0, %eq3A_183 : i32
      %convert_element_type3A_185 = arith.extui %eq3A_184 : i1 to i32
      %cond3A_186 = arith.constant 0 : i32
      %cond3A_187 = arith.cmpi ne, %convert_element_type3A_185, %cond3A_186 : i32
      scf.if %cond3A_187 {
        "tpu.region"() ({
          %run_scoped3A = tpu.sem_alloc : memref<!tpu.dma_semaphore, #tpu.memory_space<semaphore_mem>>
          %dma_start3A_188 = arith.constant 0 : i32
          %dma_start3A_189 = tpu.memref_slice %arg10[%mul3A_157, %dma_start3A_188] : memref<320000x64xf32, #tpu.memory_space<hbm>> -> memref<64x64xf32, #tpu.memory_space<hbm>>
          %dma_start3A_190 = arith.constant 0 : i32
          %dma_start3A_191 = tpu.memref_slice %arg10[%mul3A_157, %dma_start3A_190] : memref<320000x64xf32, #tpu.memory_space<hbm>> -> memref<64x64xf32, #tpu.memory_space<hbm>>
          tpu.enqueue_dma source(%arg19 : memref<64x64xf32, #tpu.memory_space<vmem>>) target(%dma_start3A_191 : memref<64x64xf32, #tpu.memory_space<hbm>>) target_semaphore(%run_scoped3A : memref<!tpu.dma_semaphore, #tpu.memory_space<semaphore_mem>>)
          %dma_wait3A_192 = arith.constant 0 : i32
          %dma_wait3A_193 = tpu.memref_slice %arg10[%mul3A_157, %dma_wait3A_192] : memref<320000x64xf32, #tpu.memory_space<hbm>> -> memref<64x64xf32, #tpu.memory_space<hbm>>
          %dma_wait3A_194 = arith.constant 0 : i32
          %dma_wait3A_195 = tpu.memref_slice %arg10[%mul3A_157, %dma_wait3A_194] : memref<320000x64xf32, #tpu.memory_space<hbm>> -> memref<64x64xf32, #tpu.memory_space<hbm>>
          tpu.wait_dma2 semaphore(%run_scoped3A : memref<!tpu.dma_semaphore, #tpu.memory_space<semaphore_mem>>) src(%arg19 : memref<64x64xf32, #tpu.memory_space<vmem>>) dst(%dma_wait3A_195 : memref<64x64xf32, #tpu.memory_space<hbm>>)
          tpu.yield
        }) : () -> ()
      } else {
      }
      "tpu.region"() ({
        %run_scoped3A = tpu.sem_alloc : memref<!tpu.dma_semaphore, #tpu.memory_space<semaphore_mem>>
        %dma_start3A_188 = arith.constant 0 : i32
        %dma_start3A_189 = arith.constant 0 : i32
        %dma_start3A_190 = tpu.memref_slice %arg23[%dma_start3A_188, %dma_start3A_189] : memref<10000x128xf32, #tpu.memory_space<vmem_shared>> -> memref<10000x128xf32, #tpu.memory_space<vmem_shared>>
        tpu.enqueue_indirect_dma source(%arg20 : memref<64x128xf32, #tpu.memory_space<vmem>>) target(%dma_start3A_190 : memref<10000x128xf32, #tpu.memory_space<vmem_shared>>) offsets(%arg15 : memref<64xi32, #tpu.memory_space<vmem>>) semaphore(%run_scoped3A : memref<!tpu.dma_semaphore, #tpu.memory_space<semaphore_mem>>) {add = true}
        %dma_wait3A_191 = arith.constant 0 : i32
        %dma_wait3A_192 = arith.constant 0 : i32
        %dma_wait3A_193 = tpu.memref_slice %arg23[%dma_wait3A_191, %dma_wait3A_192] : memref<10000x128xf32, #tpu.memory_space<vmem_shared>> -> memref<10000x128xf32, #tpu.memory_space<vmem_shared>>
        tpu.wait_indirect_dma semaphore(%run_scoped3A : memref<!tpu.dma_semaphore, #tpu.memory_space<semaphore_mem>>) src(%arg20 : memref<64x128xf32, #tpu.memory_space<vmem>>) dst(%dma_wait3A_193 : memref<10000x128xf32, #tpu.memory_space<vmem_shared>>)
        tpu.yield
      }) : () -> ()
      scf.yield %scan3A_176#0, %scan3A_176#1, %scan3A_176#2, %scan3A_176#3, %scan3A_176#4, %scan3A_176#5, %scan3A_176#6, %scan3A_176#7 : vector<16xf32>, vector<16xf32>, vector<16xf32>, vector<16xf32>, vector<16xf32>, vector<16xf32>, vector<16xf32>, vector<16xf32>
    }
    %while3A_84 = arith.constant 1 : i32
    %while3A_85:8 = scf.for %while3A_144 = %while3A_81 to %while3A_77 step %while3A_84 iter_args(%while3A_145 = %while3A_83#0, %while3A_146 = %while3A_83#1, %while3A_147 = %while3A_83#2, %while3A_148 = %while3A_83#3, %while3A_149 = %while3A_83#4, %while3A_150 = %while3A_83#5, %while3A_151 = %while3A_83#6, %while3A_152 = %while3A_83#7) -> (vector<16xf32>, vector<16xf32>, vector<16xf32>, vector<16xf32>, vector<16xf32>, vector<16xf32>, vector<16xf32>, vector<16xf32>)  : i32 {
      %mul3A_153 = arith.constant 16 : i32
      %mul3A_154 = arith.muli %while3A_144, %mul3A_153 : i32
      %add3A_155 = arith.addi %arg1, %mul3A_154 : i32
      %mul3A_156 = arith.constant 64 : i32
      %mul3A_157 = arith.muli %add3A_155, %mul3A_156 : i32
      "tpu.region"() ({
        %run_scoped3A = tpu.sem_alloc : memref<!tpu.dma_semaphore, #tpu.memory_space<semaphore_mem>>
        %dma_start3A_188 = tpu.memref_slice %arg2[%mul3A_157] : memref<320000xi32, #tpu.memory_space<hbm>> -> memref<64xi32, #tpu.memory_space<hbm>>
        %dma_start3A_189 = tpu.memref_slice %arg2[%mul3A_157] : memref<320000xi32, #tpu.memory_space<hbm>> -> memref<64xi32, #tpu.memory_space<hbm>>
        tpu.enqueue_dma source(%dma_start3A_189 : memref<64xi32, #tpu.memory_space<hbm>>) target(%arg14 : memref<64xi32, #tpu.memory_space<vmem>>) target_semaphore(%run_scoped3A : memref<!tpu.dma_semaphore, #tpu.memory_space<semaphore_mem>>)
        %dma_wait3A_190 = tpu.memref_slice %arg2[%mul3A_157] : memref<320000xi32, #tpu.memory_space<hbm>> -> memref<64xi32, #tpu.memory_space<hbm>>
        %dma_wait3A_191 = tpu.memref_slice %arg2[%mul3A_157] : memref<320000xi32, #tpu.memory_space<hbm>> -> memref<64xi32, #tpu.memory_space<hbm>>
        tpu.wait_dma2 semaphore(%run_scoped3A : memref<!tpu.dma_semaphore, #tpu.memory_space<semaphore_mem>>) src(%dma_wait3A_191 : memref<64xi32, #tpu.memory_space<hbm>>) dst(%arg14 : memref<64xi32, #tpu.memory_space<vmem>>)
        tpu.yield
      }) : () -> ()
      "tpu.region"() ({
        %run_scoped3A = tpu.sem_alloc : memref<!tpu.dma_semaphore, #tpu.memory_space<semaphore_mem>>
        %dma_start3A_188 = tpu.memref_slice %arg3[%mul3A_157] : memref<320000xi32, #tpu.memory_space<hbm>> -> memref<64xi32, #tpu.memory_space<hbm>>
        %dma_start3A_189 = tpu.memref_slice %arg3[%mul3A_157] : memref<320000xi32, #tpu.memory_space<hbm>> -> memref<64xi32, #tpu.memory_space<hbm>>
        tpu.enqueue_dma source(%dma_start3A_189 : memref<64xi32, #tpu.memory_space<hbm>>) target(%arg15 : memref<64xi32, #tpu.memory_space<vmem>>) target_semaphore(%run_scoped3A : memref<!tpu.dma_semaphore, #tpu.memory_space<semaphore_mem>>)
        %dma_wait3A_190 = tpu.memref_slice %arg3[%mul3A_157] : memref<320000xi32, #tpu.memory_space<hbm>> -> memref<64xi32, #tpu.memory_space<hbm>>
        %dma_wait3A_191 = tpu.memref_slice %arg3[%mul3A_157] : memref<320000xi32, #tpu.memory_space<hbm>> -> memref<64xi32, #tpu.memory_space<hbm>>
        tpu.wait_dma2 semaphore(%run_scoped3A : memref<!tpu.dma_semaphore, #tpu.memory_space<semaphore_mem>>) src(%dma_wait3A_191 : memref<64xi32, #tpu.memory_space<hbm>>) dst(%arg15 : memref<64xi32, #tpu.memory_space<vmem>>)
        tpu.yield
      }) : () -> ()
      %dma_start3A = arith.constant 0 : i32
      %dma_start3A_158 = arith.constant 0 : i32
      %dma_start3A_159 = tpu.memref_slice %arg6[%dma_start3A, %dma_start3A_158] : memref<10000x128xf32, #tpu.memory_space<hbm>> -> memref<10000x128xf32, #tpu.memory_space<hbm>>
      tpu.enqueue_indirect_dma source(%dma_start3A_159 : memref<10000x128xf32, #tpu.memory_space<hbm>>) target(%arg17 : memref<64x128xf32, #tpu.memory_space<vmem>>) offsets(%arg15 : memref<64xi32, #tpu.memory_space<vmem>>) semaphore(%arg24 : memref<!tpu.dma_semaphore, #tpu.memory_space<semaphore_mem>>)
      %eq3A_160 = arith.constant 0 : i32
      %eq3A_161 = arith.cmpi eq, %arg0, %eq3A_160 : i32
      %convert_element_type3A_162 = arith.extui %eq3A_161 : i1 to i32
      %cond3A_163 = arith.constant 0 : i32
      %cond3A_164 = arith.cmpi ne, %convert_element_type3A_162, %cond3A_163 : i32
      scf.if %cond3A_164 {
        %dma_start3A_188 = arith.constant 0 : i32
        %dma_start3A_189 = arith.constant 0 : i32
        %dma_start3A_190 = tpu.memref_slice %arg4[%dma_start3A_188, %dma_start3A_189] : memref<10000x128xf32, #tpu.memory_space<hbm>> -> memref<10000x128xf32, #tpu.memory_space<hbm>>
        tpu.enqueue_indirect_dma source(%dma_start3A_190 : memref<10000x128xf32, #tpu.memory_space<hbm>>) target(%arg16 : memref<64x128xf32, #tpu.memory_space<vmem>>) offsets(%arg14 : memref<64xi32, #tpu.memory_space<vmem>>) semaphore(%arg24 : memref<!tpu.dma_semaphore, #tpu.memory_space<semaphore_mem>>)
        %dma_start3A_191 = arith.constant 0 : i32
        %dma_start3A_192 = tpu.memref_slice %arg7[%mul3A_157, %dma_start3A_191] : memref<320000x64xf32, #tpu.memory_space<hbm>> -> memref<64x64xf32, #tpu.memory_space<hbm>>
        %dma_start3A_193 = arith.constant 0 : i32
        %dma_start3A_194 = tpu.memref_slice %arg7[%mul3A_157, %dma_start3A_193] : memref<320000x64xf32, #tpu.memory_space<hbm>> -> memref<64x64xf32, #tpu.memory_space<hbm>>
        tpu.enqueue_dma source(%dma_start3A_194 : memref<64x64xf32, #tpu.memory_space<hbm>>) target(%arg18 : memref<64x64xf32, #tpu.memory_space<vmem>>) target_semaphore(%arg24 : memref<!tpu.dma_semaphore, #tpu.memory_space<semaphore_mem>>)
        %dma_wait3A_195 = arith.constant 0 : i32
        %dma_wait3A_196 = arith.constant 0 : i32
        %dma_wait3A_197 = tpu.memref_slice %arg4[%dma_wait3A_195, %dma_wait3A_196] : memref<10000x128xf32, #tpu.memory_space<hbm>> -> memref<10000x128xf32, #tpu.memory_space<hbm>>
        tpu.wait_indirect_dma semaphore(%arg24 : memref<!tpu.dma_semaphore, #tpu.memory_space<semaphore_mem>>) src(%dma_wait3A_197 : memref<10000x128xf32, #tpu.memory_space<hbm>>) dst(%arg16 : memref<64x128xf32, #tpu.memory_space<vmem>>)
        %dma_wait3A_198 = arith.constant 0 : i32
        %dma_wait3A_199 = tpu.memref_slice %arg7[%mul3A_157, %dma_wait3A_198] : memref<320000x64xf32, #tpu.memory_space<hbm>> -> memref<64x64xf32, #tpu.memory_space<hbm>>
        %dma_wait3A_200 = arith.constant 0 : i32
        %dma_wait3A_201 = tpu.memref_slice %arg7[%mul3A_157, %dma_wait3A_200] : memref<320000x64xf32, #tpu.memory_space<hbm>> -> memref<64x64xf32, #tpu.memory_space<hbm>>
        tpu.wait_dma2 semaphore(%arg24 : memref<!tpu.dma_semaphore, #tpu.memory_space<semaphore_mem>>) src(%dma_wait3A_201 : memref<64x64xf32, #tpu.memory_space<hbm>>) dst(%arg18 : memref<64x64xf32, #tpu.memory_space<vmem>>)
      } else {
      }
      %eq3A_165 = arith.constant 1 : i32
      %eq3A_166 = arith.cmpi eq, %arg0, %eq3A_165 : i32
      %convert_element_type3A_167 = arith.extui %eq3A_166 : i1 to i32
      %cond3A_168 = arith.constant 0 : i32
      %cond3A_169 = arith.cmpi ne, %convert_element_type3A_167, %cond3A_168 : i32
      scf.if %cond3A_169 {
        %dma_start3A_188 = arith.constant 0 : i32
        %dma_start3A_189 = arith.constant 0 : i32
        %dma_start3A_190 = tpu.memref_slice %arg5[%dma_start3A_188, %dma_start3A_189] : memref<10000x128xf32, #tpu.memory_space<hbm>> -> memref<10000x128xf32, #tpu.memory_space<hbm>>
        tpu.enqueue_indirect_dma source(%dma_start3A_190 : memref<10000x128xf32, #tpu.memory_space<hbm>>) target(%arg16 : memref<64x128xf32, #tpu.memory_space<vmem>>) offsets(%arg14 : memref<64xi32, #tpu.memory_space<vmem>>) semaphore(%arg24 : memref<!tpu.dma_semaphore, #tpu.memory_space<semaphore_mem>>)
        %dma_start3A_191 = arith.constant 0 : i32
        %dma_start3A_192 = tpu.memref_slice %arg8[%mul3A_157, %dma_start3A_191] : memref<320000x64xf32, #tpu.memory_space<hbm>> -> memref<64x64xf32, #tpu.memory_space<hbm>>
        %dma_start3A_193 = arith.constant 0 : i32
        %dma_start3A_194 = tpu.memref_slice %arg8[%mul3A_157, %dma_start3A_193] : memref<320000x64xf32, #tpu.memory_space<hbm>> -> memref<64x64xf32, #tpu.memory_space<hbm>>
        tpu.enqueue_dma source(%dma_start3A_194 : memref<64x64xf32, #tpu.memory_space<hbm>>) target(%arg18 : memref<64x64xf32, #tpu.memory_space<vmem>>) target_semaphore(%arg24 : memref<!tpu.dma_semaphore, #tpu.memory_space<semaphore_mem>>)
        %dma_wait3A_195 = arith.constant 0 : i32
        %dma_wait3A_196 = arith.constant 0 : i32
        %dma_wait3A_197 = tpu.memref_slice %arg5[%dma_wait3A_195, %dma_wait3A_196] : memref<10000x128xf32, #tpu.memory_space<hbm>> -> memref<10000x128xf32, #tpu.memory_space<hbm>>
        tpu.wait_indirect_dma semaphore(%arg24 : memref<!tpu.dma_semaphore, #tpu.memory_space<semaphore_mem>>) src(%dma_wait3A_197 : memref<10000x128xf32, #tpu.memory_space<hbm>>) dst(%arg16 : memref<64x128xf32, #tpu.memory_space<vmem>>)
        %dma_wait3A_198 = arith.constant 0 : i32
        %dma_wait3A_199 = tpu.memref_slice %arg8[%mul3A_157, %dma_wait3A_198] : memref<320000x64xf32, #tpu.memory_space<hbm>> -> memref<64x64xf32, #tpu.memory_space<hbm>>
        %dma_wait3A_200 = arith.constant 0 : i32
        %dma_wait3A_201 = tpu.memref_slice %arg8[%mul3A_157, %dma_wait3A_200] : memref<320000x64xf32, #tpu.memory_space<hbm>> -> memref<64x64xf32, #tpu.memory_space<hbm>>
        tpu.wait_dma2 semaphore(%arg24 : memref<!tpu.dma_semaphore, #tpu.memory_space<semaphore_mem>>) src(%dma_wait3A_201 : memref<64x64xf32, #tpu.memory_space<hbm>>) dst(%arg18 : memref<64x64xf32, #tpu.memory_space<vmem>>)
      } else {
      }
      %dma_wait3A = arith.constant 0 : i32
      %dma_wait3A_170 = arith.constant 0 : i32
      %dma_wait3A_171 = tpu.memref_slice %arg6[%dma_wait3A, %dma_wait3A_170] : memref<10000x128xf32, #tpu.memory_space<hbm>> -> memref<10000x128xf32, #tpu.memory_space<hbm>>
      tpu.wait_indirect_dma semaphore(%arg24 : memref<!tpu.dma_semaphore, #tpu.memory_space<semaphore_mem>>) src(%dma_wait3A_171 : memref<10000x128xf32, #tpu.memory_space<hbm>>) dst(%arg17 : memref<64x128xf32, #tpu.memory_space<vmem>>)
      %scan3A_172 = arith.constant 0 : i32
      %scan3A_173 = arith.constant 64 : i32
      %scan3A_174 = arith.addi %scan3A_172, %scan3A_173 : i32
      %scan3A_175 = arith.constant 1 : i32
      %scan3A_176:8 = scf.for %scan3A_188 = %scan3A_172 to %scan3A_174 step %scan3A_175 iter_args(%scan3A_189 = %while3A_145, %scan3A_190 = %while3A_146, %scan3A_191 = %while3A_147, %scan3A_192 = %while3A_148, %scan3A_193 = %while3A_149, %scan3A_194 = %while3A_150, %scan3A_195 = %while3A_151, %scan3A_196 = %while3A_152) -> (vector<16xf32>, vector<16xf32>, vector<16xf32>, vector<16xf32>, vector<16xf32>, vector<16xf32>, vector<16xf32>, vector<16xf32>)  : i32 {
        %eq3A_197 = arith.constant 0 : i32
        %eq3A_198 = arith.cmpi eq, %arg0, %eq3A_197 : i32
        %get3A = arith.index_cast %scan3A_188 : i32 to index
        %get3A_199 = arith.constant 0 : index
        %get3A_200 = tpu.vector_load %arg17[%get3A, %get3A_199] {strides = array<i32>} : memref<64x128xf32, #tpu.memory_space<vmem>>, vector<1x16xf32>,
        %get3A_201 = vector.shape_cast %get3A_200 : vector<1x16xf32> to vector<16xf32>
        %get3A_202 = arith.index_cast %scan3A_188 : i32 to index
        %get3A_203 = arith.constant 64 : index
        %get3A_204 = tpu.vector_load %arg17[%get3A_202, %get3A_203] {strides = array<i32>} : memref<64x128xf32, #tpu.memory_space<vmem>>, vector<1x16xf32>,
        %get3A_205 = vector.shape_cast %get3A_204 : vector<1x16xf32> to vector<16xf32>
        %select_n3A = arith.select %eq3A_198, %get3A_201, %get3A_205 : vector<16xf32>
        %get3A_206 = arith.index_cast %scan3A_188 : i32 to index
        %get3A_207 = arith.constant 0 : index
        %get3A_208 = tpu.vector_load %arg18[%get3A_206, %get3A_207] {strides = array<i32>} : memref<64x64xf32, #tpu.memory_space<vmem>>, vector<1x16xf32>,
        %get3A_209 = vector.shape_cast %get3A_208 : vector<1x16xf32> to vector<16xf32>
        %get3A_210 = arith.index_cast %scan3A_188 : i32 to index
        %get3A_211 = arith.constant 0 : index
        %get3A_212 = tpu.vector_load %arg16[%get3A_210, %get3A_211] {strides = array<i32>} : memref<64x128xf32, #tpu.memory_space<vmem>>, vector<1x16xf32>,
        %get3A_213 = vector.shape_cast %get3A_212 : vector<1x16xf32> to vector<16xf32>
        %add3A_214 = arith.addf %get3A_209, %get3A_213 : vector<16xf32>
        %add3A_215 = arith.addf %add3A_214, %select_n3A : vector<16xf32>
        %swap3A_216 = arith.index_cast %scan3A_188 : i32 to index
        %swap3A_217 = arith.constant 0 : index
        %swap3A_218 = tpu.vector_load %arg19[%swap3A_216, %swap3A_217] {strides = array<i32>} : memref<64x64xf32, #tpu.memory_space<vmem>>, vector<1x16xf32>,
        %swap3A_219 = vector.shape_cast %swap3A_218 : vector<1x16xf32> to vector<16xf32>
        %swap3A_220 = vector.shape_cast %add3A_215 : vector<16xf32> to vector<1x16xf32>
        tpu.vector_store %arg19[%swap3A_216, %swap3A_217], %swap3A_220 {strides = array<i32>} : memref<64x64xf32, #tpu.memory_space<vmem>>, vector<1x16xf32>,
        %neg3A = arith.constant 0.000000e+00 : f32
        %neg3A_221 = vector.broadcast %neg3A : f32 to vector<16xf32>
        %neg3A_222 = arith.subf %neg3A_221, %add3A_215 : vector<16xf32>
        %exp3A = math.exp %neg3A_222 : vector<16xf32>
        %add3A_223 = arith.constant 1.000000e+00 : f32
        %add3A_224 = vector.broadcast %add3A_223 : f32 to vector<16xf32>
        %add3A_225 = arith.addf %add3A_224, %exp3A : vector<16xf32>
        %div3A = arith.constant 1.000000e+00 : f32
        %div3A_226 = vector.broadcast %div3A : f32 to vector<16xf32>
        %div3A_227 = arith.divf %div3A_226, %add3A_225 : vector<16xf32>
        %swap3A_228 = arith.index_cast %scan3A_188 : i32 to index
        %swap3A_229 = arith.constant 64 : index
        %swap3A_230 = tpu.vector_load %arg20[%swap3A_228, %swap3A_229] {strides = array<i32>} : memref<64x128xf32, #tpu.memory_space<vmem>>, vector<1x16xf32>,
        %swap3A_231 = vector.shape_cast %swap3A_230 : vector<1x16xf32> to vector<16xf32>
        %swap3A_232 = vector.shape_cast %div3A_227 : vector<16xf32> to vector<1x16xf32>
        tpu.vector_store %arg20[%swap3A_228, %swap3A_229], %swap3A_232 {strides = array<i32>} : memref<64x128xf32, #tpu.memory_space<vmem>>, vector<1x16xf32>,
        %get3A_233 = arith.index_cast %scan3A_188 : i32 to index
        %get3A_234 = arith.constant 64 : index
        %get3A_235 = tpu.vector_load %arg16[%get3A_233, %get3A_234] {strides = array<i32>} : memref<64x128xf32, #tpu.memory_space<vmem>>, vector<1x16xf32>,
        %get3A_236 = vector.shape_cast %get3A_235 : vector<1x16xf32> to vector<16xf32>
        %mul3A_237 = arith.mulf %div3A_227, %get3A_236 : vector<16xf32>
        %swap3A_238 = arith.index_cast %scan3A_188 : i32 to index
        %swap3A_239 = arith.constant 0 : index
        %swap3A_240 = tpu.vector_load %arg20[%swap3A_238, %swap3A_239] {strides = array<i32>} : memref<64x128xf32, #tpu.memory_space<vmem>>, vector<1x16xf32>,
        %swap3A_241 = vector.shape_cast %swap3A_240 : vector<1x16xf32> to vector<16xf32>
        %swap3A_242 = vector.shape_cast %mul3A_237 : vector<16xf32> to vector<1x16xf32>
        tpu.vector_store %arg20[%swap3A_238, %swap3A_239], %swap3A_242 {strides = array<i32>} : memref<64x128xf32, #tpu.memory_space<vmem>>, vector<1x16xf32>,
        %add3A_243 = arith.addf %scan3A_189, %add3A_215 : vector<16xf32>
        %mul3A_244 = arith.mulf %add3A_215, %add3A_215 : vector<16xf32>
        %add3A_245 = arith.addf %scan3A_193, %mul3A_244 : vector<16xf32>
        %eq3A_246 = arith.constant 0 : i32
        %eq3A_247 = arith.cmpi eq, %arg0, %eq3A_246 : i32
        %get3A_248 = arith.index_cast %scan3A_188 : i32 to index
        %get3A_249 = arith.constant 16 : index
        %get3A_250 = tpu.vector_load %arg17[%get3A_248, %get3A_249] {strides = array<i32>} : memref<64x128xf32, #tpu.memory_space<vmem>>, vector<1x16xf32>,
        %get3A_251 = vector.shape_cast %get3A_250 : vector<1x16xf32> to vector<16xf32>
        %get3A_252 = arith.index_cast %scan3A_188 : i32 to index
        %get3A_253 = arith.constant 80 : index
        %get3A_254 = tpu.vector_load %arg17[%get3A_252, %get3A_253] {strides = array<i32>} : memref<64x128xf32, #tpu.memory_space<vmem>>, vector<1x16xf32>,
        %get3A_255 = vector.shape_cast %get3A_254 : vector<1x16xf32> to vector<16xf32>
        %select_n3A_256 = arith.select %eq3A_247, %get3A_251, %get3A_255 : vector<16xf32>
        %get3A_257 = arith.index_cast %scan3A_188 : i32 to index
        %get3A_258 = arith.constant 16 : index
        %get3A_259 = tpu.vector_load %arg18[%get3A_257, %get3A_258] {strides = array<i32>} : memref<64x64xf32, #tpu.memory_space<vmem>>, vector<1x16xf32>,
        %get3A_260 = vector.shape_cast %get3A_259 : vector<1x16xf32> to vector<16xf32>
        %get3A_261 = arith.index_cast %scan3A_188 : i32 to index
        %get3A_262 = arith.constant 16 : index
        %get3A_263 = tpu.vector_load %arg16[%get3A_261, %get3A_262] {strides = array<i32>} : memref<64x128xf32, #tpu.memory_space<vmem>>, vector<1x16xf32>,
        %get3A_264 = vector.shape_cast %get3A_263 : vector<1x16xf32> to vector<16xf32>
        %add3A_265 = arith.addf %get3A_260, %get3A_264 : vector<16xf32>
        %add3A_266 = arith.addf %add3A_265, %select_n3A_256 : vector<16xf32>
        %swap3A_267 = arith.index_cast %scan3A_188 : i32 to index
        %swap3A_268 = arith.constant 16 : index
        %swap3A_269 = tpu.vector_load %arg19[%swap3A_267, %swap3A_268] {strides = array<i32>} : memref<64x64xf32, #tpu.memory_space<vmem>>, vector<1x16xf32>,
        %swap3A_270 = vector.shape_cast %swap3A_269 : vector<1x16xf32> to vector<16xf32>
        %swap3A_271 = vector.shape_cast %add3A_266 : vector<16xf32> to vector<1x16xf32>
        tpu.vector_store %arg19[%swap3A_267, %swap3A_268], %swap3A_271 {strides = array<i32>} : memref<64x64xf32, #tpu.memory_space<vmem>>, vector<1x16xf32>,
        %neg3A_272 = arith.constant 0.000000e+00 : f32
        %neg3A_273 = vector.broadcast %neg3A_272 : f32 to vector<16xf32>
        %neg3A_274 = arith.subf %neg3A_273, %add3A_266 : vector<16xf32>
        %exp3A_275 = math.exp %neg3A_274 : vector<16xf32>
        %add3A_276 = arith.constant 1.000000e+00 : f32
        %add3A_277 = vector.broadcast %add3A_276 : f32 to vector<16xf32>
        %add3A_278 = arith.addf %add3A_277, %exp3A_275 : vector<16xf32>
        %div3A_279 = arith.constant 1.000000e+00 : f32
        %div3A_280 = vector.broadcast %div3A_279 : f32 to vector<16xf32>
        %div3A_281 = arith.divf %div3A_280, %add3A_278 : vector<16xf32>
        %swap3A_282 = arith.index_cast %scan3A_188 : i32 to index
        %swap3A_283 = arith.constant 80 : index
        %swap3A_284 = tpu.vector_load %arg20[%swap3A_282, %swap3A_283] {strides = array<i32>} : memref<64x128xf32, #tpu.memory_space<vmem>>, vector<1x16xf32>,
        %swap3A_285 = vector.shape_cast %swap3A_284 : vector<1x16xf32> to vector<16xf32>
        %swap3A_286 = vector.shape_cast %div3A_281 : vector<16xf32> to vector<1x16xf32>
        tpu.vector_store %arg20[%swap3A_282, %swap3A_283], %swap3A_286 {strides = array<i32>} : memref<64x128xf32, #tpu.memory_space<vmem>>, vector<1x16xf32>,
        %get3A_287 = arith.index_cast %scan3A_188 : i32 to index
        %get3A_288 = arith.constant 80 : index
        %get3A_289 = tpu.vector_load %arg16[%get3A_287, %get3A_288] {strides = array<i32>} : memref<64x128xf32, #tpu.memory_space<vmem>>, vector<1x16xf32>,
        %get3A_290 = vector.shape_cast %get3A_289 : vector<1x16xf32> to vector<16xf32>
        %mul3A_291 = arith.mulf %div3A_281, %get3A_290 : vector<16xf32>
        %swap3A_292 = arith.index_cast %scan3A_188 : i32 to index
        %swap3A_293 = arith.constant 16 : index
        %swap3A_294 = tpu.vector_load %arg20[%swap3A_292, %swap3A_293] {strides = array<i32>} : memref<64x128xf32, #tpu.memory_space<vmem>>, vector<1x16xf32>,
        %swap3A_295 = vector.shape_cast %swap3A_294 : vector<1x16xf32> to vector<16xf32>
        %swap3A_296 = vector.shape_cast %mul3A_291 : vector<16xf32> to vector<1x16xf32>
        tpu.vector_store %arg20[%swap3A_292, %swap3A_293], %swap3A_296 {strides = array<i32>} : memref<64x128xf32, #tpu.memory_space<vmem>>, vector<1x16xf32>,
        %add3A_297 = arith.addf %scan3A_190, %add3A_266 : vector<16xf32>
        %mul3A_298 = arith.mulf %add3A_266, %add3A_266 : vector<16xf32>
        %add3A_299 = arith.addf %scan3A_194, %mul3A_298 : vector<16xf32>
        %eq3A_300 = arith.constant 0 : i32
        %eq3A_301 = arith.cmpi eq, %arg0, %eq3A_300 : i32
        %get3A_302 = arith.index_cast %scan3A_188 : i32 to index
        %get3A_303 = arith.constant 32 : index
        %get3A_304 = tpu.vector_load %arg17[%get3A_302, %get3A_303] {strides = array<i32>} : memref<64x128xf32, #tpu.memory_space<vmem>>, vector<1x16xf32>,
        %get3A_305 = vector.shape_cast %get3A_304 : vector<1x16xf32> to vector<16xf32>
        %get3A_306 = arith.index_cast %scan3A_188 : i32 to index
        %get3A_307 = arith.constant 96 : index
        %get3A_308 = tpu.vector_load %arg17[%get3A_306, %get3A_307] {strides = array<i32>} : memref<64x128xf32, #tpu.memory_space<vmem>>, vector<1x16xf32>,
        %get3A_309 = vector.shape_cast %get3A_308 : vector<1x16xf32> to vector<16xf32>
        %select_n3A_310 = arith.select %eq3A_301, %get3A_305, %get3A_309 : vector<16xf32>
        %get3A_311 = arith.index_cast %scan3A_188 : i32 to index
        %get3A_312 = arith.constant 32 : index
        %get3A_313 = tpu.vector_load %arg18[%get3A_311, %get3A_312] {strides = array<i32>} : memref<64x64xf32, #tpu.memory_space<vmem>>, vector<1x16xf32>,
        %get3A_314 = vector.shape_cast %get3A_313 : vector<1x16xf32> to vector<16xf32>
        %get3A_315 = arith.index_cast %scan3A_188 : i32 to index
        %get3A_316 = arith.constant 32 : index
        %get3A_317 = tpu.vector_load %arg16[%get3A_315, %get3A_316] {strides = array<i32>} : memref<64x128xf32, #tpu.memory_space<vmem>>, vector<1x16xf32>,
        %get3A_318 = vector.shape_cast %get3A_317 : vector<1x16xf32> to vector<16xf32>
        %add3A_319 = arith.addf %get3A_314, %get3A_318 : vector<16xf32>
        %add3A_320 = arith.addf %add3A_319, %select_n3A_310 : vector<16xf32>
        %swap3A_321 = arith.index_cast %scan3A_188 : i32 to index
        %swap3A_322 = arith.constant 32 : index
        %swap3A_323 = tpu.vector_load %arg19[%swap3A_321, %swap3A_322] {strides = array<i32>} : memref<64x64xf32, #tpu.memory_space<vmem>>, vector<1x16xf32>,
        %swap3A_324 = vector.shape_cast %swap3A_323 : vector<1x16xf32> to vector<16xf32>
        %swap3A_325 = vector.shape_cast %add3A_320 : vector<16xf32> to vector<1x16xf32>
        tpu.vector_store %arg19[%swap3A_321, %swap3A_322], %swap3A_325 {strides = array<i32>} : memref<64x64xf32, #tpu.memory_space<vmem>>, vector<1x16xf32>,
        %neg3A_326 = arith.constant 0.000000e+00 : f32
        %neg3A_327 = vector.broadcast %neg3A_326 : f32 to vector<16xf32>
        %neg3A_328 = arith.subf %neg3A_327, %add3A_320 : vector<16xf32>
        %exp3A_329 = math.exp %neg3A_328 : vector<16xf32>
        %add3A_330 = arith.constant 1.000000e+00 : f32
        %add3A_331 = vector.broadcast %add3A_330 : f32 to vector<16xf32>
        %add3A_332 = arith.addf %add3A_331, %exp3A_329 : vector<16xf32>
        %div3A_333 = arith.constant 1.000000e+00 : f32
        %div3A_334 = vector.broadcast %div3A_333 : f32 to vector<16xf32>
        %div3A_335 = arith.divf %div3A_334, %add3A_332 : vector<16xf32>
        %swap3A_336 = arith.index_cast %scan3A_188 : i32 to index
        %swap3A_337 = arith.constant 96 : index
        %swap3A_338 = tpu.vector_load %arg20[%swap3A_336, %swap3A_337] {strides = array<i32>} : memref<64x128xf32, #tpu.memory_space<vmem>>, vector<1x16xf32>,
        %swap3A_339 = vector.shape_cast %swap3A_338 : vector<1x16xf32> to vector<16xf32>
        %swap3A_340 = vector.shape_cast %div3A_335 : vector<16xf32> to vector<1x16xf32>
        tpu.vector_store %arg20[%swap3A_336, %swap3A_337], %swap3A_340 {strides = array<i32>} : memref<64x128xf32, #tpu.memory_space<vmem>>, vector<1x16xf32>,
        %get3A_341 = arith.index_cast %scan3A_188 : i32 to index
        %get3A_342 = arith.constant 96 : index
        %get3A_343 = tpu.vector_load %arg16[%get3A_341, %get3A_342] {strides = array<i32>} : memref<64x128xf32, #tpu.memory_space<vmem>>, vector<1x16xf32>,
        %get3A_344 = vector.shape_cast %get3A_343 : vector<1x16xf32> to vector<16xf32>
        %mul3A_345 = arith.mulf %div3A_335, %get3A_344 : vector<16xf32>
        %swap3A_346 = arith.index_cast %scan3A_188 : i32 to index
        %swap3A_347 = arith.constant 32 : index
        %swap3A_348 = tpu.vector_load %arg20[%swap3A_346, %swap3A_347] {strides = array<i32>} : memref<64x128xf32, #tpu.memory_space<vmem>>, vector<1x16xf32>,
        %swap3A_349 = vector.shape_cast %swap3A_348 : vector<1x16xf32> to vector<16xf32>
        %swap3A_350 = vector.shape_cast %mul3A_345 : vector<16xf32> to vector<1x16xf32>
        tpu.vector_store %arg20[%swap3A_346, %swap3A_347], %swap3A_350 {strides = array<i32>} : memref<64x128xf32, #tpu.memory_space<vmem>>, vector<1x16xf32>,
        %add3A_351 = arith.addf %scan3A_191, %add3A_320 : vector<16xf32>
        %mul3A_352 = arith.mulf %add3A_320, %add3A_320 : vector<16xf32>
        %add3A_353 = arith.addf %scan3A_195, %mul3A_352 : vector<16xf32>
        %eq3A_354 = arith.constant 0 : i32
        %eq3A_355 = arith.cmpi eq, %arg0, %eq3A_354 : i32
        %get3A_356 = arith.index_cast %scan3A_188 : i32 to index
        %get3A_357 = arith.constant 48 : index
        %get3A_358 = tpu.vector_load %arg17[%get3A_356, %get3A_357] {strides = array<i32>} : memref<64x128xf32, #tpu.memory_space<vmem>>, vector<1x16xf32>,
        %get3A_359 = vector.shape_cast %get3A_358 : vector<1x16xf32> to vector<16xf32>
        %get3A_360 = arith.index_cast %scan3A_188 : i32 to index
        %get3A_361 = arith.constant 112 : index
        %get3A_362 = tpu.vector_load %arg17[%get3A_360, %get3A_361] {strides = array<i32>} : memref<64x128xf32, #tpu.memory_space<vmem>>, vector<1x16xf32>,
        %get3A_363 = vector.shape_cast %get3A_362 : vector<1x16xf32> to vector<16xf32>
        %select_n3A_364 = arith.select %eq3A_355, %get3A_359, %get3A_363 : vector<16xf32>
        %get3A_365 = arith.index_cast %scan3A_188 : i32 to index
        %get3A_366 = arith.constant 48 : index
        %get3A_367 = tpu.vector_load %arg18[%get3A_365, %get3A_366] {strides = array<i32>} : memref<64x64xf32, #tpu.memory_space<vmem>>, vector<1x16xf32>,
        %get3A_368 = vector.shape_cast %get3A_367 : vector<1x16xf32> to vector<16xf32>
        %get3A_369 = arith.index_cast %scan3A_188 : i32 to index
        %get3A_370 = arith.constant 48 : index
        %get3A_371 = tpu.vector_load %arg16[%get3A_369, %get3A_370] {strides = array<i32>} : memref<64x128xf32, #tpu.memory_space<vmem>>, vector<1x16xf32>,
        %get3A_372 = vector.shape_cast %get3A_371 : vector<1x16xf32> to vector<16xf32>
        %add3A_373 = arith.addf %get3A_368, %get3A_372 : vector<16xf32>
        %add3A_374 = arith.addf %add3A_373, %select_n3A_364 : vector<16xf32>
        %swap3A_375 = arith.index_cast %scan3A_188 : i32 to index
        %swap3A_376 = arith.constant 48 : index
        %swap3A_377 = tpu.vector_load %arg19[%swap3A_375, %swap3A_376] {strides = array<i32>} : memref<64x64xf32, #tpu.memory_space<vmem>>, vector<1x16xf32>,
        %swap3A_378 = vector.shape_cast %swap3A_377 : vector<1x16xf32> to vector<16xf32>
        %swap3A_379 = vector.shape_cast %add3A_374 : vector<16xf32> to vector<1x16xf32>
        tpu.vector_store %arg19[%swap3A_375, %swap3A_376], %swap3A_379 {strides = array<i32>} : memref<64x64xf32, #tpu.memory_space<vmem>>, vector<1x16xf32>,
        %neg3A_380 = arith.constant 0.000000e+00 : f32
        %neg3A_381 = vector.broadcast %neg3A_380 : f32 to vector<16xf32>
        %neg3A_382 = arith.subf %neg3A_381, %add3A_374 : vector<16xf32>
        %exp3A_383 = math.exp %neg3A_382 : vector<16xf32>
        %add3A_384 = arith.constant 1.000000e+00 : f32
        %add3A_385 = vector.broadcast %add3A_384 : f32 to vector<16xf32>
        %add3A_386 = arith.addf %add3A_385, %exp3A_383 : vector<16xf32>
        %div3A_387 = arith.constant 1.000000e+00 : f32
        %div3A_388 = vector.broadcast %div3A_387 : f32 to vector<16xf32>
        %div3A_389 = arith.divf %div3A_388, %add3A_386 : vector<16xf32>
        %swap3A_390 = arith.index_cast %scan3A_188 : i32 to index
        %swap3A_391 = arith.constant 112 : index
        %swap3A_392 = tpu.vector_load %arg20[%swap3A_390, %swap3A_391] {strides = array<i32>} : memref<64x128xf32, #tpu.memory_space<vmem>>, vector<1x16xf32>,
        %swap3A_393 = vector.shape_cast %swap3A_392 : vector<1x16xf32> to vector<16xf32>
        %swap3A_394 = vector.shape_cast %div3A_389 : vector<16xf32> to vector<1x16xf32>
        tpu.vector_store %arg20[%swap3A_390, %swap3A_391], %swap3A_394 {strides = array<i32>} : memref<64x128xf32, #tpu.memory_space<vmem>>, vector<1x16xf32>,
        %get3A_395 = arith.index_cast %scan3A_188 : i32 to index
        %get3A_396 = arith.constant 112 : index
        %get3A_397 = tpu.vector_load %arg16[%get3A_395, %get3A_396] {strides = array<i32>} : memref<64x128xf32, #tpu.memory_space<vmem>>, vector<1x16xf32>,
        %get3A_398 = vector.shape_cast %get3A_397 : vector<1x16xf32> to vector<16xf32>
        %mul3A_399 = arith.mulf %div3A_389, %get3A_398 : vector<16xf32>
        %swap3A_400 = arith.index_cast %scan3A_188 : i32 to index
        %swap3A_401 = arith.constant 48 : index
        %swap3A_402 = tpu.vector_load %arg20[%swap3A_400, %swap3A_401] {strides = array<i32>} : memref<64x128xf32, #tpu.memory_space<vmem>>, vector<1x16xf32>,
        %swap3A_403 = vector.shape_cast %swap3A_402 : vector<1x16xf32> to vector<16xf32>
        %swap3A_404 = vector.shape_cast %mul3A_399 : vector<16xf32> to vector<1x16xf32>
        tpu.vector_store %arg20[%swap3A_400, %swap3A_401], %swap3A_404 {strides = array<i32>} : memref<64x128xf32, #tpu.memory_space<vmem>>, vector<1x16xf32>,
        %add3A_405 = arith.addf %scan3A_192, %add3A_374 : vector<16xf32>
        %mul3A_406 = arith.mulf %add3A_374, %add3A_374 : vector<16xf32>
        %add3A_407 = arith.addf %scan3A_196, %mul3A_406 : vector<16xf32>
        scf.yield %add3A_243, %add3A_297, %add3A_351, %add3A_405, %add3A_245, %add3A_299, %add3A_353, %add3A_407 : vector<16xf32>, vector<16xf32>, vector<16xf32>, vector<16xf32>, vector<16xf32>, vector<16xf32>, vector<16xf32>, vector<16xf32>
      }
      %scan3A_177 = arith.constant 64 : i32
      %eq3A_178 = arith.constant 0 : i32
      %eq3A_179 = arith.cmpi eq, %arg0, %eq3A_178 : i32
      %convert_element_type3A_180 = arith.extui %eq3A_179 : i1 to i32
      %cond3A_181 = arith.constant 0 : i32
      %cond3A_182 = arith.cmpi ne, %convert_element_type3A_180, %cond3A_181 : i32
      scf.if %cond3A_182 {
        "tpu.region"() ({
          %run_scoped3A = tpu.sem_alloc : memref<!tpu.dma_semaphore, #tpu.memory_space<semaphore_mem>>
          %dma_start3A_188 = arith.constant 0 : i32
          %dma_start3A_189 = tpu.memref_slice %arg9[%mul3A_157, %dma_start3A_188] : memref<320000x64xf32, #tpu.memory_space<hbm>> -> memref<64x64xf32, #tpu.memory_space<hbm>>
          %dma_start3A_190 = arith.constant 0 : i32
          %dma_start3A_191 = tpu.memref_slice %arg9[%mul3A_157, %dma_start3A_190] : memref<320000x64xf32, #tpu.memory_space<hbm>> -> memref<64x64xf32, #tpu.memory_space<hbm>>
          tpu.enqueue_dma source(%arg19 : memref<64x64xf32, #tpu.memory_space<vmem>>) target(%dma_start3A_191 : memref<64x64xf32, #tpu.memory_space<hbm>>) target_semaphore(%run_scoped3A : memref<!tpu.dma_semaphore, #tpu.memory_space<semaphore_mem>>)
          %dma_wait3A_192 = arith.constant 0 : i32
          %dma_wait3A_193 = tpu.memref_slice %arg9[%mul3A_157, %dma_wait3A_192] : memref<320000x64xf32, #tpu.memory_space<hbm>> -> memref<64x64xf32, #tpu.memory_space<hbm>>
          %dma_wait3A_194 = arith.constant 0 : i32
          %dma_wait3A_195 = tpu.memref_slice %arg9[%mul3A_157, %dma_wait3A_194] : memref<320000x64xf32, #tpu.memory_space<hbm>> -> memref<64x64xf32, #tpu.memory_space<hbm>>
          tpu.wait_dma2 semaphore(%run_scoped3A : memref<!tpu.dma_semaphore, #tpu.memory_space<semaphore_mem>>) src(%arg19 : memref<64x64xf32, #tpu.memory_space<vmem>>) dst(%dma_wait3A_195 : memref<64x64xf32, #tpu.memory_space<hbm>>)
          tpu.yield
        }) : () -> ()
      } else {
      }
      %eq3A_183 = arith.constant 1 : i32
      %eq3A_184 = arith.cmpi eq, %arg0, %eq3A_183 : i32
      %convert_element_type3A_185 = arith.extui %eq3A_184 : i1 to i32
      %cond3A_186 = arith.constant 0 : i32
      %cond3A_187 = arith.cmpi ne, %convert_element_type3A_185, %cond3A_186 : i32
      scf.if %cond3A_187 {
        "tpu.region"() ({
          %run_scoped3A = tpu.sem_alloc : memref<!tpu.dma_semaphore, #tpu.memory_space<semaphore_mem>>
          %dma_start3A_188 = arith.constant 0 : i32
          %dma_start3A_189 = tpu.memref_slice %arg10[%mul3A_157, %dma_start3A_188] : memref<320000x64xf32, #tpu.memory_space<hbm>> -> memref<64x64xf32, #tpu.memory_space<hbm>>
          %dma_start3A_190 = arith.constant 0 : i32
          %dma_start3A_191 = tpu.memref_slice %arg10[%mul3A_157, %dma_start3A_190] : memref<320000x64xf32, #tpu.memory_space<hbm>> -> memref<64x64xf32, #tpu.memory_space<hbm>>
          tpu.enqueue_dma source(%arg19 : memref<64x64xf32, #tpu.memory_space<vmem>>) target(%dma_start3A_191 : memref<64x64xf32, #tpu.memory_space<hbm>>) target_semaphore(%run_scoped3A : memref<!tpu.dma_semaphore, #tpu.memory_space<semaphore_mem>>)
          %dma_wait3A_192 = arith.constant 0 : i32
          %dma_wait3A_193 = tpu.memref_slice %arg10[%mul3A_157, %dma_wait3A_192] : memref<320000x64xf32, #tpu.memory_space<hbm>> -> memref<64x64xf32, #tpu.memory_space<hbm>>
          %dma_wait3A_194 = arith.constant 0 : i32
          %dma_wait3A_195 = tpu.memref_slice %arg10[%mul3A_157, %dma_wait3A_194] : memref<320000x64xf32, #tpu.memory_space<hbm>> -> memref<64x64xf32, #tpu.memory_space<hbm>>
          tpu.wait_dma2 semaphore(%run_scoped3A : memref<!tpu.dma_semaphore, #tpu.memory_space<semaphore_mem>>) src(%arg19 : memref<64x64xf32, #tpu.memory_space<vmem>>) dst(%dma_wait3A_195 : memref<64x64xf32, #tpu.memory_space<hbm>>)
          tpu.yield
        }) : () -> ()
      } else {
      }
      "tpu.region"() ({
        %run_scoped3A = tpu.sem_alloc : memref<!tpu.dma_semaphore, #tpu.memory_space<semaphore_mem>>
        %dma_start3A_188 = arith.constant 0 : i32
        %dma_start3A_189 = arith.constant 0 : i32
        %dma_start3A_190 = tpu.memref_slice %arg23[%dma_start3A_188, %dma_start3A_189] : memref<10000x128xf32, #tpu.memory_space<vmem_shared>> -> memref<10000x128xf32, #tpu.memory_space<vmem_shared>>
        tpu.enqueue_indirect_dma source(%arg20 : memref<64x128xf32, #tpu.memory_space<vmem>>) target(%dma_start3A_190 : memref<10000x128xf32, #tpu.memory_space<vmem_shared>>) offsets(%arg15 : memref<64xi32, #tpu.memory_space<vmem>>) semaphore(%run_scoped3A : memref<!tpu.dma_semaphore, #tpu.memory_space<semaphore_mem>>) {add = true}
        %dma_wait3A_191 = arith.constant 0 : i32
        %dma_wait3A_192 = arith.constant 0 : i32
        %dma_wait3A_193 = tpu.memref_slice %arg23[%dma_wait3A_191, %dma_wait3A_192] : memref<10000x128xf32, #tpu.memory_space<vmem_shared>> -> memref<10000x128xf32, #tpu.memory_space<vmem_shared>>
        tpu.wait_indirect_dma semaphore(%run_scoped3A : memref<!tpu.dma_semaphore, #tpu.memory_space<semaphore_mem>>) src(%arg20 : memref<64x128xf32, #tpu.memory_space<vmem>>) dst(%dma_wait3A_193 : memref<10000x128xf32, #tpu.memory_space<vmem_shared>>)
        tpu.yield
      }) : () -> ()
      scf.yield %scan3A_176#0, %scan3A_176#1, %scan3A_176#2, %scan3A_176#3, %scan3A_176#4, %scan3A_176#5, %scan3A_176#6, %scan3A_176#7 : vector<16xf32>, vector<16xf32>, vector<16xf32>, vector<16xf32>, vector<16xf32>, vector<16xf32>, vector<16xf32>, vector<16xf32>
    }
    %swap3A = arith.constant 0 : i32
    %swap3A_86 = arith.index_cast %swap3A : i32 to index
    %swap3A_87 = arith.constant 0 : index
    %swap3A_88 = tpu.vector_load %arg22[%swap3A_86, %swap3A_87] {strides = array<i32>} : memref<2x64xf32, #tpu.memory_space<vmem>>, vector<1x16xf32>,
    %swap3A_89 = vector.shape_cast %swap3A_88 : vector<1x16xf32> to vector<16xf32>
    %swap3A_90 = vector.shape_cast %while3A_85#0 : vector<16xf32> to vector<1x16xf32>
    tpu.vector_store %arg22[%swap3A_86, %swap3A_87], %swap3A_90 {strides = array<i32>} : memref<2x64xf32, #tpu.memory_space<vmem>>, vector<1x16xf32>,
    %swap3A_91 = arith.constant 1 : i32
    %swap3A_92 = arith.index_cast %swap3A_91 : i32 to index
    %swap3A_93 = arith.constant 0 : index
    %swap3A_94 = tpu.vector_load %arg22[%swap3A_92, %swap3A_93] {strides = array<i32>} : memref<2x64xf32, #tpu.memory_space<vmem>>, vector<1x16xf32>,
    %swap3A_95 = vector.shape_cast %swap3A_94 : vector<1x16xf32> to vector<16xf32>
    %swap3A_96 = vector.shape_cast %while3A_85#4 : vector<16xf32> to vector<1x16xf32>
    tpu.vector_store %arg22[%swap3A_92, %swap3A_93], %swap3A_96 {strides = array<i32>} : memref<2x64xf32, #tpu.memory_space<vmem>>, vector<1x16xf32>,
    %swap3A_97 = arith.constant 0 : i32
    %swap3A_98 = arith.index_cast %swap3A_97 : i32 to index
    %swap3A_99 = arith.constant 16 : index
    %swap3A_100 = tpu.vector_load %arg22[%swap3A_98, %swap3A_99] {strides = array<i32>} : memref<2x64xf32, #tpu.memory_space<vmem>>, vector<1x16xf32>,
    %swap3A_101 = vector.shape_cast %swap3A_100 : vector<1x16xf32> to vector<16xf32>
    %swap3A_102 = vector.shape_cast %while3A_85#1 : vector<16xf32> to vector<1x16xf32>
    tpu.vector_store %arg22[%swap3A_98, %swap3A_99], %swap3A_102 {strides = array<i32>} : memref<2x64xf32, #tpu.memory_space<vmem>>, vector<1x16xf32>,
    %swap3A_103 = arith.constant 1 : i32
    %swap3A_104 = arith.index_cast %swap3A_103 : i32 to index
    %swap3A_105 = arith.constant 16 : index
    %swap3A_106 = tpu.vector_load %arg22[%swap3A_104, %swap3A_105] {strides = array<i32>} : memref<2x64xf32, #tpu.memory_space<vmem>>, vector<1x16xf32>,
    %swap3A_107 = vector.shape_cast %swap3A_106 : vector<1x16xf32> to vector<16xf32>
    %swap3A_108 = vector.shape_cast %while3A_85#5 : vector<16xf32> to vector<1x16xf32>
    tpu.vector_store %arg22[%swap3A_104, %swap3A_105], %swap3A_108 {strides = array<i32>} : memref<2x64xf32, #tpu.memory_space<vmem>>, vector<1x16xf32>,
    %swap3A_109 = arith.constant 0 : i32
    %swap3A_110 = arith.index_cast %swap3A_109 : i32 to index
    %swap3A_111 = arith.constant 32 : index
    %swap3A_112 = tpu.vector_load %arg22[%swap3A_110, %swap3A_111] {strides = array<i32>} : memref<2x64xf32, #tpu.memory_space<vmem>>, vector<1x16xf32>,
    %swap3A_113 = vector.shape_cast %swap3A_112 : vector<1x16xf32> to vector<16xf32>
    %swap3A_114 = vector.shape_cast %while3A_85#2 : vector<16xf32> to vector<1x16xf32>
    tpu.vector_store %arg22[%swap3A_110, %swap3A_111], %swap3A_114 {strides = array<i32>} : memref<2x64xf32, #tpu.memory_space<vmem>>, vector<1x16xf32>,
    %swap3A_115 = arith.constant 1 : i32
    %swap3A_116 = arith.index_cast %swap3A_115 : i32 to index
    %swap3A_117 = arith.constant 32 : index
    %swap3A_118 = tpu.vector_load %arg22[%swap3A_116, %swap3A_117] {strides = array<i32>} : memref<2x64xf32, #tpu.memory_space<vmem>>, vector<1x16xf32>,
    %swap3A_119 = vector.shape_cast %swap3A_118 : vector<1x16xf32> to vector<16xf32>
    %swap3A_120 = vector.shape_cast %while3A_85#6 : vector<16xf32> to vector<1x16xf32>
    tpu.vector_store %arg22[%swap3A_116, %swap3A_117], %swap3A_120 {strides = array<i32>} : memref<2x64xf32, #tpu.memory_space<vmem>>, vector<1x16xf32>,
    %swap3A_121 = arith.constant 0 : i32
    %swap3A_122 = arith.index_cast %swap3A_121 : i32 to index
    %swap3A_123 = arith.constant 48 : index
    %swap3A_124 = tpu.vector_load %arg22[%swap3A_122, %swap3A_123] {strides = array<i32>} : memref<2x64xf32, #tpu.memory_space<vmem>>, vector<1x16xf32>,
    %swap3A_125 = vector.shape_cast %swap3A_124 : vector<1x16xf32> to vector<16xf32>
    %swap3A_126 = vector.shape_cast %while3A_85#3 : vector<16xf32> to vector<1x16xf32>
    tpu.vector_store %arg22[%swap3A_122, %swap3A_123], %swap3A_126 {strides = array<i32>} : memref<2x64xf32, #tpu.memory_space<vmem>>, vector<1x16xf32>,
    %swap3A_127 = arith.constant 1 : i32
    %swap3A_128 = arith.index_cast %swap3A_127 : i32 to index
    %swap3A_129 = arith.constant 48 : index
    %swap3A_130 = tpu.vector_load %arg22[%swap3A_128, %swap3A_129] {strides = array<i32>} : memref<2x64xf32, #tpu.memory_space<vmem>>, vector<1x16xf32>,
    %swap3A_131 = vector.shape_cast %swap3A_130 : vector<1x16xf32> to vector<16xf32>
    %swap3A_132 = vector.shape_cast %while3A_85#7 : vector<16xf32> to vector<1x16xf32>
    tpu.vector_store %arg22[%swap3A_128, %swap3A_129], %swap3A_132 {strides = array<i32>} : memref<2x64xf32, #tpu.memory_space<vmem>>, vector<1x16xf32>,
    "tpu.region"() ({
      %run_scoped3A = tpu.sem_alloc : memref<!tpu.dma_semaphore, #tpu.memory_space<semaphore_mem>>
      %dma_start3A = arith.constant 0 : i32
      %dma_start3A_144 = arith.constant 0 : i32
      %dma_start3A_145 = tpu.memref_slice %arg13[%arg0, %arg1, %dma_start3A, %dma_start3A_144] : memref<2x16x2x64xf32, #tpu.memory_space<hbm>> -> memref<1x1x2x64xf32, #tpu.memory_space<hbm>>
      %dma_start3A_146 = tpu.memref_squeeze %dma_start3A_145 : memref<1x1x2x64xf32, #tpu.memory_space<hbm>> -> memref<2x64xf32, #tpu.memory_space<hbm>>
      %dma_start3A_147 = arith.constant 0 : i32
      %dma_start3A_148 = arith.constant 0 : i32
      %dma_start3A_149 = tpu.memref_slice %arg13[%arg0, %arg1, %dma_start3A_147, %dma_start3A_148] : memref<2x16x2x64xf32, #tpu.memory_space<hbm>> -> memref<1x1x2x64xf32, #tpu.memory_space<hbm>>
      %dma_start3A_150 = tpu.memref_squeeze %dma_start3A_149 : memref<1x1x2x64xf32, #tpu.memory_space<hbm>> -> memref<2x64xf32, #tpu.memory_space<hbm>>
      tpu.enqueue_dma source(%arg22 : memref<2x64xf32, #tpu.memory_space<vmem>>) target(%dma_start3A_150 : memref<2x64xf32, #tpu.memory_space<hbm>>) target_semaphore(%run_scoped3A : memref<!tpu.dma_semaphore, #tpu.memory_space<semaphore_mem>>)
      %dma_wait3A = arith.constant 0 : i32
      %dma_wait3A_151 = arith.constant 0 : i32
      %dma_wait3A_152 = tpu.memref_slice %arg13[%arg0, %arg1, %dma_wait3A, %dma_wait3A_151] : memref<2x16x2x64xf32, #tpu.memory_space<hbm>> -> memref<1x1x2x64xf32, #tpu.memory_space<hbm>>
      %dma_wait3A_153 = tpu.memref_squeeze %dma_wait3A_152 : memref<1x1x2x64xf32, #tpu.memory_space<hbm>> -> memref<2x64xf32, #tpu.memory_space<hbm>>
      %dma_wait3A_154 = arith.constant 0 : i32
      %dma_wait3A_155 = arith.constant 0 : i32
      %dma_wait3A_156 = tpu.memref_slice %arg13[%arg0, %arg1, %dma_wait3A_154, %dma_wait3A_155] : memref<2x16x2x64xf32, #tpu.memory_space<hbm>> -> memref<1x1x2x64xf32, #tpu.memory_space<hbm>>
      %dma_wait3A_157 = tpu.memref_squeeze %dma_wait3A_156 : memref<1x1x2x64xf32, #tpu.memory_space<hbm>> -> memref<2x64xf32, #tpu.memory_space<hbm>>
      tpu.wait_dma2 semaphore(%run_scoped3A : memref<!tpu.dma_semaphore, #tpu.memory_space<semaphore_mem>>) src(%arg22 : memref<2x64xf32, #tpu.memory_space<vmem>>) dst(%dma_wait3A_157 : memref<2x64xf32, #tpu.memory_space<hbm>>)
      tpu.yield
    }) : () -> ()
    %barrier3A_133 = arith.constant 0 : index
    tpu.barrier barrier_id(%barrier3A_133)
    %eq3A_134 = arith.constant 0 : i32
    %eq3A_135 = arith.cmpi eq, %arg0, %eq3A_134 : i32
    %convert_element_type3A_136 = arith.extui %eq3A_135 : i1 to i32
    %cond3A_137 = arith.constant 0 : i32
    %cond3A_138 = arith.cmpi ne, %convert_element_type3A_136, %cond3A_137 : i32
    scf.if %cond3A_138 {
      %mul3A_144 = arith.constant 624 : i32
      %mul3A_145 = arith.muli %arg1, %mul3A_144 : i32
      %add3A_146 = arith.constant 0 : i32
      %add3A_147 = arith.addi %mul3A_145, %add3A_146 : i32
      "tpu.region"() ({
        %run_scoped3A = tpu.sem_alloc : memref<!tpu.dma_semaphore, #tpu.memory_space<semaphore_mem>>
        %dma_start3A = arith.constant 0 : i32
        %dma_start3A_201 = tpu.memref_slice %arg11[%add3A_147, %dma_start3A] : memref<10000x128xf32, #tpu.memory_space<hbm>> -> memref<48x128xf32, #tpu.memory_space<hbm>>
        %dma_start3A_202 = arith.constant 0 : i32
        %dma_start3A_203 = tpu.memref_slice %arg23[%add3A_147, %dma_start3A_202] : memref<10000x128xf32, #tpu.memory_space<vmem_shared>> -> memref<48x128xf32, #tpu.memory_space<vmem_shared>>
        tpu.enqueue_dma source(%dma_start3A_203 : memref<48x128xf32, #tpu.memory_space<vmem_shared>>) target(%dma_start3A_201 : memref<48x128xf32, #tpu.memory_space<hbm>>) target_semaphore(%run_scoped3A : memref<!tpu.dma_semaphore, #tpu.memory_space<semaphore_mem>>)
        %dma_wait3A = arith.constant 0 : i32
        %dma_wait3A_204 = tpu.memref_slice %arg11[%add3A_147, %dma_wait3A] : memref<10000x128xf32, #tpu.memory_space<hbm>> -> memref<48x128xf32, #tpu.memory_space<hbm>>
        %dma_wait3A_205 = arith.constant 0 : i32
        %dma_wait3A_206 = tpu.memref_slice %arg23[%add3A_147, %dma_wait3A_205] : memref<10000x128xf32, #tpu.memory_space<vmem_shared>> -> memref<48x128xf32, #tpu.memory_space<vmem_shared>>
        tpu.wait_dma2 semaphore(%run_scoped3A : memref<!tpu.dma_semaphore, #tpu.memory_space<semaphore_mem>>) src(%dma_wait3A_206 : memref<48x128xf32, #tpu.memory_space<vmem_shared>>) dst(%dma_wait3A_204 : memref<48x128xf32, #tpu.memory_space<hbm>>)
        tpu.yield
      }) : () -> ()
      %mul3A_148 = arith.constant 624 : i32
      %mul3A_149 = arith.muli %arg1, %mul3A_148 : i32
      %add3A_150 = arith.constant 48 : i32
      %add3A_151 = arith.addi %mul3A_149, %add3A_150 : i32
      "tpu.region"() ({
        %run_scoped3A = tpu.sem_alloc : memref<!tpu.dma_semaphore, #tpu.memory_space<semaphore_mem>>
        %dma_start3A = arith.constant 0 : i32
        %dma_start3A_201 = tpu.memref_slice %arg11[%add3A_151, %dma_start3A] : memref<10000x128xf32, #tpu.memory_space<hbm>> -> memref<48x128xf32, #tpu.memory_space<hbm>>
        %dma_start3A_202 = arith.constant 0 : i32
        %dma_start3A_203 = tpu.memref_slice %arg23[%add3A_151, %dma_start3A_202] : memref<10000x128xf32, #tpu.memory_space<vmem_shared>> -> memref<48x128xf32, #tpu.memory_space<vmem_shared>>
        tpu.enqueue_dma source(%dma_start3A_203 : memref<48x128xf32, #tpu.memory_space<vmem_shared>>) target(%dma_start3A_201 : memref<48x128xf32, #tpu.memory_space<hbm>>) target_semaphore(%run_scoped3A : memref<!tpu.dma_semaphore, #tpu.memory_space<semaphore_mem>>)
        %dma_wait3A = arith.constant 0 : i32
        %dma_wait3A_204 = tpu.memref_slice %arg11[%add3A_151, %dma_wait3A] : memref<10000x128xf32, #tpu.memory_space<hbm>> -> memref<48x128xf32, #tpu.memory_space<hbm>>
        %dma_wait3A_205 = arith.constant 0 : i32
        %dma_wait3A_206 = tpu.memref_slice %arg23[%add3A_151, %dma_wait3A_205] : memref<10000x128xf32, #tpu.memory_space<vmem_shared>> -> memref<48x128xf32, #tpu.memory_space<vmem_shared>>
        tpu.wait_dma2 semaphore(%run_scoped3A : memref<!tpu.dma_semaphore, #tpu.memory_space<semaphore_mem>>) src(%dma_wait3A_206 : memref<48x128xf32, #tpu.memory_space<vmem_shared>>) dst(%dma_wait3A_204 : memref<48x128xf32, #tpu.memory_space<hbm>>)
        tpu.yield
      }) : () -> ()
      %mul3A_152 = arith.constant 624 : i32
      %mul3A_153 = arith.muli %arg1, %mul3A_152 : i32
      %add3A_154 = arith.constant 96 : i32
      %add3A_155 = arith.addi %mul3A_153, %add3A_154 : i32
      "tpu.region"() ({
        %run_scoped3A = tpu.sem_alloc : memref<!tpu.dma_semaphore, #tpu.memory_space<semaphore_mem>>
        %dma_start3A = arith.constant 0 : i32
        %dma_start3A_201 = tpu.memref_slice %arg11[%add3A_155, %dma_start3A] : memref<10000x128xf32, #tpu.memory_space<hbm>> -> memref<48x128xf32, #tpu.memory_space<hbm>>
        %dma_start3A_202 = arith.constant 0 : i32
        %dma_start3A_203 = tpu.memref_slice %arg23[%add3A_155, %dma_start3A_202] : memref<10000x128xf32, #tpu.memory_space<vmem_shared>> -> memref<48x128xf32, #tpu.memory_space<vmem_shared>>
        tpu.enqueue_dma source(%dma_start3A_203 : memref<48x128xf32, #tpu.memory_space<vmem_shared>>) target(%dma_start3A_201 : memref<48x128xf32, #tpu.memory_space<hbm>>) target_semaphore(%run_scoped3A : memref<!tpu.dma_semaphore, #tpu.memory_space<semaphore_mem>>)
        %dma_wait3A = arith.constant 0 : i32
        %dma_wait3A_204 = tpu.memref_slice %arg11[%add3A_155, %dma_wait3A] : memref<10000x128xf32, #tpu.memory_space<hbm>> -> memref<48x128xf32, #tpu.memory_space<hbm>>
        %dma_wait3A_205 = arith.constant 0 : i32
        %dma_wait3A_206 = tpu.memref_slice %arg23[%add3A_155, %dma_wait3A_205] : memref<10000x128xf32, #tpu.memory_space<vmem_shared>> -> memref<48x128xf32, #tpu.memory_space<vmem_shared>>
        tpu.wait_dma2 semaphore(%run_scoped3A : memref<!tpu.dma_semaphore, #tpu.memory_space<semaphore_mem>>) src(%dma_wait3A_206 : memref<48x128xf32, #tpu.memory_space<vmem_shared>>) dst(%dma_wait3A_204 : memref<48x128xf32, #tpu.memory_space<hbm>>)
        tpu.yield
      }) : () -> ()
      %mul3A_156 = arith.constant 624 : i32
      %mul3A_157 = arith.muli %arg1, %mul3A_156 : i32
      %add3A_158 = arith.constant 144 : i32
      %add3A_159 = arith.addi %mul3A_157, %add3A_158 : i32
      "tpu.region"() ({
        %run_scoped3A = tpu.sem_alloc : memref<!tpu.dma_semaphore, #tpu.memory_space<semaphore_mem>>
        %dma_start3A = arith.constant 0 : i32
        %dma_start3A_201 = tpu.memref_slice %arg11[%add3A_159, %dma_start3A] : memref<10000x128xf32, #tpu.memory_space<hbm>> -> memref<48x128xf32, #tpu.memory_space<hbm>>
        %dma_start3A_202 = arith.constant 0 : i32
        %dma_start3A_203 = tpu.memref_slice %arg23[%add3A_159, %dma_start3A_202] : memref<10000x128xf32, #tpu.memory_space<vmem_shared>> -> memref<48x128xf32, #tpu.memory_space<vmem_shared>>
        tpu.enqueue_dma source(%dma_start3A_203 : memref<48x128xf32, #tpu.memory_space<vmem_shared>>) target(%dma_start3A_201 : memref<48x128xf32, #tpu.memory_space<hbm>>) target_semaphore(%run_scoped3A : memref<!tpu.dma_semaphore, #tpu.memory_space<semaphore_mem>>)
        %dma_wait3A = arith.constant 0 : i32
        %dma_wait3A_204 = tpu.memref_slice %arg11[%add3A_159, %dma_wait3A] : memref<10000x128xf32, #tpu.memory_space<hbm>> -> memref<48x128xf32, #tpu.memory_space<hbm>>
        %dma_wait3A_205 = arith.constant 0 : i32
        %dma_wait3A_206 = tpu.memref_slice %arg23[%add3A_159, %dma_wait3A_205] : memref<10000x128xf32, #tpu.memory_space<vmem_shared>> -> memref<48x128xf32, #tpu.memory_space<vmem_shared>>
        tpu.wait_dma2 semaphore(%run_scoped3A : memref<!tpu.dma_semaphore, #tpu.memory_space<semaphore_mem>>) src(%dma_wait3A_206 : memref<48x128xf32, #tpu.memory_space<vmem_shared>>) dst(%dma_wait3A_204 : memref<48x128xf32, #tpu.memory_space<hbm>>)
        tpu.yield
      }) : () -> ()
      %mul3A_160 = arith.constant 624 : i32
      %mul3A_161 = arith.muli %arg1, %mul3A_160 : i32
      %add3A_162 = arith.constant 192 : i32
      %add3A_163 = arith.addi %mul3A_161, %add3A_162 : i32
      "tpu.region"() ({
        %run_scoped3A = tpu.sem_alloc : memref<!tpu.dma_semaphore, #tpu.memory_space<semaphore_mem>>
        %dma_start3A = arith.constant 0 : i32
        %dma_start3A_201 = tpu.memref_slice %arg11[%add3A_163, %dma_start3A] : memref<10000x128xf32, #tpu.memory_space<hbm>> -> memref<48x128xf32, #tpu.memory_space<hbm>>
        %dma_start3A_202 = arith.constant 0 : i32
        %dma_start3A_203 = tpu.memref_slice %arg23[%add3A_163, %dma_start3A_202] : memref<10000x128xf32, #tpu.memory_space<vmem_shared>> -> memref<48x128xf32, #tpu.memory_space<vmem_shared>>
        tpu.enqueue_dma source(%dma_start3A_203 : memref<48x128xf32, #tpu.memory_space<vmem_shared>>) target(%dma_start3A_201 : memref<48x128xf32, #tpu.memory_space<hbm>>) target_semaphore(%run_scoped3A : memref<!tpu.dma_semaphore, #tpu.memory_space<semaphore_mem>>)
        %dma_wait3A = arith.constant 0 : i32
        %dma_wait3A_204 = tpu.memref_slice %arg11[%add3A_163, %dma_wait3A] : memref<10000x128xf32, #tpu.memory_space<hbm>> -> memref<48x128xf32, #tpu.memory_space<hbm>>
        %dma_wait3A_205 = arith.constant 0 : i32
        %dma_wait3A_206 = tpu.memref_slice %arg23[%add3A_163, %dma_wait3A_205] : memref<10000x128xf32, #tpu.memory_space<vmem_shared>> -> memref<48x128xf32, #tpu.memory_space<vmem_shared>>
        tpu.wait_dma2 semaphore(%run_scoped3A : memref<!tpu.dma_semaphore, #tpu.memory_space<semaphore_mem>>) src(%dma_wait3A_206 : memref<48x128xf32, #tpu.memory_space<vmem_shared>>) dst(%dma_wait3A_204 : memref<48x128xf32, #tpu.memory_space<hbm>>)
        tpu.yield
      }) : () -> ()
      %mul3A_164 = arith.constant 624 : i32
      %mul3A_165 = arith.muli %arg1, %mul3A_164 : i32
      %add3A_166 = arith.constant 240 : i32
      %add3A_167 = arith.addi %mul3A_165, %add3A_166 : i32
      "tpu.region"() ({
        %run_scoped3A = tpu.sem_alloc : memref<!tpu.dma_semaphore, #tpu.memory_space<semaphore_mem>>
        %dma_start3A = arith.constant 0 : i32
        %dma_start3A_201 = tpu.memref_slice %arg11[%add3A_167, %dma_start3A] : memref<10000x128xf32, #tpu.memory_space<hbm>> -> memref<48x128xf32, #tpu.memory_space<hbm>>
        %dma_start3A_202 = arith.constant 0 : i32
        %dma_start3A_203 = tpu.memref_slice %arg23[%add3A_167, %dma_start3A_202] : memref<10000x128xf32, #tpu.memory_space<vmem_shared>> -> memref<48x128xf32, #tpu.memory_space<vmem_shared>>
        tpu.enqueue_dma source(%dma_start3A_203 : memref<48x128xf32, #tpu.memory_space<vmem_shared>>) target(%dma_start3A_201 : memref<48x128xf32, #tpu.memory_space<hbm>>) target_semaphore(%run_scoped3A : memref<!tpu.dma_semaphore, #tpu.memory_space<semaphore_mem>>)
        %dma_wait3A = arith.constant 0 : i32
        %dma_wait3A_204 = tpu.memref_slice %arg11[%add3A_167, %dma_wait3A] : memref<10000x128xf32, #tpu.memory_space<hbm>> -> memref<48x128xf32, #tpu.memory_space<hbm>>
        %dma_wait3A_205 = arith.constant 0 : i32
        %dma_wait3A_206 = tpu.memref_slice %arg23[%add3A_167, %dma_wait3A_205] : memref<10000x128xf32, #tpu.memory_space<vmem_shared>> -> memref<48x128xf32, #tpu.memory_space<vmem_shared>>
        tpu.wait_dma2 semaphore(%run_scoped3A : memref<!tpu.dma_semaphore, #tpu.memory_space<semaphore_mem>>) src(%dma_wait3A_206 : memref<48x128xf32, #tpu.memory_space<vmem_shared>>) dst(%dma_wait3A_204 : memref<48x128xf32, #tpu.memory_space<hbm>>)
        tpu.yield
      }) : () -> ()
      %mul3A_168 = arith.constant 624 : i32
      %mul3A_169 = arith.muli %arg1, %mul3A_168 : i32
      %add3A_170 = arith.constant 288 : i32
      %add3A_171 = arith.addi %mul3A_169, %add3A_170 : i32
      "tpu.region"() ({
        %run_scoped3A = tpu.sem_alloc : memref<!tpu.dma_semaphore, #tpu.memory_space<semaphore_mem>>
        %dma_start3A = arith.constant 0 : i32
        %dma_start3A_201 = tpu.memref_slice %arg11[%add3A_171, %dma_start3A] : memref<10000x128xf32, #tpu.memory_space<hbm>> -> memref<48x128xf32, #tpu.memory_space<hbm>>
        %dma_start3A_202 = arith.constant 0 : i32
        %dma_start3A_203 = tpu.memref_slice %arg23[%add3A_171, %dma_start3A_202] : memref<10000x128xf32, #tpu.memory_space<vmem_shared>> -> memref<48x128xf32, #tpu.memory_space<vmem_shared>>
        tpu.enqueue_dma source(%dma_start3A_203 : memref<48x128xf32, #tpu.memory_space<vmem_shared>>) target(%dma_start3A_201 : memref<48x128xf32, #tpu.memory_space<hbm>>) target_semaphore(%run_scoped3A : memref<!tpu.dma_semaphore, #tpu.memory_space<semaphore_mem>>)
        %dma_wait3A = arith.constant 0 : i32
        %dma_wait3A_204 = tpu.memref_slice %arg11[%add3A_171, %dma_wait3A] : memref<10000x128xf32, #tpu.memory_space<hbm>> -> memref<48x128xf32, #tpu.memory_space<hbm>>
        %dma_wait3A_205 = arith.constant 0 : i32
        %dma_wait3A_206 = tpu.memref_slice %arg23[%add3A_171, %dma_wait3A_205] : memref<10000x128xf32, #tpu.memory_space<vmem_shared>> -> memref<48x128xf32, #tpu.memory_space<vmem_shared>>
        tpu.wait_dma2 semaphore(%run_scoped3A : memref<!tpu.dma_semaphore, #tpu.memory_space<semaphore_mem>>) src(%dma_wait3A_206 : memref<48x128xf32, #tpu.memory_space<vmem_shared>>) dst(%dma_wait3A_204 : memref<48x128xf32, #tpu.memory_space<hbm>>)
        tpu.yield
      }) : () -> ()
      %mul3A_172 = arith.constant 624 : i32
      %mul3A_173 = arith.muli %arg1, %mul3A_172 : i32
      %add3A_174 = arith.constant 336 : i32
      %add3A_175 = arith.addi %mul3A_173, %add3A_174 : i32
      "tpu.region"() ({
        %run_scoped3A = tpu.sem_alloc : memref<!tpu.dma_semaphore, #tpu.memory_space<semaphore_mem>>
        %dma_start3A = arith.constant 0 : i32
        %dma_start3A_201 = tpu.memref_slice %arg11[%add3A_175, %dma_start3A] : memref<10000x128xf32, #tpu.memory_space<hbm>> -> memref<48x128xf32, #tpu.memory_space<hbm>>
        %dma_start3A_202 = arith.constant 0 : i32
        %dma_start3A_203 = tpu.memref_slice %arg23[%add3A_175, %dma_start3A_202] : memref<10000x128xf32, #tpu.memory_space<vmem_shared>> -> memref<48x128xf32, #tpu.memory_space<vmem_shared>>
        tpu.enqueue_dma source(%dma_start3A_203 : memref<48x128xf32, #tpu.memory_space<vmem_shared>>) target(%dma_start3A_201 : memref<48x128xf32, #tpu.memory_space<hbm>>) target_semaphore(%run_scoped3A : memref<!tpu.dma_semaphore, #tpu.memory_space<semaphore_mem>>)
        %dma_wait3A = arith.constant 0 : i32
        %dma_wait3A_204 = tpu.memref_slice %arg11[%add3A_175, %dma_wait3A] : memref<10000x128xf32, #tpu.memory_space<hbm>> -> memref<48x128xf32, #tpu.memory_space<hbm>>
        %dma_wait3A_205 = arith.constant 0 : i32
        %dma_wait3A_206 = tpu.memref_slice %arg23[%add3A_175, %dma_wait3A_205] : memref<10000x128xf32, #tpu.memory_space<vmem_shared>> -> memref<48x128xf32, #tpu.memory_space<vmem_shared>>
        tpu.wait_dma2 semaphore(%run_scoped3A : memref<!tpu.dma_semaphore, #tpu.memory_space<semaphore_mem>>) src(%dma_wait3A_206 : memref<48x128xf32, #tpu.memory_space<vmem_shared>>) dst(%dma_wait3A_204 : memref<48x128xf32, #tpu.memory_space<hbm>>)
        tpu.yield
      }) : () -> ()
      %mul3A_176 = arith.constant 624 : i32
      %mul3A_177 = arith.muli %arg1, %mul3A_176 : i32
      %add3A_178 = arith.constant 384 : i32
      %add3A_179 = arith.addi %mul3A_177, %add3A_178 : i32
      "tpu.region"() ({
        %run_scoped3A = tpu.sem_alloc : memref<!tpu.dma_semaphore, #tpu.memory_space<semaphore_mem>>
        %dma_start3A = arith.constant 0 : i32
        %dma_start3A_201 = tpu.memref_slice %arg11[%add3A_179, %dma_start3A] : memref<10000x128xf32, #tpu.memory_space<hbm>> -> memref<48x128xf32, #tpu.memory_space<hbm>>
        %dma_start3A_202 = arith.constant 0 : i32
        %dma_start3A_203 = tpu.memref_slice %arg23[%add3A_179, %dma_start3A_202] : memref<10000x128xf32, #tpu.memory_space<vmem_shared>> -> memref<48x128xf32, #tpu.memory_space<vmem_shared>>
        tpu.enqueue_dma source(%dma_start3A_203 : memref<48x128xf32, #tpu.memory_space<vmem_shared>>) target(%dma_start3A_201 : memref<48x128xf32, #tpu.memory_space<hbm>>) target_semaphore(%run_scoped3A : memref<!tpu.dma_semaphore, #tpu.memory_space<semaphore_mem>>)
        %dma_wait3A = arith.constant 0 : i32
        %dma_wait3A_204 = tpu.memref_slice %arg11[%add3A_179, %dma_wait3A] : memref<10000x128xf32, #tpu.memory_space<hbm>> -> memref<48x128xf32, #tpu.memory_space<hbm>>
        %dma_wait3A_205 = arith.constant 0 : i32
        %dma_wait3A_206 = tpu.memref_slice %arg23[%add3A_179, %dma_wait3A_205] : memref<10000x128xf32, #tpu.memory_space<vmem_shared>> -> memref<48x128xf32, #tpu.memory_space<vmem_shared>>
        tpu.wait_dma2 semaphore(%run_scoped3A : memref<!tpu.dma_semaphore, #tpu.memory_space<semaphore_mem>>) src(%dma_wait3A_206 : memref<48x128xf32, #tpu.memory_space<vmem_shared>>) dst(%dma_wait3A_204 : memref<48x128xf32, #tpu.memory_space<hbm>>)
        tpu.yield
      }) : () -> ()
      %mul3A_180 = arith.constant 624 : i32
      %mul3A_181 = arith.muli %arg1, %mul3A_180 : i32
      %add3A_182 = arith.constant 432 : i32
      %add3A_183 = arith.addi %mul3A_181, %add3A_182 : i32
      "tpu.region"() ({
        %run_scoped3A = tpu.sem_alloc : memref<!tpu.dma_semaphore, #tpu.memory_space<semaphore_mem>>
        %dma_start3A = arith.constant 0 : i32
        %dma_start3A_201 = tpu.memref_slice %arg11[%add3A_183, %dma_start3A] : memref<10000x128xf32, #tpu.memory_space<hbm>> -> memref<48x128xf32, #tpu.memory_space<hbm>>
        %dma_start3A_202 = arith.constant 0 : i32
        %dma_start3A_203 = tpu.memref_slice %arg23[%add3A_183, %dma_start3A_202] : memref<10000x128xf32, #tpu.memory_space<vmem_shared>> -> memref<48x128xf32, #tpu.memory_space<vmem_shared>>
        tpu.enqueue_dma source(%dma_start3A_203 : memref<48x128xf32, #tpu.memory_space<vmem_shared>>) target(%dma_start3A_201 : memref<48x128xf32, #tpu.memory_space<hbm>>) target_semaphore(%run_scoped3A : memref<!tpu.dma_semaphore, #tpu.memory_space<semaphore_mem>>)
        %dma_wait3A = arith.constant 0 : i32
        %dma_wait3A_204 = tpu.memref_slice %arg11[%add3A_183, %dma_wait3A] : memref<10000x128xf32, #tpu.memory_space<hbm>> -> memref<48x128xf32, #tpu.memory_space<hbm>>
        %dma_wait3A_205 = arith.constant 0 : i32
        %dma_wait3A_206 = tpu.memref_slice %arg23[%add3A_183, %dma_wait3A_205] : memref<10000x128xf32, #tpu.memory_space<vmem_shared>> -> memref<48x128xf32, #tpu.memory_space<vmem_shared>>
        tpu.wait_dma2 semaphore(%run_scoped3A : memref<!tpu.dma_semaphore, #tpu.memory_space<semaphore_mem>>) src(%dma_wait3A_206 : memref<48x128xf32, #tpu.memory_space<vmem_shared>>) dst(%dma_wait3A_204 : memref<48x128xf32, #tpu.memory_space<hbm>>)
        tpu.yield
      }) : () -> ()
      %mul3A_184 = arith.constant 624 : i32
      %mul3A_185 = arith.muli %arg1, %mul3A_184 : i32
      %add3A_186 = arith.constant 480 : i32
      %add3A_187 = arith.addi %mul3A_185, %add3A_186 : i32
      "tpu.region"() ({
        %run_scoped3A = tpu.sem_alloc : memref<!tpu.dma_semaphore, #tpu.memory_space<semaphore_mem>>
        %dma_start3A = arith.constant 0 : i32
        %dma_start3A_201 = tpu.memref_slice %arg11[%add3A_187, %dma_start3A] : memref<10000x128xf32, #tpu.memory_space<hbm>> -> memref<48x128xf32, #tpu.memory_space<hbm>>
        %dma_start3A_202 = arith.constant 0 : i32
        %dma_start3A_203 = tpu.memref_slice %arg23[%add3A_187, %dma_start3A_202] : memref<10000x128xf32, #tpu.memory_space<vmem_shared>> -> memref<48x128xf32, #tpu.memory_space<vmem_shared>>
        tpu.enqueue_dma source(%dma_start3A_203 : memref<48x128xf32, #tpu.memory_space<vmem_shared>>) target(%dma_start3A_201 : memref<48x128xf32, #tpu.memory_space<hbm>>) target_semaphore(%run_scoped3A : memref<!tpu.dma_semaphore, #tpu.memory_space<semaphore_mem>>)
        %dma_wait3A = arith.constant 0 : i32
        %dma_wait3A_204 = tpu.memref_slice %arg11[%add3A_187, %dma_wait3A] : memref<10000x128xf32, #tpu.memory_space<hbm>> -> memref<48x128xf32, #tpu.memory_space<hbm>>
        %dma_wait3A_205 = arith.constant 0 : i32
        %dma_wait3A_206 = tpu.memref_slice %arg23[%add3A_187, %dma_wait3A_205] : memref<10000x128xf32, #tpu.memory_space<vmem_shared>> -> memref<48x128xf32, #tpu.memory_space<vmem_shared>>
        tpu.wait_dma2 semaphore(%run_scoped3A : memref<!tpu.dma_semaphore, #tpu.memory_space<semaphore_mem>>) src(%dma_wait3A_206 : memref<48x128xf32, #tpu.memory_space<vmem_shared>>) dst(%dma_wait3A_204 : memref<48x128xf32, #tpu.memory_space<hbm>>)
        tpu.yield
      }) : () -> ()
      %mul3A_188 = arith.constant 624 : i32
      %mul3A_189 = arith.muli %arg1, %mul3A_188 : i32
      %add3A_190 = arith.constant 528 : i32
      %add3A_191 = arith.addi %mul3A_189, %add3A_190 : i32
      "tpu.region"() ({
        %run_scoped3A = tpu.sem_alloc : memref<!tpu.dma_semaphore, #tpu.memory_space<semaphore_mem>>
        %dma_start3A = arith.constant 0 : i32
        %dma_start3A_201 = tpu.memref_slice %arg11[%add3A_191, %dma_start3A] : memref<10000x128xf32, #tpu.memory_space<hbm>> -> memref<48x128xf32, #tpu.memory_space<hbm>>
        %dma_start3A_202 = arith.constant 0 : i32
        %dma_start3A_203 = tpu.memref_slice %arg23[%add3A_191, %dma_start3A_202] : memref<10000x128xf32, #tpu.memory_space<vmem_shared>> -> memref<48x128xf32, #tpu.memory_space<vmem_shared>>
        tpu.enqueue_dma source(%dma_start3A_203 : memref<48x128xf32, #tpu.memory_space<vmem_shared>>) target(%dma_start3A_201 : memref<48x128xf32, #tpu.memory_space<hbm>>) target_semaphore(%run_scoped3A : memref<!tpu.dma_semaphore, #tpu.memory_space<semaphore_mem>>)
        %dma_wait3A = arith.constant 0 : i32
        %dma_wait3A_204 = tpu.memref_slice %arg11[%add3A_191, %dma_wait3A] : memref<10000x128xf32, #tpu.memory_space<hbm>> -> memref<48x128xf32, #tpu.memory_space<hbm>>
        %dma_wait3A_205 = arith.constant 0 : i32
        %dma_wait3A_206 = tpu.memref_slice %arg23[%add3A_191, %dma_wait3A_205] : memref<10000x128xf32, #tpu.memory_space<vmem_shared>> -> memref<48x128xf32, #tpu.memory_space<vmem_shared>>
        tpu.wait_dma2 semaphore(%run_scoped3A : memref<!tpu.dma_semaphore, #tpu.memory_space<semaphore_mem>>) src(%dma_wait3A_206 : memref<48x128xf32, #tpu.memory_space<vmem_shared>>) dst(%dma_wait3A_204 : memref<48x128xf32, #tpu.memory_space<hbm>>)
        tpu.yield
      }) : () -> ()
      %mul3A_192 = arith.constant 624 : i32
      %mul3A_193 = arith.muli %arg1, %mul3A_192 : i32
      %add3A_194 = arith.constant 576 : i32
      %add3A_195 = arith.addi %mul3A_193, %add3A_194 : i32
      "tpu.region"() ({
        %run_scoped3A = tpu.sem_alloc : memref<!tpu.dma_semaphore, #tpu.memory_space<semaphore_mem>>
        %dma_start3A = arith.constant 0 : i32
        %dma_start3A_201 = tpu.memref_slice %arg11[%add3A_195, %dma_start3A] : memref<10000x128xf32, #tpu.memory_space<hbm>> -> memref<48x128xf32, #tpu.memory_space<hbm>>
        %dma_start3A_202 = arith.constant 0 : i32
        %dma_start3A_203 = tpu.memref_slice %arg23[%add3A_195, %dma_start3A_202] : memref<10000x128xf32, #tpu.memory_space<vmem_shared>> -> memref<48x128xf32, #tpu.memory_space<vmem_shared>>
        tpu.enqueue_dma source(%dma_start3A_203 : memref<48x128xf32, #tpu.memory_space<vmem_shared>>) target(%dma_start3A_201 : memref<48x128xf32, #tpu.memory_space<hbm>>) target_semaphore(%run_scoped3A : memref<!tpu.dma_semaphore, #tpu.memory_space<semaphore_mem>>)
        %dma_wait3A = arith.constant 0 : i32
        %dma_wait3A_204 = tpu.memref_slice %arg11[%add3A_195, %dma_wait3A] : memref<10000x128xf32, #tpu.memory_space<hbm>> -> memref<48x128xf32, #tpu.memory_space<hbm>>
        %dma_wait3A_205 = arith.constant 0 : i32
        %dma_wait3A_206 = tpu.memref_slice %arg23[%add3A_195, %dma_wait3A_205] : memref<10000x128xf32, #tpu.memory_space<vmem_shared>> -> memref<48x128xf32, #tpu.memory_space<vmem_shared>>
        tpu.wait_dma2 semaphore(%run_scoped3A : memref<!tpu.dma_semaphore, #tpu.memory_space<semaphore_mem>>) src(%dma_wait3A_206 : memref<48x128xf32, #tpu.memory_space<vmem_shared>>) dst(%dma_wait3A_204 : memref<48x128xf32, #tpu.memory_space<hbm>>)
        tpu.yield
      }) : () -> ()
      %eq3A_196 = arith.constant 0 : i32
      %eq3A_197 = arith.cmpi eq, %arg1, %eq3A_196 : i32
      %convert_element_type3A_198 = arith.extui %eq3A_197 : i1 to i32
      %cond3A_199 = arith.constant 0 : i32
      %cond3A_200 = arith.cmpi ne, %convert_element_type3A_198, %cond3A_199 : i32
      scf.if %cond3A_200 {
        "tpu.region"() ({
          %run_scoped3A = tpu.sem_alloc : memref<!tpu.dma_semaphore, #tpu.memory_space<semaphore_mem>>
          %dma_start3A = arith.constant 9984 : i32
          %dma_start3A_201 = arith.constant 0 : i32
          %dma_start3A_202 = tpu.memref_slice %arg11[%dma_start3A, %dma_start3A_201] : memref<10000x128xf32, #tpu.memory_space<hbm>> -> memref<16x128xf32, #tpu.memory_space<hbm>>
          %dma_start3A_203 = arith.constant 9984 : i32
          %dma_start3A_204 = arith.constant 0 : i32
          %dma_start3A_205 = tpu.memref_slice %arg23[%dma_start3A_203, %dma_start3A_204] : memref<10000x128xf32, #tpu.memory_space<vmem_shared>> -> memref<16x128xf32, #tpu.memory_space<vmem_shared>>
          tpu.enqueue_dma source(%dma_start3A_205 : memref<16x128xf32, #tpu.memory_space<vmem_shared>>) target(%dma_start3A_202 : memref<16x128xf32, #tpu.memory_space<hbm>>) target_semaphore(%run_scoped3A : memref<!tpu.dma_semaphore, #tpu.memory_space<semaphore_mem>>)
          %dma_wait3A = arith.constant 9984 : i32
          %dma_wait3A_206 = arith.constant 0 : i32
          %dma_wait3A_207 = tpu.memref_slice %arg11[%dma_wait3A, %dma_wait3A_206] : memref<10000x128xf32, #tpu.memory_space<hbm>> -> memref<16x128xf32, #tpu.memory_space<hbm>>
          %dma_wait3A_208 = arith.constant 9984 : i32
          %dma_wait3A_209 = arith.constant 0 : i32
          %dma_wait3A_210 = tpu.memref_slice %arg23[%dma_wait3A_208, %dma_wait3A_209] : memref<10000x128xf32, #tpu.memory_space<vmem_shared>> -> memref<16x128xf32, #tpu.memory_space<vmem_shared>>
          tpu.wait_dma2 semaphore(%run_scoped3A : memref<!tpu.dma_semaphore, #tpu.memory_space<semaphore_mem>>) src(%dma_wait3A_210 : memref<16x128xf32, #tpu.memory_space<vmem_shared>>) dst(%dma_wait3A_207 : memref<16x128xf32, #tpu.memory_space<hbm>>)
          tpu.yield
        }) : () -> ()
      } else {
      }
    } else {
    }
    %eq3A_139 = arith.constant 1 : i32
    %eq3A_140 = arith.cmpi eq, %arg0, %eq3A_139 : i32
    %convert_element_type3A_141 = arith.extui %eq3A_140 : i1 to i32
    %cond3A_142 = arith.constant 0 : i32
    %cond3A_143 = arith.cmpi ne, %convert_element_type3A_141, %cond3A_142 : i32
    scf.if %cond3A_143 {
      %mul3A_144 = arith.constant 624 : i32
      %mul3A_145 = arith.muli %arg1, %mul3A_144 : i32
      %add3A_146 = arith.constant 0 : i32
      %add3A_147 = arith.addi %mul3A_145, %add3A_146 : i32
      "tpu.region"() ({
        %run_scoped3A = tpu.sem_alloc : memref<!tpu.dma_semaphore, #tpu.memory_space<semaphore_mem>>
        %dma_start3A = arith.constant 0 : i32
        %dma_start3A_201 = tpu.memref_slice %arg12[%add3A_147, %dma_start3A] : memref<10000x128xf32, #tpu.memory_space<hbm>> -> memref<48x128xf32, #tpu.memory_space<hbm>>
        %dma_start3A_202 = arith.constant 0 : i32
        %dma_start3A_203 = tpu.memref_slice %arg23[%add3A_147, %dma_start3A_202] : memref<10000x128xf32, #tpu.memory_space<vmem_shared>> -> memref<48x128xf32, #tpu.memory_space<vmem_shared>>
        tpu.enqueue_dma source(%dma_start3A_203 : memref<48x128xf32, #tpu.memory_space<vmem_shared>>) target(%dma_start3A_201 : memref<48x128xf32, #tpu.memory_space<hbm>>) target_semaphore(%run_scoped3A : memref<!tpu.dma_semaphore, #tpu.memory_space<semaphore_mem>>)
        %dma_wait3A = arith.constant 0 : i32
        %dma_wait3A_204 = tpu.memref_slice %arg12[%add3A_147, %dma_wait3A] : memref<10000x128xf32, #tpu.memory_space<hbm>> -> memref<48x128xf32, #tpu.memory_space<hbm>>
        %dma_wait3A_205 = arith.constant 0 : i32
        %dma_wait3A_206 = tpu.memref_slice %arg23[%add3A_147, %dma_wait3A_205] : memref<10000x128xf32, #tpu.memory_space<vmem_shared>> -> memref<48x128xf32, #tpu.memory_space<vmem_shared>>
        tpu.wait_dma2 semaphore(%run_scoped3A : memref<!tpu.dma_semaphore, #tpu.memory_space<semaphore_mem>>) src(%dma_wait3A_206 : memref<48x128xf32, #tpu.memory_space<vmem_shared>>) dst(%dma_wait3A_204 : memref<48x128xf32, #tpu.memory_space<hbm>>)
        tpu.yield
      }) : () -> ()
      %mul3A_148 = arith.constant 624 : i32
      %mul3A_149 = arith.muli %arg1, %mul3A_148 : i32
      %add3A_150 = arith.constant 48 : i32
      %add3A_151 = arith.addi %mul3A_149, %add3A_150 : i32
      "tpu.region"() ({
        %run_scoped3A = tpu.sem_alloc : memref<!tpu.dma_semaphore, #tpu.memory_space<semaphore_mem>>
        %dma_start3A = arith.constant 0 : i32
        %dma_start3A_201 = tpu.memref_slice %arg12[%add3A_151, %dma_start3A] : memref<10000x128xf32, #tpu.memory_space<hbm>> -> memref<48x128xf32, #tpu.memory_space<hbm>>
        %dma_start3A_202 = arith.constant 0 : i32
        %dma_start3A_203 = tpu.memref_slice %arg23[%add3A_151, %dma_start3A_202] : memref<10000x128xf32, #tpu.memory_space<vmem_shared>> -> memref<48x128xf32, #tpu.memory_space<vmem_shared>>
        tpu.enqueue_dma source(%dma_start3A_203 : memref<48x128xf32, #tpu.memory_space<vmem_shared>>) target(%dma_start3A_201 : memref<48x128xf32, #tpu.memory_space<hbm>>) target_semaphore(%run_scoped3A : memref<!tpu.dma_semaphore, #tpu.memory_space<semaphore_mem>>)
        %dma_wait3A = arith.constant 0 : i32
        %dma_wait3A_204 = tpu.memref_slice %arg12[%add3A_151, %dma_wait3A] : memref<10000x128xf32, #tpu.memory_space<hbm>> -> memref<48x128xf32, #tpu.memory_space<hbm>>
        %dma_wait3A_205 = arith.constant 0 : i32
        %dma_wait3A_206 = tpu.memref_slice %arg23[%add3A_151, %dma_wait3A_205] : memref<10000x128xf32, #tpu.memory_space<vmem_shared>> -> memref<48x128xf32, #tpu.memory_space<vmem_shared>>
        tpu.wait_dma2 semaphore(%run_scoped3A : memref<!tpu.dma_semaphore, #tpu.memory_space<semaphore_mem>>) src(%dma_wait3A_206 : memref<48x128xf32, #tpu.memory_space<vmem_shared>>) dst(%dma_wait3A_204 : memref<48x128xf32, #tpu.memory_space<hbm>>)
        tpu.yield
      }) : () -> ()
      %mul3A_152 = arith.constant 624 : i32
      %mul3A_153 = arith.muli %arg1, %mul3A_152 : i32
      %add3A_154 = arith.constant 96 : i32
      %add3A_155 = arith.addi %mul3A_153, %add3A_154 : i32
      "tpu.region"() ({
        %run_scoped3A = tpu.sem_alloc : memref<!tpu.dma_semaphore, #tpu.memory_space<semaphore_mem>>
        %dma_start3A = arith.constant 0 : i32
        %dma_start3A_201 = tpu.memref_slice %arg12[%add3A_155, %dma_start3A] : memref<10000x128xf32, #tpu.memory_space<hbm>> -> memref<48x128xf32, #tpu.memory_space<hbm>>
        %dma_start3A_202 = arith.constant 0 : i32
        %dma_start3A_203 = tpu.memref_slice %arg23[%add3A_155, %dma_start3A_202] : memref<10000x128xf32, #tpu.memory_space<vmem_shared>> -> memref<48x128xf32, #tpu.memory_space<vmem_shared>>
        tpu.enqueue_dma source(%dma_start3A_203 : memref<48x128xf32, #tpu.memory_space<vmem_shared>>) target(%dma_start3A_201 : memref<48x128xf32, #tpu.memory_space<hbm>>) target_semaphore(%run_scoped3A : memref<!tpu.dma_semaphore, #tpu.memory_space<semaphore_mem>>)
        %dma_wait3A = arith.constant 0 : i32
        %dma_wait3A_204 = tpu.memref_slice %arg12[%add3A_155, %dma_wait3A] : memref<10000x128xf32, #tpu.memory_space<hbm>> -> memref<48x128xf32, #tpu.memory_space<hbm>>
        %dma_wait3A_205 = arith.constant 0 : i32
        %dma_wait3A_206 = tpu.memref_slice %arg23[%add3A_155, %dma_wait3A_205] : memref<10000x128xf32, #tpu.memory_space<vmem_shared>> -> memref<48x128xf32, #tpu.memory_space<vmem_shared>>
        tpu.wait_dma2 semaphore(%run_scoped3A : memref<!tpu.dma_semaphore, #tpu.memory_space<semaphore_mem>>) src(%dma_wait3A_206 : memref<48x128xf32, #tpu.memory_space<vmem_shared>>) dst(%dma_wait3A_204 : memref<48x128xf32, #tpu.memory_space<hbm>>)
        tpu.yield
      }) : () -> ()
      %mul3A_156 = arith.constant 624 : i32
      %mul3A_157 = arith.muli %arg1, %mul3A_156 : i32
      %add3A_158 = arith.constant 144 : i32
      %add3A_159 = arith.addi %mul3A_157, %add3A_158 : i32
      "tpu.region"() ({
        %run_scoped3A = tpu.sem_alloc : memref<!tpu.dma_semaphore, #tpu.memory_space<semaphore_mem>>
        %dma_start3A = arith.constant 0 : i32
        %dma_start3A_201 = tpu.memref_slice %arg12[%add3A_159, %dma_start3A] : memref<10000x128xf32, #tpu.memory_space<hbm>> -> memref<48x128xf32, #tpu.memory_space<hbm>>
        %dma_start3A_202 = arith.constant 0 : i32
        %dma_start3A_203 = tpu.memref_slice %arg23[%add3A_159, %dma_start3A_202] : memref<10000x128xf32, #tpu.memory_space<vmem_shared>> -> memref<48x128xf32, #tpu.memory_space<vmem_shared>>
        tpu.enqueue_dma source(%dma_start3A_203 : memref<48x128xf32, #tpu.memory_space<vmem_shared>>) target(%dma_start3A_201 : memref<48x128xf32, #tpu.memory_space<hbm>>) target_semaphore(%run_scoped3A : memref<!tpu.dma_semaphore, #tpu.memory_space<semaphore_mem>>)
        %dma_wait3A = arith.constant 0 : i32
        %dma_wait3A_204 = tpu.memref_slice %arg12[%add3A_159, %dma_wait3A] : memref<10000x128xf32, #tpu.memory_space<hbm>> -> memref<48x128xf32, #tpu.memory_space<hbm>>
        %dma_wait3A_205 = arith.constant 0 : i32
        %dma_wait3A_206 = tpu.memref_slice %arg23[%add3A_159, %dma_wait3A_205] : memref<10000x128xf32, #tpu.memory_space<vmem_shared>> -> memref<48x128xf32, #tpu.memory_space<vmem_shared>>
        tpu.wait_dma2 semaphore(%run_scoped3A : memref<!tpu.dma_semaphore, #tpu.memory_space<semaphore_mem>>) src(%dma_wait3A_206 : memref<48x128xf32, #tpu.memory_space<vmem_shared>>) dst(%dma_wait3A_204 : memref<48x128xf32, #tpu.memory_space<hbm>>)
        tpu.yield
      }) : () -> ()
      %mul3A_160 = arith.constant 624 : i32
      %mul3A_161 = arith.muli %arg1, %mul3A_160 : i32
      %add3A_162 = arith.constant 192 : i32
      %add3A_163 = arith.addi %mul3A_161, %add3A_162 : i32
      "tpu.region"() ({
        %run_scoped3A = tpu.sem_alloc : memref<!tpu.dma_semaphore, #tpu.memory_space<semaphore_mem>>
        %dma_start3A = arith.constant 0 : i32
        %dma_start3A_201 = tpu.memref_slice %arg12[%add3A_163, %dma_start3A] : memref<10000x128xf32, #tpu.memory_space<hbm>> -> memref<48x128xf32, #tpu.memory_space<hbm>>
        %dma_start3A_202 = arith.constant 0 : i32
        %dma_start3A_203 = tpu.memref_slice %arg23[%add3A_163, %dma_start3A_202] : memref<10000x128xf32, #tpu.memory_space<vmem_shared>> -> memref<48x128xf32, #tpu.memory_space<vmem_shared>>
        tpu.enqueue_dma source(%dma_start3A_203 : memref<48x128xf32, #tpu.memory_space<vmem_shared>>) target(%dma_start3A_201 : memref<48x128xf32, #tpu.memory_space<hbm>>) target_semaphore(%run_scoped3A : memref<!tpu.dma_semaphore, #tpu.memory_space<semaphore_mem>>)
        %dma_wait3A = arith.constant 0 : i32
        %dma_wait3A_204 = tpu.memref_slice %arg12[%add3A_163, %dma_wait3A] : memref<10000x128xf32, #tpu.memory_space<hbm>> -> memref<48x128xf32, #tpu.memory_space<hbm>>
        %dma_wait3A_205 = arith.constant 0 : i32
        %dma_wait3A_206 = tpu.memref_slice %arg23[%add3A_163, %dma_wait3A_205] : memref<10000x128xf32, #tpu.memory_space<vmem_shared>> -> memref<48x128xf32, #tpu.memory_space<vmem_shared>>
        tpu.wait_dma2 semaphore(%run_scoped3A : memref<!tpu.dma_semaphore, #tpu.memory_space<semaphore_mem>>) src(%dma_wait3A_206 : memref<48x128xf32, #tpu.memory_space<vmem_shared>>) dst(%dma_wait3A_204 : memref<48x128xf32, #tpu.memory_space<hbm>>)
        tpu.yield
      }) : () -> ()
      %mul3A_164 = arith.constant 624 : i32
      %mul3A_165 = arith.muli %arg1, %mul3A_164 : i32
      %add3A_166 = arith.constant 240 : i32
      %add3A_167 = arith.addi %mul3A_165, %add3A_166 : i32
      "tpu.region"() ({
        %run_scoped3A = tpu.sem_alloc : memref<!tpu.dma_semaphore, #tpu.memory_space<semaphore_mem>>
        %dma_start3A = arith.constant 0 : i32
        %dma_start3A_201 = tpu.memref_slice %arg12[%add3A_167, %dma_start3A] : memref<10000x128xf32, #tpu.memory_space<hbm>> -> memref<48x128xf32, #tpu.memory_space<hbm>>
        %dma_start3A_202 = arith.constant 0 : i32
        %dma_start3A_203 = tpu.memref_slice %arg23[%add3A_167, %dma_start3A_202] : memref<10000x128xf32, #tpu.memory_space<vmem_shared>> -> memref<48x128xf32, #tpu.memory_space<vmem_shared>>
        tpu.enqueue_dma source(%dma_start3A_203 : memref<48x128xf32, #tpu.memory_space<vmem_shared>>) target(%dma_start3A_201 : memref<48x128xf32, #tpu.memory_space<hbm>>) target_semaphore(%run_scoped3A : memref<!tpu.dma_semaphore, #tpu.memory_space<semaphore_mem>>)
        %dma_wait3A = arith.constant 0 : i32
        %dma_wait3A_204 = tpu.memref_slice %arg12[%add3A_167, %dma_wait3A] : memref<10000x128xf32, #tpu.memory_space<hbm>> -> memref<48x128xf32, #tpu.memory_space<hbm>>
        %dma_wait3A_205 = arith.constant 0 : i32
        %dma_wait3A_206 = tpu.memref_slice %arg23[%add3A_167, %dma_wait3A_205] : memref<10000x128xf32, #tpu.memory_space<vmem_shared>> -> memref<48x128xf32, #tpu.memory_space<vmem_shared>>
        tpu.wait_dma2 semaphore(%run_scoped3A : memref<!tpu.dma_semaphore, #tpu.memory_space<semaphore_mem>>) src(%dma_wait3A_206 : memref<48x128xf32, #tpu.memory_space<vmem_shared>>) dst(%dma_wait3A_204 : memref<48x128xf32, #tpu.memory_space<hbm>>)
        tpu.yield
      }) : () -> ()
      %mul3A_168 = arith.constant 624 : i32
      %mul3A_169 = arith.muli %arg1, %mul3A_168 : i32
      %add3A_170 = arith.constant 288 : i32
      %add3A_171 = arith.addi %mul3A_169, %add3A_170 : i32
      "tpu.region"() ({
        %run_scoped3A = tpu.sem_alloc : memref<!tpu.dma_semaphore, #tpu.memory_space<semaphore_mem>>
        %dma_start3A = arith.constant 0 : i32
        %dma_start3A_201 = tpu.memref_slice %arg12[%add3A_171, %dma_start3A] : memref<10000x128xf32, #tpu.memory_space<hbm>> -> memref<48x128xf32, #tpu.memory_space<hbm>>
        %dma_start3A_202 = arith.constant 0 : i32
        %dma_start3A_203 = tpu.memref_slice %arg23[%add3A_171, %dma_start3A_202] : memref<10000x128xf32, #tpu.memory_space<vmem_shared>> -> memref<48x128xf32, #tpu.memory_space<vmem_shared>>
        tpu.enqueue_dma source(%dma_start3A_203 : memref<48x128xf32, #tpu.memory_space<vmem_shared>>) target(%dma_start3A_201 : memref<48x128xf32, #tpu.memory_space<hbm>>) target_semaphore(%run_scoped3A : memref<!tpu.dma_semaphore, #tpu.memory_space<semaphore_mem>>)
        %dma_wait3A = arith.constant 0 : i32
        %dma_wait3A_204 = tpu.memref_slice %arg12[%add3A_171, %dma_wait3A] : memref<10000x128xf32, #tpu.memory_space<hbm>> -> memref<48x128xf32, #tpu.memory_space<hbm>>
        %dma_wait3A_205 = arith.constant 0 : i32
        %dma_wait3A_206 = tpu.memref_slice %arg23[%add3A_171, %dma_wait3A_205] : memref<10000x128xf32, #tpu.memory_space<vmem_shared>> -> memref<48x128xf32, #tpu.memory_space<vmem_shared>>
        tpu.wait_dma2 semaphore(%run_scoped3A : memref<!tpu.dma_semaphore, #tpu.memory_space<semaphore_mem>>) src(%dma_wait3A_206 : memref<48x128xf32, #tpu.memory_space<vmem_shared>>) dst(%dma_wait3A_204 : memref<48x128xf32, #tpu.memory_space<hbm>>)
        tpu.yield
      }) : () -> ()
      %mul3A_172 = arith.constant 624 : i32
      %mul3A_173 = arith.muli %arg1, %mul3A_172 : i32
      %add3A_174 = arith.constant 336 : i32
      %add3A_175 = arith.addi %mul3A_173, %add3A_174 : i32
      "tpu.region"() ({
        %run_scoped3A = tpu.sem_alloc : memref<!tpu.dma_semaphore, #tpu.memory_space<semaphore_mem>>
        %dma_start3A = arith.constant 0 : i32
        %dma_start3A_201 = tpu.memref_slice %arg12[%add3A_175, %dma_start3A] : memref<10000x128xf32, #tpu.memory_space<hbm>> -> memref<48x128xf32, #tpu.memory_space<hbm>>
        %dma_start3A_202 = arith.constant 0 : i32
        %dma_start3A_203 = tpu.memref_slice %arg23[%add3A_175, %dma_start3A_202] : memref<10000x128xf32, #tpu.memory_space<vmem_shared>> -> memref<48x128xf32, #tpu.memory_space<vmem_shared>>
        tpu.enqueue_dma source(%dma_start3A_203 : memref<48x128xf32, #tpu.memory_space<vmem_shared>>) target(%dma_start3A_201 : memref<48x128xf32, #tpu.memory_space<hbm>>) target_semaphore(%run_scoped3A : memref<!tpu.dma_semaphore, #tpu.memory_space<semaphore_mem>>)
        %dma_wait3A = arith.constant 0 : i32
        %dma_wait3A_204 = tpu.memref_slice %arg12[%add3A_175, %dma_wait3A] : memref<10000x128xf32, #tpu.memory_space<hbm>> -> memref<48x128xf32, #tpu.memory_space<hbm>>
        %dma_wait3A_205 = arith.constant 0 : i32
        %dma_wait3A_206 = tpu.memref_slice %arg23[%add3A_175, %dma_wait3A_205] : memref<10000x128xf32, #tpu.memory_space<vmem_shared>> -> memref<48x128xf32, #tpu.memory_space<vmem_shared>>
        tpu.wait_dma2 semaphore(%run_scoped3A : memref<!tpu.dma_semaphore, #tpu.memory_space<semaphore_mem>>) src(%dma_wait3A_206 : memref<48x128xf32, #tpu.memory_space<vmem_shared>>) dst(%dma_wait3A_204 : memref<48x128xf32, #tpu.memory_space<hbm>>)
        tpu.yield
      }) : () -> ()
      %mul3A_176 = arith.constant 624 : i32
      %mul3A_177 = arith.muli %arg1, %mul3A_176 : i32
      %add3A_178 = arith.constant 384 : i32
      %add3A_179 = arith.addi %mul3A_177, %add3A_178 : i32
      "tpu.region"() ({
        %run_scoped3A = tpu.sem_alloc : memref<!tpu.dma_semaphore, #tpu.memory_space<semaphore_mem>>
        %dma_start3A = arith.constant 0 : i32
        %dma_start3A_201 = tpu.memref_slice %arg12[%add3A_179, %dma_start3A] : memref<10000x128xf32, #tpu.memory_space<hbm>> -> memref<48x128xf32, #tpu.memory_space<hbm>>
        %dma_start3A_202 = arith.constant 0 : i32
        %dma_start3A_203 = tpu.memref_slice %arg23[%add3A_179, %dma_start3A_202] : memref<10000x128xf32, #tpu.memory_space<vmem_shared>> -> memref<48x128xf32, #tpu.memory_space<vmem_shared>>
        tpu.enqueue_dma source(%dma_start3A_203 : memref<48x128xf32, #tpu.memory_space<vmem_shared>>) target(%dma_start3A_201 : memref<48x128xf32, #tpu.memory_space<hbm>>) target_semaphore(%run_scoped3A : memref<!tpu.dma_semaphore, #tpu.memory_space<semaphore_mem>>)
        %dma_wait3A = arith.constant 0 : i32
        %dma_wait3A_204 = tpu.memref_slice %arg12[%add3A_179, %dma_wait3A] : memref<10000x128xf32, #tpu.memory_space<hbm>> -> memref<48x128xf32, #tpu.memory_space<hbm>>
        %dma_wait3A_205 = arith.constant 0 : i32
        %dma_wait3A_206 = tpu.memref_slice %arg23[%add3A_179, %dma_wait3A_205] : memref<10000x128xf32, #tpu.memory_space<vmem_shared>> -> memref<48x128xf32, #tpu.memory_space<vmem_shared>>
        tpu.wait_dma2 semaphore(%run_scoped3A : memref<!tpu.dma_semaphore, #tpu.memory_space<semaphore_mem>>) src(%dma_wait3A_206 : memref<48x128xf32, #tpu.memory_space<vmem_shared>>) dst(%dma_wait3A_204 : memref<48x128xf32, #tpu.memory_space<hbm>>)
        tpu.yield
      }) : () -> ()
      %mul3A_180 = arith.constant 624 : i32
      %mul3A_181 = arith.muli %arg1, %mul3A_180 : i32
      %add3A_182 = arith.constant 432 : i32
      %add3A_183 = arith.addi %mul3A_181, %add3A_182 : i32
      "tpu.region"() ({
        %run_scoped3A = tpu.sem_alloc : memref<!tpu.dma_semaphore, #tpu.memory_space<semaphore_mem>>
        %dma_start3A = arith.constant 0 : i32
        %dma_start3A_201 = tpu.memref_slice %arg12[%add3A_183, %dma_start3A] : memref<10000x128xf32, #tpu.memory_space<hbm>> -> memref<48x128xf32, #tpu.memory_space<hbm>>
        %dma_start3A_202 = arith.constant 0 : i32
        %dma_start3A_203 = tpu.memref_slice %arg23[%add3A_183, %dma_start3A_202] : memref<10000x128xf32, #tpu.memory_space<vmem_shared>> -> memref<48x128xf32, #tpu.memory_space<vmem_shared>>
        tpu.enqueue_dma source(%dma_start3A_203 : memref<48x128xf32, #tpu.memory_space<vmem_shared>>) target(%dma_start3A_201 : memref<48x128xf32, #tpu.memory_space<hbm>>) target_semaphore(%run_scoped3A : memref<!tpu.dma_semaphore, #tpu.memory_space<semaphore_mem>>)
        %dma_wait3A = arith.constant 0 : i32
        %dma_wait3A_204 = tpu.memref_slice %arg12[%add3A_183, %dma_wait3A] : memref<10000x128xf32, #tpu.memory_space<hbm>> -> memref<48x128xf32, #tpu.memory_space<hbm>>
        %dma_wait3A_205 = arith.constant 0 : i32
        %dma_wait3A_206 = tpu.memref_slice %arg23[%add3A_183, %dma_wait3A_205] : memref<10000x128xf32, #tpu.memory_space<vmem_shared>> -> memref<48x128xf32, #tpu.memory_space<vmem_shared>>
        tpu.wait_dma2 semaphore(%run_scoped3A : memref<!tpu.dma_semaphore, #tpu.memory_space<semaphore_mem>>) src(%dma_wait3A_206 : memref<48x128xf32, #tpu.memory_space<vmem_shared>>) dst(%dma_wait3A_204 : memref<48x128xf32, #tpu.memory_space<hbm>>)
        tpu.yield
      }) : () -> ()
      %mul3A_184 = arith.constant 624 : i32
      %mul3A_185 = arith.muli %arg1, %mul3A_184 : i32
      %add3A_186 = arith.constant 480 : i32
      %add3A_187 = arith.addi %mul3A_185, %add3A_186 : i32
      "tpu.region"() ({
        %run_scoped3A = tpu.sem_alloc : memref<!tpu.dma_semaphore, #tpu.memory_space<semaphore_mem>>
        %dma_start3A = arith.constant 0 : i32
        %dma_start3A_201 = tpu.memref_slice %arg12[%add3A_187, %dma_start3A] : memref<10000x128xf32, #tpu.memory_space<hbm>> -> memref<48x128xf32, #tpu.memory_space<hbm>>
        %dma_start3A_202 = arith.constant 0 : i32
        %dma_start3A_203 = tpu.memref_slice %arg23[%add3A_187, %dma_start3A_202] : memref<10000x128xf32, #tpu.memory_space<vmem_shared>> -> memref<48x128xf32, #tpu.memory_space<vmem_shared>>
        tpu.enqueue_dma source(%dma_start3A_203 : memref<48x128xf32, #tpu.memory_space<vmem_shared>>) target(%dma_start3A_201 : memref<48x128xf32, #tpu.memory_space<hbm>>) target_semaphore(%run_scoped3A : memref<!tpu.dma_semaphore, #tpu.memory_space<semaphore_mem>>)
        %dma_wait3A = arith.constant 0 : i32
        %dma_wait3A_204 = tpu.memref_slice %arg12[%add3A_187, %dma_wait3A] : memref<10000x128xf32, #tpu.memory_space<hbm>> -> memref<48x128xf32, #tpu.memory_space<hbm>>
        %dma_wait3A_205 = arith.constant 0 : i32
        %dma_wait3A_206 = tpu.memref_slice %arg23[%add3A_187, %dma_wait3A_205] : memref<10000x128xf32, #tpu.memory_space<vmem_shared>> -> memref<48x128xf32, #tpu.memory_space<vmem_shared>>
        tpu.wait_dma2 semaphore(%run_scoped3A : memref<!tpu.dma_semaphore, #tpu.memory_space<semaphore_mem>>) src(%dma_wait3A_206 : memref<48x128xf32, #tpu.memory_space<vmem_shared>>) dst(%dma_wait3A_204 : memref<48x128xf32, #tpu.memory_space<hbm>>)
        tpu.yield
      }) : () -> ()
      %mul3A_188 = arith.constant 624 : i32
      %mul3A_189 = arith.muli %arg1, %mul3A_188 : i32
      %add3A_190 = arith.constant 528 : i32
      %add3A_191 = arith.addi %mul3A_189, %add3A_190 : i32
      "tpu.region"() ({
        %run_scoped3A = tpu.sem_alloc : memref<!tpu.dma_semaphore, #tpu.memory_space<semaphore_mem>>
        %dma_start3A = arith.constant 0 : i32
        %dma_start3A_201 = tpu.memref_slice %arg12[%add3A_191, %dma_start3A] : memref<10000x128xf32, #tpu.memory_space<hbm>> -> memref<48x128xf32, #tpu.memory_space<hbm>>
        %dma_start3A_202 = arith.constant 0 : i32
        %dma_start3A_203 = tpu.memref_slice %arg23[%add3A_191, %dma_start3A_202] : memref<10000x128xf32, #tpu.memory_space<vmem_shared>> -> memref<48x128xf32, #tpu.memory_space<vmem_shared>>
        tpu.enqueue_dma source(%dma_start3A_203 : memref<48x128xf32, #tpu.memory_space<vmem_shared>>) target(%dma_start3A_201 : memref<48x128xf32, #tpu.memory_space<hbm>>) target_semaphore(%run_scoped3A : memref<!tpu.dma_semaphore, #tpu.memory_space<semaphore_mem>>)
        %dma_wait3A = arith.constant 0 : i32
        %dma_wait3A_204 = tpu.memref_slice %arg12[%add3A_191, %dma_wait3A] : memref<10000x128xf32, #tpu.memory_space<hbm>> -> memref<48x128xf32, #tpu.memory_space<hbm>>
        %dma_wait3A_205 = arith.constant 0 : i32
        %dma_wait3A_206 = tpu.memref_slice %arg23[%add3A_191, %dma_wait3A_205] : memref<10000x128xf32, #tpu.memory_space<vmem_shared>> -> memref<48x128xf32, #tpu.memory_space<vmem_shared>>
        tpu.wait_dma2 semaphore(%run_scoped3A : memref<!tpu.dma_semaphore, #tpu.memory_space<semaphore_mem>>) src(%dma_wait3A_206 : memref<48x128xf32, #tpu.memory_space<vmem_shared>>) dst(%dma_wait3A_204 : memref<48x128xf32, #tpu.memory_space<hbm>>)
        tpu.yield
      }) : () -> ()
      %mul3A_192 = arith.constant 624 : i32
      %mul3A_193 = arith.muli %arg1, %mul3A_192 : i32
      %add3A_194 = arith.constant 576 : i32
      %add3A_195 = arith.addi %mul3A_193, %add3A_194 : i32
      "tpu.region"() ({
        %run_scoped3A = tpu.sem_alloc : memref<!tpu.dma_semaphore, #tpu.memory_space<semaphore_mem>>
        %dma_start3A = arith.constant 0 : i32
        %dma_start3A_201 = tpu.memref_slice %arg12[%add3A_195, %dma_start3A] : memref<10000x128xf32, #tpu.memory_space<hbm>> -> memref<48x128xf32, #tpu.memory_space<hbm>>
        %dma_start3A_202 = arith.constant 0 : i32
        %dma_start3A_203 = tpu.memref_slice %arg23[%add3A_195, %dma_start3A_202] : memref<10000x128xf32, #tpu.memory_space<vmem_shared>> -> memref<48x128xf32, #tpu.memory_space<vmem_shared>>
        tpu.enqueue_dma source(%dma_start3A_203 : memref<48x128xf32, #tpu.memory_space<vmem_shared>>) target(%dma_start3A_201 : memref<48x128xf32, #tpu.memory_space<hbm>>) target_semaphore(%run_scoped3A : memref<!tpu.dma_semaphore, #tpu.memory_space<semaphore_mem>>)
        %dma_wait3A = arith.constant 0 : i32
        %dma_wait3A_204 = tpu.memref_slice %arg12[%add3A_195, %dma_wait3A] : memref<10000x128xf32, #tpu.memory_space<hbm>> -> memref<48x128xf32, #tpu.memory_space<hbm>>
        %dma_wait3A_205 = arith.constant 0 : i32
        %dma_wait3A_206 = tpu.memref_slice %arg23[%add3A_195, %dma_wait3A_205] : memref<10000x128xf32, #tpu.memory_space<vmem_shared>> -> memref<48x128xf32, #tpu.memory_space<vmem_shared>>
        tpu.wait_dma2 semaphore(%run_scoped3A : memref<!tpu.dma_semaphore, #tpu.memory_space<semaphore_mem>>) src(%dma_wait3A_206 : memref<48x128xf32, #tpu.memory_space<vmem_shared>>) dst(%dma_wait3A_204 : memref<48x128xf32, #tpu.memory_space<hbm>>)
        tpu.yield
      }) : () -> ()
      %eq3A_196 = arith.constant 0 : i32
      %eq3A_197 = arith.cmpi eq, %arg1, %eq3A_196 : i32
      %convert_element_type3A_198 = arith.extui %eq3A_197 : i1 to i32
      %cond3A_199 = arith.constant 0 : i32
      %cond3A_200 = arith.cmpi ne, %convert_element_type3A_198, %cond3A_199 : i32
      scf.if %cond3A_200 {
        "tpu.region"() ({
          %run_scoped3A = tpu.sem_alloc : memref<!tpu.dma_semaphore, #tpu.memory_space<semaphore_mem>>
          %dma_start3A = arith.constant 9984 : i32
          %dma_start3A_201 = arith.constant 0 : i32
          %dma_start3A_202 = tpu.memref_slice %arg12[%dma_start3A, %dma_start3A_201] : memref<10000x128xf32, #tpu.memory_space<hbm>> -> memref<16x128xf32, #tpu.memory_space<hbm>>
          %dma_start3A_203 = arith.constant 9984 : i32
          %dma_start3A_204 = arith.constant 0 : i32
          %dma_start3A_205 = tpu.memref_slice %arg23[%dma_start3A_203, %dma_start3A_204] : memref<10000x128xf32, #tpu.memory_space<vmem_shared>> -> memref<16x128xf32, #tpu.memory_space<vmem_shared>>
          tpu.enqueue_dma source(%dma_start3A_205 : memref<16x128xf32, #tpu.memory_space<vmem_shared>>) target(%dma_start3A_202 : memref<16x128xf32, #tpu.memory_space<hbm>>) target_semaphore(%run_scoped3A : memref<!tpu.dma_semaphore, #tpu.memory_space<semaphore_mem>>)
          %dma_wait3A = arith.constant 9984 : i32
          %dma_wait3A_206 = arith.constant 0 : i32
          %dma_wait3A_207 = tpu.memref_slice %arg12[%dma_wait3A, %dma_wait3A_206] : memref<10000x128xf32, #tpu.memory_space<hbm>> -> memref<16x128xf32, #tpu.memory_space<hbm>>
          %dma_wait3A_208 = arith.constant 9984 : i32
          %dma_wait3A_209 = arith.constant 0 : i32
          %dma_wait3A_210 = tpu.memref_slice %arg23[%dma_wait3A_208, %dma_wait3A_209] : memref<10000x128xf32, #tpu.memory_space<vmem_shared>> -> memref<16x128xf32, #tpu.memory_space<vmem_shared>>
          tpu.wait_dma2 semaphore(%run_scoped3A : memref<!tpu.dma_semaphore, #tpu.memory_space<semaphore_mem>>) src(%dma_wait3A_210 : memref<16x128xf32, #tpu.memory_space<vmem_shared>>) dst(%dma_wait3A_207 : memref<16x128xf32, #tpu.memory_space<hbm>>)
          tpu.yield
        }) : () -> ()
      } else {
      }
    } else {
    }
    return
  }
}

module attributes {stable_mosaic.version = 14 : i64} {
  func.func @_ce_body(%arg0: i32, %arg1: memref<2000x128xf32, #tpu.memory_space<vmem>>, %arg2: memref<128x128xf32, #tpu.memory_space<vmem>>, %arg3: memref<1x128xf32, #tpu.memory_space<vmem>>, %arg4: memref<2000x64xf32, #tpu.memory_space<vmem>>, %arg5: memref<2000x64xf32, #tpu.memory_space<vmem>>) attributes {dimension_semantics = [#tpu.dimension_semantics<arbitrary>], iteration_bounds = array<i64: 160>, scalar_prefetch = 0 : i64, scratch_operands = 0 : i64, tpu.core_type = #tpu.core_type<tc>, window_params = [{transform_indices = @transform_0, window_bounds = array<i64: 2000, 128>}, {pipeline_mode = #tpu.pipeline_mode<synchronous>, transform_indices = @transform_1, window_bounds = array<i64: 128, 128>}, {pipeline_mode = #tpu.pipeline_mode<synchronous>, transform_indices = @transform_2, window_bounds = array<i64: 1, 128>}, {transform_indices = @transform_3, window_bounds = array<i64: 2000, 64>}, {transform_indices = @transform_4, window_bounds = array<i64: 2000, 64>}]} {
    %get3A = arith.constant 0 : index
    %get3A_0 = arith.constant 0 : index
    %get3A_1 = vector.load %arg1[%get3A, %get3A_0] : memref<2000x128xf32, #tpu.memory_space<vmem>>, vector<2000x128xf32>
    %get3A_2 = arith.constant 0 : index
    %get3A_3 = arith.constant 0 : index
    %get3A_4 = vector.load %arg2[%get3A_2, %get3A_3] : memref<128x128xf32, #tpu.memory_space<vmem>>, vector<128x128xf32>
    %dot_general3A = arith.constant dense<0.000000e+00> : vector<2000x128xf32>
    %dot_general3A_5 = tpu.matmul %get3A_1, %get3A_4, %dot_general3A {dimension_numbers = #tpu.dot_dimension_numbers<[1], [1], [0], [0], [0, 0, 1, 0], [], []>, transpose_lhs_hint = false} : vector<2000x128xf32>, vector<128x128xf32>, vector<2000x128xf32> -> vector<2000x128xf32>
    %get3A_6 = arith.constant 0 : index
    %get3A_7 = arith.constant 0 : index
    %get3A_8 = vector.load %arg3[%get3A_6, %get3A_7] : memref<1x128xf32, #tpu.memory_space<vmem>>, vector<1x128xf32>
    %add3A = vector.broadcast %get3A_8 : vector<1x128xf32> to vector<2000x128xf32>
    %add3A_9 = arith.addf %dot_general3A_5, %add3A : vector<2000x128xf32>
    %slice3A = vector.extract_strided_slice %add3A_9 {offsets = [0, 0], sizes = [2000, 64], strides = [1, 1]} : vector<2000x128xf32> to vector<2000x64xf32>
    %swap3A = arith.constant 0 : index
    %swap3A_10 = arith.constant 0 : index
    %swap3A_11 = vector.load %arg4[%swap3A, %swap3A_10] : memref<2000x64xf32, #tpu.memory_space<vmem>>, vector<2000x64xf32>
    tpu.vector_store %arg4[%swap3A, %swap3A_10], %slice3A {strides = array<i32>} : memref<2000x64xf32, #tpu.memory_space<vmem>>, vector<2000x64xf32>,
    %slice3A_12 = vector.extract_strided_slice %add3A_9 {offsets = [0, 64], sizes = [2000, 64], strides = [1, 1]} : vector<2000x128xf32> to vector<2000x64xf32>
    %swap3A_13 = arith.constant 0 : index
    %swap3A_14 = arith.constant 0 : index
    %swap3A_15 = vector.load %arg5[%swap3A_13, %swap3A_14] : memref<2000x64xf32, #tpu.memory_space<vmem>>, vector<2000x64xf32>
    tpu.vector_store %arg5[%swap3A_13, %swap3A_14], %slice3A_12 {strides = array<i32>} : memref<2000x64xf32, #tpu.memory_space<vmem>>, vector<2000x64xf32>,
    return
  }
  func.func @transform_0(%arg0: i32) -> (i32, i32) {
    %c0_i32 = arith.constant 0 : i32
    %c0_i32_0 = arith.constant 0 : i32
    return %arg0, %c0_i32 : i32, i32
  }
  func.func @transform_1(%arg0: i32) -> (i32, i32) {
    %c0_i32 = arith.constant 0 : i32
    %c0_i32_0 = arith.constant 0 : i32
    %c0_i32_1 = arith.constant 0 : i32
    return %c0_i32, %c0_i32_0 : i32, i32
  }
  func.func @transform_2(%arg0: i32) -> (i32, i32) {
    %c0_i32 = arith.constant 0 : i32
    %c0_i32_0 = arith.constant 0 : i32
    %c0_i32_1 = arith.constant 0 : i32
    return %c0_i32, %c0_i32_0 : i32, i32
  }
  func.func @transform_3(%arg0: i32) -> (i32, i32) {
    %c0_i32 = arith.constant 0 : i32
    %c0_i32_0 = arith.constant 0 : i32
    return %arg0, %c0_i32 : i32, i32
  }
  func.func @transform_4(%arg0: i32) -> (i32, i32) {
    %c0_i32 = arith.constant 0 : i32
    %c0_i32_0 = arith.constant 0 : i32
    return %arg0, %c0_i32 : i32, i32
  }
}

module attributes {stable_mosaic.version = 14 : i64} {
  func.func @_fin_body(%arg0: memref<10000x128xf32, #tpu.memory_space<vmem>>, %arg1: memref<10000x128xf32, #tpu.memory_space<vmem>>, %arg2: memref<10000x128xf32, #tpu.memory_space<vmem>>, %arg3: memref<2x16x2x64xf32, #tpu.memory_space<vmem>>, %arg4: memref<2x64xf32, #tpu.memory_space<vmem>>, %arg5: memref<2x64xf32, #tpu.memory_space<vmem>>, %arg6: memref<2x64xf32, #tpu.memory_space<vmem>>, %arg7: memref<2x64xf32, #tpu.memory_space<vmem>>, %arg8: memref<10000x128xf32, #tpu.memory_space<vmem>>, %arg9: memref<2x64xf32, #tpu.memory_space<vmem>>, %arg10: memref<2x64xf32, #tpu.memory_space<vmem>>) attributes {dimension_semantics = [], scalar_prefetch = 0 : i64, scratch_operands = 0 : i64, tpu.core_type = #tpu.core_type<tc>} {
    %get3A = arith.constant 0 : index
    %get3A_0 = arith.constant 0 : index
    %get3A_1 = vector.load %arg0[%get3A, %get3A_0] : memref<10000x128xf32, #tpu.memory_space<vmem>>, vector<10000x64xf32>
    %get3A_2 = arith.constant 0 : index
    %get3A_3 = arith.constant 0 : index
    %get3A_4 = vector.load %arg1[%get3A_2, %get3A_3] : memref<10000x128xf32, #tpu.memory_space<vmem>>, vector<10000x64xf32>
    %get3A_5 = arith.constant 0 : index
    %get3A_6 = arith.constant 64 : index
    %get3A_7 = vector.load %arg1[%get3A_5, %get3A_6] : memref<10000x128xf32, #tpu.memory_space<vmem>>, vector<10000x64xf32>
    %add3A = arith.constant 9.99999997E-7 : f32
    %add3A_8 = vector.broadcast %add3A : f32 to vector<10000x64xf32>
    %add3A_9 = arith.addf %get3A_7, %add3A_8 : vector<10000x64xf32>
    %div3A = arith.divf %get3A_4, %add3A_9 : vector<10000x64xf32>
    %add3A_10 = arith.addf %get3A_1, %div3A : vector<10000x64xf32>
    %reduce_sum3A = arith.constant dense<0.000000e+00> : vector<64xf32>
    %reduce_sum3A_11 = vector.multi_reduction <add>, %add3A_10, %reduce_sum3A [0] : vector<10000x64xf32> to vector<64xf32>
    %broadcast_in_dim3A = vector.shape_cast %reduce_sum3A_11 : vector<64xf32> to vector<1x64xf32>
    %div3A_12 = arith.constant 1.000000e+04 : f32
    %div3A_13 = vector.broadcast %div3A_12 : f32 to vector<1x64xf32>
    %div3A_14 = arith.divf %broadcast_in_dim3A, %div3A_13 : vector<1x64xf32>
    %sub3A = vector.broadcast %div3A_14 : vector<1x64xf32> to vector<10000x64xf32>
    %sub3A_15 = arith.subf %add3A_10, %sub3A : vector<10000x64xf32>
    %mul3A = arith.mulf %sub3A_15, %sub3A_15 : vector<10000x64xf32>
    %reduce_sum3A_16 = arith.constant dense<0.000000e+00> : vector<64xf32>
    %reduce_sum3A_17 = vector.multi_reduction <add>, %mul3A, %reduce_sum3A_16 [0] : vector<10000x64xf32> to vector<64xf32>
    %broadcast_in_dim3A_18 = vector.shape_cast %reduce_sum3A_17 : vector<64xf32> to vector<1x64xf32>
    %div3A_19 = arith.constant 1.000000e+04 : f32
    %div3A_20 = vector.broadcast %div3A_19 : f32 to vector<1x64xf32>
    %div3A_21 = arith.divf %broadcast_in_dim3A_18, %div3A_20 : vector<1x64xf32>
    %get3A_22 = arith.constant 0 : index
    %get3A_23 = arith.constant 0 : index
    %get3A_24 = vector.load %arg4[%get3A_22, %get3A_23] : memref<2x64xf32, #tpu.memory_space<vmem>>, vector<1x64xf32>
    %mul3A_25 = vector.broadcast %get3A_24 : vector<1x64xf32> to vector<10000x64xf32>
    %mul3A_26 = arith.mulf %mul3A_25, %sub3A_15 : vector<10000x64xf32>
    %add3A_27 = arith.constant 9.99999974E-6 : f32
    %add3A_28 = vector.broadcast %add3A_27 : f32 to vector<1x64xf32>
    %add3A_29 = arith.addf %div3A_21, %add3A_28 : vector<1x64xf32>
    %sqrt3A = math.sqrt %add3A_29 : vector<1x64xf32>
    %div3A_30 = vector.broadcast %sqrt3A : vector<1x64xf32> to vector<10000x64xf32>
    %div3A_31 = arith.divf %mul3A_26, %div3A_30 : vector<10000x64xf32>
    %get3A_32 = arith.constant 0 : index
    %get3A_33 = arith.constant 0 : index
    %get3A_34 = vector.load %arg5[%get3A_32, %get3A_33] : memref<2x64xf32, #tpu.memory_space<vmem>>, vector<1x64xf32>
    %add3A_35 = vector.broadcast %get3A_34 : vector<1x64xf32> to vector<10000x64xf32>
    %add3A_36 = arith.addf %div3A_31, %add3A_35 : vector<10000x64xf32>
    %max3A = arith.constant 0.000000e+00 : f32
    %max3A_37 = vector.broadcast %max3A : f32 to vector<10000x64xf32>
    %max3A_38 = arith.maximumf %add3A_36, %max3A_37 : vector<10000x64xf32>
    %swap3A = arith.constant 0 : index
    %swap3A_39 = arith.constant 0 : index
    %swap3A_40 = vector.load %arg8[%swap3A, %swap3A_39] : memref<10000x128xf32, #tpu.memory_space<vmem>>, vector<10000x64xf32>
    tpu.vector_store %arg8[%swap3A, %swap3A_39], %max3A_38 {strides = array<i32>} : memref<10000x128xf32, #tpu.memory_space<vmem>>, vector<10000x64xf32>,
    %get3A_41 = arith.constant 0 : index
    %get3A_42 = arith.constant 64 : index
    %get3A_43 = vector.load %arg0[%get3A_41, %get3A_42] : memref<10000x128xf32, #tpu.memory_space<vmem>>, vector<10000x64xf32>
    %get3A_44 = arith.constant 0 : index
    %get3A_45 = arith.constant 0 : index
    %get3A_46 = vector.load %arg2[%get3A_44, %get3A_45] : memref<10000x128xf32, #tpu.memory_space<vmem>>, vector<10000x64xf32>
    %get3A_47 = arith.constant 0 : index
    %get3A_48 = arith.constant 64 : index
    %get3A_49 = vector.load %arg2[%get3A_47, %get3A_48] : memref<10000x128xf32, #tpu.memory_space<vmem>>, vector<10000x64xf32>
    %add3A_50 = arith.constant 9.99999997E-7 : f32
    %add3A_51 = vector.broadcast %add3A_50 : f32 to vector<10000x64xf32>
    %add3A_52 = arith.addf %get3A_49, %add3A_51 : vector<10000x64xf32>
    %div3A_53 = arith.divf %get3A_46, %add3A_52 : vector<10000x64xf32>
    %add3A_54 = arith.addf %get3A_43, %div3A_53 : vector<10000x64xf32>
    %reduce_sum3A_55 = arith.constant dense<0.000000e+00> : vector<64xf32>
    %reduce_sum3A_56 = vector.multi_reduction <add>, %add3A_54, %reduce_sum3A_55 [0] : vector<10000x64xf32> to vector<64xf32>
    %broadcast_in_dim3A_57 = vector.shape_cast %reduce_sum3A_56 : vector<64xf32> to vector<1x64xf32>
    %div3A_58 = arith.constant 1.000000e+04 : f32
    %div3A_59 = vector.broadcast %div3A_58 : f32 to vector<1x64xf32>
    %div3A_60 = arith.divf %broadcast_in_dim3A_57, %div3A_59 : vector<1x64xf32>
    %sub3A_61 = vector.broadcast %div3A_60 : vector<1x64xf32> to vector<10000x64xf32>
    %sub3A_62 = arith.subf %add3A_54, %sub3A_61 : vector<10000x64xf32>
    %mul3A_63 = arith.mulf %sub3A_62, %sub3A_62 : vector<10000x64xf32>
    %reduce_sum3A_64 = arith.constant dense<0.000000e+00> : vector<64xf32>
    %reduce_sum3A_65 = vector.multi_reduction <add>, %mul3A_63, %reduce_sum3A_64 [0] : vector<10000x64xf32> to vector<64xf32>
    %broadcast_in_dim3A_66 = vector.shape_cast %reduce_sum3A_65 : vector<64xf32> to vector<1x64xf32>
    %div3A_67 = arith.constant 1.000000e+04 : f32
    %div3A_68 = vector.broadcast %div3A_67 : f32 to vector<1x64xf32>
    %div3A_69 = arith.divf %broadcast_in_dim3A_66, %div3A_68 : vector<1x64xf32>
    %get3A_70 = arith.constant 1 : index
    %get3A_71 = arith.constant 0 : index
    %get3A_72 = vector.load %arg4[%get3A_70, %get3A_71] : memref<2x64xf32, #tpu.memory_space<vmem>>, vector<1x64xf32>
    %mul3A_73 = vector.broadcast %get3A_72 : vector<1x64xf32> to vector<10000x64xf32>
    %mul3A_74 = arith.mulf %mul3A_73, %sub3A_62 : vector<10000x64xf32>
    %add3A_75 = arith.constant 9.99999974E-6 : f32
    %add3A_76 = vector.broadcast %add3A_75 : f32 to vector<1x64xf32>
    %add3A_77 = arith.addf %div3A_69, %add3A_76 : vector<1x64xf32>
    %sqrt3A_78 = math.sqrt %add3A_77 : vector<1x64xf32>
    %div3A_79 = vector.broadcast %sqrt3A_78 : vector<1x64xf32> to vector<10000x64xf32>
    %div3A_80 = arith.divf %mul3A_74, %div3A_79 : vector<10000x64xf32>
    %get3A_81 = arith.constant 1 : index
    %get3A_82 = arith.constant 0 : index
    %get3A_83 = vector.load %arg5[%get3A_81, %get3A_82] : memref<2x64xf32, #tpu.memory_space<vmem>>, vector<1x64xf32>
    %add3A_84 = vector.broadcast %get3A_83 : vector<1x64xf32> to vector<10000x64xf32>
    %add3A_85 = arith.addf %div3A_80, %add3A_84 : vector<10000x64xf32>
    %max3A_86 = arith.constant 0.000000e+00 : f32
    %max3A_87 = vector.broadcast %max3A_86 : f32 to vector<10000x64xf32>
    %max3A_88 = arith.maximumf %add3A_85, %max3A_87 : vector<10000x64xf32>
    %swap3A_89 = arith.constant 0 : index
    %swap3A_90 = arith.constant 64 : index
    %swap3A_91 = vector.load %arg8[%swap3A_89, %swap3A_90] : memref<10000x128xf32, #tpu.memory_space<vmem>>, vector<10000x64xf32>
    tpu.vector_store %arg8[%swap3A_89, %swap3A_90], %max3A_88 {strides = array<i32>} : memref<10000x128xf32, #tpu.memory_space<vmem>>, vector<10000x64xf32>,
    %get3A_92 = arith.constant 0 : index
    %get3A_93 = arith.constant 0 : index
    %get3A_94 = arith.constant 0 : index
    %get3A_95 = arith.constant 0 : index
    %get3A_96 = vector.load %arg3[%get3A_92, %get3A_93, %get3A_94, %get3A_95] : memref<2x16x2x64xf32, #tpu.memory_space<vmem>>, vector<2x16x2x64xf32>
    %reduce_sum3A_97 = arith.constant dense<0.000000e+00> : vector<2x2x64xf32>
    %reduce_sum3A_98 = vector.multi_reduction <add>, %get3A_96, %reduce_sum3A_97 [1] : vector<2x16x2x64xf32> to vector<2x2x64xf32>
    %slice3A = vector.extract_strided_slice %reduce_sum3A_98 {offsets = [0, 0, 0], sizes = [2, 1, 64], strides = [1, 1, 1]} : vector<2x2x64xf32> to vector<2x1x64xf32>
    %squeeze3A = vector.shape_cast %slice3A : vector<2x1x64xf32> to vector<2x64xf32>
    %div3A_99 = arith.constant 3.200000e+05 : f32
    %div3A_100 = vector.broadcast %div3A_99 : f32 to vector<2x64xf32>
    %div3A_101 = arith.divf %squeeze3A, %div3A_100 : vector<2x64xf32>
    %slice3A_102 = vector.extract_strided_slice %reduce_sum3A_98 {offsets = [0, 1, 0], sizes = [2, 1, 64], strides = [1, 1, 1]} : vector<2x2x64xf32> to vector<2x1x64xf32>
    %squeeze3A_103 = vector.shape_cast %slice3A_102 : vector<2x1x64xf32> to vector<2x64xf32>
    %div3A_104 = arith.constant 3.200000e+05 : f32
    %div3A_105 = vector.broadcast %div3A_104 : f32 to vector<2x64xf32>
    %div3A_106 = arith.divf %squeeze3A_103, %div3A_105 : vector<2x64xf32>
    %mul3A_107 = arith.mulf %div3A_101, %div3A_101 : vector<2x64xf32>
    %sub3A_108 = arith.subf %div3A_106, %mul3A_107 : vector<2x64xf32>
    %get3A_109 = arith.constant 0 : index
    %get3A_110 = arith.constant 0 : index
    %get3A_111 = vector.load %arg6[%get3A_109, %get3A_110] : memref<2x64xf32, #tpu.memory_space<vmem>>, vector<2x64xf32>
    %add3A_112 = arith.constant 9.99999974E-6 : f32
    %add3A_113 = vector.broadcast %add3A_112 : f32 to vector<2x64xf32>
    %add3A_114 = arith.addf %sub3A_108, %add3A_113 : vector<2x64xf32>
    %sqrt3A_115 = math.sqrt %add3A_114 : vector<2x64xf32>
    %div3A_116 = arith.divf %get3A_111, %sqrt3A_115 : vector<2x64xf32>
    %swap3A_117 = arith.constant 0 : index
    %swap3A_118 = arith.constant 0 : index
    %swap3A_119 = vector.load %arg9[%swap3A_117, %swap3A_118] : memref<2x64xf32, #tpu.memory_space<vmem>>, vector<2x64xf32>
    tpu.vector_store %arg9[%swap3A_117, %swap3A_118], %div3A_116 {strides = array<i32>} : memref<2x64xf32, #tpu.memory_space<vmem>>, vector<2x64xf32>,
    %get3A_120 = arith.constant 0 : index
    %get3A_121 = arith.constant 0 : index
    %get3A_122 = vector.load %arg7[%get3A_120, %get3A_121] : memref<2x64xf32, #tpu.memory_space<vmem>>, vector<2x64xf32>
    %mul3A_123 = arith.mulf %div3A_101, %div3A_116 : vector<2x64xf32>
    %sub3A_124 = arith.subf %get3A_122, %mul3A_123 : vector<2x64xf32>
    %swap3A_125 = arith.constant 0 : index
    %swap3A_126 = arith.constant 0 : index
    %swap3A_127 = vector.load %arg10[%swap3A_125, %swap3A_126] : memref<2x64xf32, #tpu.memory_space<vmem>>, vector<2x64xf32>
    tpu.vector_store %arg10[%swap3A_125, %swap3A_126], %sub3A_124 {strides = array<i32>} : memref<2x64xf32, #tpu.memory_space<vmem>>, vector<2x64xf32>,
    return
  }
}

module attributes {stable_mosaic.version = 14 : i64} {
  func.func @_proj_body(%arg0: i32, %arg1: memref<1000x128xf32, #tpu.memory_space<vmem>>, %arg2: memref<128x128xf32, #tpu.memory_space<vmem>>, %arg3: memref<1x128xf32, #tpu.memory_space<vmem>>, %arg4: memref<128x128xf32, #tpu.memory_space<vmem>>, %arg5: memref<1x128xf32, #tpu.memory_space<vmem>>, %arg6: memref<128x128xf32, #tpu.memory_space<vmem>>, %arg7: memref<1x128xf32, #tpu.memory_space<vmem>>, %arg8: memref<128x128xf32, #tpu.memory_space<vmem>>, %arg9: memref<1x128xf32, #tpu.memory_space<vmem>>, %arg10: memref<1000x128xf32, #tpu.memory_space<vmem>>, %arg11: memref<1000x128xf32, #tpu.memory_space<vmem>>, %arg12: memref<1000x128xf32, #tpu.memory_space<vmem>>, %arg13: memref<1000x128xf32, #tpu.memory_space<vmem>>) attributes {dimension_semantics = [#tpu.dimension_semantics<arbitrary>], iteration_bounds = array<i64: 10>, scalar_prefetch = 0 : i64, scratch_operands = 0 : i64, tpu.core_type = #tpu.core_type<tc>, window_params = [{transform_indices = @transform_0, window_bounds = array<i64: 1000, 128>}, {pipeline_mode = #tpu.pipeline_mode<synchronous>, transform_indices = @transform_1, window_bounds = array<i64: 128, 128>}, {pipeline_mode = #tpu.pipeline_mode<synchronous>, transform_indices = @transform_2, window_bounds = array<i64: 1, 128>}, {pipeline_mode = #tpu.pipeline_mode<synchronous>, transform_indices = @transform_3, window_bounds = array<i64: 128, 128>}, {pipeline_mode = #tpu.pipeline_mode<synchronous>, transform_indices = @transform_4, window_bounds = array<i64: 1, 128>}, {pipeline_mode = #tpu.pipeline_mode<synchronous>, transform_indices = @transform_5, window_bounds = array<i64: 128, 128>}, {pipeline_mode = #tpu.pipeline_mode<synchronous>, transform_indices = @transform_6, window_bounds = array<i64: 1, 128>}, {pipeline_mode = #tpu.pipeline_mode<synchronous>, transform_indices = @transform_7, window_bounds = array<i64: 128, 128>}, {pipeline_mode = #tpu.pipeline_mode<synchronous>, transform_indices = @transform_8, window_bounds = array<i64: 1, 128>}, {transform_indices = @transform_9, window_bounds = array<i64: 1000, 128>}, {transform_indices = @transform_10, window_bounds = array<i64: 1000, 128>}, {transform_indices = @transform_11, window_bounds = array<i64: 1000, 128>}, {transform_indices = @transform_12, window_bounds = array<i64: 1000, 128>}]} {
    %get3A = arith.constant 0 : index
    %get3A_0 = arith.constant 0 : index
    %get3A_1 = vector.load %arg1[%get3A, %get3A_0] : memref<1000x128xf32, #tpu.memory_space<vmem>>, vector<1000x128xf32>
    %get3A_2 = arith.constant 0 : index
    %get3A_3 = arith.constant 0 : index
    %get3A_4 = vector.load %arg2[%get3A_2, %get3A_3] : memref<128x128xf32, #tpu.memory_space<vmem>>, vector<128x128xf32>
    %dot_general3A = arith.constant dense<0.000000e+00> : vector<1000x128xf32>
    %dot_general3A_5 = tpu.matmul %get3A_1, %get3A_4, %dot_general3A {dimension_numbers = #tpu.dot_dimension_numbers<[1], [1], [0], [0], [0, 0, 1, 0], [], []>, transpose_lhs_hint = false} : vector<1000x128xf32>, vector<128x128xf32>, vector<1000x128xf32> -> vector<1000x128xf32>
    %get3A_6 = arith.constant 0 : index
    %get3A_7 = arith.constant 0 : index
    %get3A_8 = vector.load %arg3[%get3A_6, %get3A_7] : memref<1x128xf32, #tpu.memory_space<vmem>>, vector<1x128xf32>
    %add3A = vector.broadcast %get3A_8 : vector<1x128xf32> to vector<1000x128xf32>
    %add3A_9 = arith.addf %dot_general3A_5, %add3A : vector<1000x128xf32>
    %get3A_10 = arith.constant 0 : index
    %get3A_11 = arith.constant 0 : index
    %get3A_12 = vector.load %arg4[%get3A_10, %get3A_11] : memref<128x128xf32, #tpu.memory_space<vmem>>, vector<128x128xf32>
    %dot_general3A_13 = arith.constant dense<0.000000e+00> : vector<1000x128xf32>
    %dot_general3A_14 = tpu.matmul %get3A_1, %get3A_12, %dot_general3A_13 {dimension_numbers = #tpu.dot_dimension_numbers<[1], [1], [0], [0], [0, 0, 1, 0], [], []>, transpose_lhs_hint = false} : vector<1000x128xf32>, vector<128x128xf32>, vector<1000x128xf32> -> vector<1000x128xf32>
    %get3A_15 = arith.constant 0 : index
    %get3A_16 = arith.constant 0 : index
    %get3A_17 = vector.load %arg5[%get3A_15, %get3A_16] : memref<1x128xf32, #tpu.memory_space<vmem>>, vector<1x128xf32>
    %add3A_18 = vector.broadcast %get3A_17 : vector<1x128xf32> to vector<1000x128xf32>
    %add3A_19 = arith.addf %dot_general3A_14, %add3A_18 : vector<1000x128xf32>
    %get3A_20 = arith.constant 0 : index
    %get3A_21 = arith.constant 0 : index
    %get3A_22 = vector.load %arg6[%get3A_20, %get3A_21] : memref<128x128xf32, #tpu.memory_space<vmem>>, vector<128x128xf32>
    %dot_general3A_23 = arith.constant dense<0.000000e+00> : vector<1000x128xf32>
    %dot_general3A_24 = tpu.matmul %get3A_1, %get3A_22, %dot_general3A_23 {dimension_numbers = #tpu.dot_dimension_numbers<[1], [1], [0], [0], [0, 0, 1, 0], [], []>, transpose_lhs_hint = false} : vector<1000x128xf32>, vector<128x128xf32>, vector<1000x128xf32> -> vector<1000x128xf32>
    %get3A_25 = arith.constant 0 : index
    %get3A_26 = arith.constant 0 : index
    %get3A_27 = vector.load %arg7[%get3A_25, %get3A_26] : memref<1x128xf32, #tpu.memory_space<vmem>>, vector<1x128xf32>
    %add3A_28 = vector.broadcast %get3A_27 : vector<1x128xf32> to vector<1000x128xf32>
    %add3A_29 = arith.addf %dot_general3A_24, %add3A_28 : vector<1000x128xf32>
    %get3A_30 = arith.constant 0 : index
    %get3A_31 = arith.constant 0 : index
    %get3A_32 = vector.load %arg8[%get3A_30, %get3A_31] : memref<128x128xf32, #tpu.memory_space<vmem>>, vector<128x128xf32>
    %dot_general3A_33 = arith.constant dense<0.000000e+00> : vector<1000x128xf32>
    %dot_general3A_34 = tpu.matmul %get3A_1, %get3A_32, %dot_general3A_33 {dimension_numbers = #tpu.dot_dimension_numbers<[1], [1], [0], [0], [0, 0, 1, 0], [], []>, transpose_lhs_hint = false} : vector<1000x128xf32>, vector<128x128xf32>, vector<1000x128xf32> -> vector<1000x128xf32>
    %get3A_35 = arith.constant 0 : index
    %get3A_36 = arith.constant 0 : index
    %get3A_37 = vector.load %arg9[%get3A_35, %get3A_36] : memref<1x128xf32, #tpu.memory_space<vmem>>, vector<1x128xf32>
    %add3A_38 = vector.broadcast %get3A_37 : vector<1x128xf32> to vector<1000x128xf32>
    %add3A_39 = arith.addf %dot_general3A_34, %add3A_38 : vector<1000x128xf32>
    %swap3A = arith.constant 0 : index
    %swap3A_40 = arith.constant 0 : index
    %swap3A_41 = vector.load %arg10[%swap3A, %swap3A_40] : memref<1000x128xf32, #tpu.memory_space<vmem>>, vector<1000x128xf32>
    tpu.vector_store %arg10[%swap3A, %swap3A_40], %add3A_9 {strides = array<i32>} : memref<1000x128xf32, #tpu.memory_space<vmem>>, vector<1000x128xf32>,
    %slice3A = vector.extract_strided_slice %add3A_29 {offsets = [0, 0], sizes = [1000, 64], strides = [1, 1]} : vector<1000x128xf32> to vector<1000x64xf32>
    %swap3A_42 = arith.constant 0 : index
    %swap3A_43 = arith.constant 0 : index
    %swap3A_44 = vector.load %arg11[%swap3A_42, %swap3A_43] : memref<1000x128xf32, #tpu.memory_space<vmem>>, vector<1000x64xf32>
    tpu.vector_store %arg11[%swap3A_42, %swap3A_43], %slice3A {strides = array<i32>} : memref<1000x128xf32, #tpu.memory_space<vmem>>, vector<1000x64xf32>,
    %slice3A_45 = vector.extract_strided_slice %add3A_19 {offsets = [0, 0], sizes = [1000, 64], strides = [1, 1]} : vector<1000x128xf32> to vector<1000x64xf32>
    %swap3A_46 = arith.constant 0 : index
    %swap3A_47 = arith.constant 64 : index
    %swap3A_48 = vector.load %arg11[%swap3A_46, %swap3A_47] : memref<1000x128xf32, #tpu.memory_space<vmem>>, vector<1000x64xf32>
    tpu.vector_store %arg11[%swap3A_46, %swap3A_47], %slice3A_45 {strides = array<i32>} : memref<1000x128xf32, #tpu.memory_space<vmem>>, vector<1000x64xf32>,
    %slice3A_49 = vector.extract_strided_slice %add3A_29 {offsets = [0, 64], sizes = [1000, 64], strides = [1, 1]} : vector<1000x128xf32> to vector<1000x64xf32>
    %swap3A_50 = arith.constant 0 : index
    %swap3A_51 = arith.constant 0 : index
    %swap3A_52 = vector.load %arg12[%swap3A_50, %swap3A_51] : memref<1000x128xf32, #tpu.memory_space<vmem>>, vector<1000x64xf32>
    tpu.vector_store %arg12[%swap3A_50, %swap3A_51], %slice3A_49 {strides = array<i32>} : memref<1000x128xf32, #tpu.memory_space<vmem>>, vector<1000x64xf32>,
    %slice3A_53 = vector.extract_strided_slice %add3A_19 {offsets = [0, 64], sizes = [1000, 64], strides = [1, 1]} : vector<1000x128xf32> to vector<1000x64xf32>
    %swap3A_54 = arith.constant 0 : index
    %swap3A_55 = arith.constant 64 : index
    %swap3A_56 = vector.load %arg12[%swap3A_54, %swap3A_55] : memref<1000x128xf32, #tpu.memory_space<vmem>>, vector<1000x64xf32>
    tpu.vector_store %arg12[%swap3A_54, %swap3A_55], %slice3A_53 {strides = array<i32>} : memref<1000x128xf32, #tpu.memory_space<vmem>>, vector<1000x64xf32>,
    %swap3A_57 = arith.constant 0 : index
    %swap3A_58 = arith.constant 0 : index
    %swap3A_59 = vector.load %arg13[%swap3A_57, %swap3A_58] : memref<1000x128xf32, #tpu.memory_space<vmem>>, vector<1000x128xf32>
    tpu.vector_store %arg13[%swap3A_57, %swap3A_58], %add3A_39 {strides = array<i32>} : memref<1000x128xf32, #tpu.memory_space<vmem>>, vector<1000x128xf32>,
    return
  }
  func.func @transform_0(%arg0: i32) -> (i32, i32) {
    %c0_i32 = arith.constant 0 : i32
    %c0_i32_0 = arith.constant 0 : i32
    return %arg0, %c0_i32 : i32, i32
  }
  func.func @transform_1(%arg0: i32) -> (i32, i32) {
    %c0_i32 = arith.constant 0 : i32
    %c0_i32_0 = arith.constant 0 : i32
    %c0_i32_1 = arith.constant 0 : i32
    return %c0_i32, %c0_i32_0 : i32, i32
  }
  func.func @transform_2(%arg0: i32) -> (i32, i32) {
    %c0_i32 = arith.constant 0 : i32
    %c0_i32_0 = arith.constant 0 : i32
    %c0_i32_1 = arith.constant 0 : i32
    return %c0_i32, %c0_i32_0 : i32, i32
  }
  func.func @transform_3(%arg0: i32) -> (i32, i32) {
    %c0_i32 = arith.constant 0 : i32
    %c0_i32_0 = arith.constant 0 : i32
    %c0_i32_1 = arith.constant 0 : i32
    return %c0_i32, %c0_i32_0 : i32, i32
  }
  func.func @transform_4(%arg0: i32) -> (i32, i32) {
    %c0_i32 = arith.constant 0 : i32
    %c0_i32_0 = arith.constant 0 : i32
    %c0_i32_1 = arith.constant 0 : i32
    return %c0_i32, %c0_i32_0 : i32, i32
  }
  func.func @transform_5(%arg0: i32) -> (i32, i32) {
    %c0_i32 = arith.constant 0 : i32
    %c0_i32_0 = arith.constant 0 : i32
    %c0_i32_1 = arith.constant 0 : i32
    return %c0_i32, %c0_i32_0 : i32, i32
  }
  func.func @transform_6(%arg0: i32) -> (i32, i32) {
    %c0_i32 = arith.constant 0 : i32
    %c0_i32_0 = arith.constant 0 : i32
    %c0_i32_1 = arith.constant 0 : i32
    return %c0_i32, %c0_i32_0 : i32, i32
  }
  func.func @transform_7(%arg0: i32) -> (i32, i32) {
    %c0_i32 = arith.constant 0 : i32
    %c0_i32_0 = arith.constant 0 : i32
    %c0_i32_1 = arith.constant 0 : i32
    return %c0_i32, %c0_i32_0 : i32, i32
  }
  func.func @transform_8(%arg0: i32) -> (i32, i32) {
    %c0_i32 = arith.constant 0 : i32
    %c0_i32_0 = arith.constant 0 : i32
    %c0_i32_1 = arith.constant 0 : i32
    return %c0_i32, %c0_i32_0 : i32, i32
  }
  func.func @transform_9(%arg0: i32) -> (i32, i32) {
    %c0_i32 = arith.constant 0 : i32
    %c0_i32_0 = arith.constant 0 : i32
    return %arg0, %c0_i32 : i32, i32
  }
  func.func @transform_10(%arg0: i32) -> (i32, i32) {
    %c0_i32 = arith.constant 0 : i32
    %c0_i32_0 = arith.constant 0 : i32
    return %arg0, %c0_i32 : i32, i32
  }
  func.func @transform_11(%arg0: i32) -> (i32, i32) {
    %c0_i32 = arith.constant 0 : i32
    %c0_i32_0 = arith.constant 0 : i32
    return %arg0, %c0_i32 : i32, i32
  }
  func.func @transform_12(%arg0: i32) -> (i32, i32) {
    %c0_i32 = arith.constant 0 : i32
    %c0_i32_0 = arith.constant 0 : i32
    return %arg0, %c0_i32 : i32, i32
  }
}

module attributes {stable_mosaic.version = 14 : i64} {
  func.func @_eout_body(%arg0: i32, %arg1: memref<2000x64xf32, #tpu.memory_space<vmem>>, %arg2: memref<2000x64xf32, #tpu.memory_space<vmem>>, %arg3: memref<2x64xf32, #tpu.memory_space<vmem>>, %arg4: memref<2x64xf32, #tpu.memory_space<vmem>>, %arg5: memref<2000x128xf32, #tpu.memory_space<vmem>>) attributes {dimension_semantics = [#tpu.dimension_semantics<arbitrary>], iteration_bounds = array<i64: 160>, scalar_prefetch = 0 : i64, scratch_operands = 0 : i64, tpu.core_type = #tpu.core_type<tc>, window_params = [{transform_indices = @transform_0, window_bounds = array<i64: 2000, 64>}, {transform_indices = @transform_1, window_bounds = array<i64: 2000, 64>}, {pipeline_mode = #tpu.pipeline_mode<synchronous>, transform_indices = @transform_2, window_bounds = array<i64: 2, 64>}, {pipeline_mode = #tpu.pipeline_mode<synchronous>, transform_indices = @transform_3, window_bounds = array<i64: 2, 64>}, {transform_indices = @transform_4, window_bounds = array<i64: 2000, 128>}]} {
    %get3A = arith.constant 0 : index
    %get3A_0 = arith.constant 0 : index
    %get3A_1 = vector.load %arg1[%get3A, %get3A_0] : memref<2000x64xf32, #tpu.memory_space<vmem>>, vector<2000x64xf32>
    %get3A_2 = arith.constant 0 : index
    %get3A_3 = arith.constant 0 : index
    %get3A_4 = vector.load %arg3[%get3A_2, %get3A_3] : memref<2x64xf32, #tpu.memory_space<vmem>>, vector<1x64xf32>
    %mul3A = vector.broadcast %get3A_4 : vector<1x64xf32> to vector<2000x64xf32>
    %mul3A_5 = arith.mulf %get3A_1, %mul3A : vector<2000x64xf32>
    %get3A_6 = arith.constant 0 : index
    %get3A_7 = arith.constant 0 : index
    %get3A_8 = vector.load %arg4[%get3A_6, %get3A_7] : memref<2x64xf32, #tpu.memory_space<vmem>>, vector<1x64xf32>
    %add3A = vector.broadcast %get3A_8 : vector<1x64xf32> to vector<2000x64xf32>
    %add3A_9 = arith.addf %mul3A_5, %add3A : vector<2000x64xf32>
    %max3A = arith.constant 0.000000e+00 : f32
    %max3A_10 = vector.broadcast %max3A : f32 to vector<2000x64xf32>
    %max3A_11 = arith.maximumf %add3A_9, %max3A_10 : vector<2000x64xf32>
    %swap3A = arith.constant 0 : index
    %swap3A_12 = arith.constant 0 : index
    %swap3A_13 = vector.load %arg5[%swap3A, %swap3A_12] : memref<2000x128xf32, #tpu.memory_space<vmem>>, vector<2000x64xf32>
    tpu.vector_store %arg5[%swap3A, %swap3A_12], %max3A_11 {strides = array<i32>} : memref<2000x128xf32, #tpu.memory_space<vmem>>, vector<2000x64xf32>,
    %get3A_14 = arith.constant 0 : index
    %get3A_15 = arith.constant 0 : index
    %get3A_16 = vector.load %arg2[%get3A_14, %get3A_15] : memref<2000x64xf32, #tpu.memory_space<vmem>>, vector<2000x64xf32>
    %get3A_17 = arith.constant 1 : index
    %get3A_18 = arith.constant 0 : index
    %get3A_19 = vector.load %arg3[%get3A_17, %get3A_18] : memref<2x64xf32, #tpu.memory_space<vmem>>, vector<1x64xf32>
    %mul3A_20 = vector.broadcast %get3A_19 : vector<1x64xf32> to vector<2000x64xf32>
    %mul3A_21 = arith.mulf %get3A_16, %mul3A_20 : vector<2000x64xf32>
    %get3A_22 = arith.constant 1 : index
    %get3A_23 = arith.constant 0 : index
    %get3A_24 = vector.load %arg4[%get3A_22, %get3A_23] : memref<2x64xf32, #tpu.memory_space<vmem>>, vector<1x64xf32>
    %add3A_25 = vector.broadcast %get3A_24 : vector<1x64xf32> to vector<2000x64xf32>
    %add3A_26 = arith.addf %mul3A_21, %add3A_25 : vector<2000x64xf32>
    %max3A_27 = arith.constant 0.000000e+00 : f32
    %max3A_28 = vector.broadcast %max3A_27 : f32 to vector<2000x64xf32>
    %max3A_29 = arith.maximumf %add3A_26, %max3A_28 : vector<2000x64xf32>
    %swap3A_30 = arith.constant 0 : index
    %swap3A_31 = arith.constant 64 : index
    %swap3A_32 = vector.load %arg5[%swap3A_30, %swap3A_31] : memref<2000x128xf32, #tpu.memory_space<vmem>>, vector<2000x64xf32>
    tpu.vector_store %arg5[%swap3A_30, %swap3A_31], %max3A_29 {strides = array<i32>} : memref<2000x128xf32, #tpu.memory_space<vmem>>, vector<2000x64xf32>,
    return
  }
  func.func @transform_0(%arg0: i32) -> (i32, i32) {
    %c0_i32 = arith.constant 0 : i32
    %c0_i32_0 = arith.constant 0 : i32
    return %arg0, %c0_i32 : i32, i32
  }
  func.func @transform_1(%arg0: i32) -> (i32, i32) {
    %c0_i32 = arith.constant 0 : i32
    %c0_i32_0 = arith.constant 0 : i32
    return %arg0, %c0_i32 : i32, i32
  }
  func.func @transform_2(%arg0: i32) -> (i32, i32) {
    %c0_i32 = arith.constant 0 : i32
    %c0_i32_0 = arith.constant 0 : i32
    %c0_i32_1 = arith.constant 0 : i32
    return %c0_i32, %c0_i32_0 : i32, i32
  }
  func.func @transform_3(%arg0: i32) -> (i32, i32) {
    %c0_i32 = arith.constant 0 : i32
    %c0_i32_0 = arith.constant 0 : i32
    %c0_i32_1 = arith.constant 0 : i32
    return %c0_i32, %c0_i32_0 : i32, i32
  }
  func.func @transform_4(%arg0: i32) -> (i32, i32) {
    %c0_i32 = arith.constant 0 : i32
    %c0_i32_0 = arith.constant 0 : i32
    return %arg0, %c0_i32 : i32, i32
  }
}

</mosaic_0001>

<sc_bundles>
// kernel: kernel.7.cloned.1.call-start
scs
__scs_entry_jumppad:
0x0: {  	(pc) =	sbr.rel $0x88, $3  }
0x1: {  	(tag) =	ssettag $0x0;
	lr =	simm.s32 $0x1  }
0x2: {  	[smem:$0x3F90] =	sst lr;
	_ =	strace $0xD0000000  }
0x3: {  	_ = 	snop  }
0x4: {  	_ = 	snop  }
0x5: {  	_ = 	snop  }
0x6: {  	_ = 	snop  }
0x7: {  	_ = 	snop  }
__scs_overlays_trampoline_lowered:
0x8: {  	[smem:$0x3F9F] =	sst s0  }
0x9: {  	[smem:$0x3FA0] =	sst s1  }
0xa: {  	[smem:$0x3FA1] =	sst s2  }
0xb: {  	[smem:$0x3FA2] =	sst s3  }
0xc: {  	[smem:$0x3FA3] =	sst s4  }
0xd: {  	[smem:$0x3FA4] =	sst s5  }
0xe: {  	[smem:$0x3FA5] =	sst s6  }
0xf: {  	[smem:$0x3FA6] =	sst s7  }
0x10: {  	[smem:$0x3FA7] =	sst s8  }
0x11: {  	[smem:$0x3FA8] =	sst s9;
	s0 =	simm.s32 @!p0 $0x0  }
0x12: {  	s1 =	sld [smem:$0x3F8E];
	s0 =	simm.s32 @p0 $0x1  }
0x13: {  	[smem:$0x3FA9] =	sst s0;
	s0 =	simm.s32 @!p1 $0x0  }
0x14: {  	s2 =	sld [smem:$0x3F8D];
	s0 =	simm.s32 @p1 $0x1  }
0x15: {  	[smem:$0x3FAA] =	sst s0;
	s0 =	simm.s32 @!p2 $0x0  }
0x16: {  	s3 =	sld [smem:$0x3FDB];
	s0 =	simm.s32 @p2 $0x1  }
0x17: {  	s4 =	simm.s32 $0x1BF5;
	[smem:$0x3FAC] =	sst s0  }
0x18: {  	s0 =	sld [smem:$0x3F8F];
	_ =	swait.ge [sflag:s4], $0x0  }
0x19: {  	s7 =	sld [smem:$0x3F90]  }
0x1a: {  	s8 =	sadd.s32 $0xFFFFE003, lr  }
0x1b: {  	s9 =	sadd.s32 $0xFFFFFEF7, lr;
	s5 =	simm.s32 $0xFFFFFFFF;
	p2 =	slt.u32 s8, $0xFFFFF086  }
0x1c: {  	p1 =	slt.u32 s9, $0xF7A;
	s5 =	simm.s32 @!p2 $0x0  }
0x1d: {  	s5 =	simm.s32 @p1 $0x1;
	p0 =	seq.s32 s7, s2  }
0x1e: {  	s7 =	smul.u32 @!p0 $0xF7A, s2;
	p2 =	seq.s32 @!p0 s5, $0x0  }
0x1f: {  	s9 =	smul.u32 $0xF7A, s1;
	s8 =	simm.s32 @!p0 $0x1BF5;
	p2 =	por !p2, p0  }
0x20: {  	[sflag:s8] =	ssyncset.s32 @!p0 $0xFFFFF086;
	s6 =	sadd.s32 @!p0 s3, s7;
	s7 =	simm.s32 @!p0 $0x108  }
0x21: {  	s3 =	sadd.s32 s3, s9;
	s6 =	sadd.s32 @!p0 $0x88, s6;
	s7 =	simm.s32 @p2 $0x1082  }
0x22: {  	[simem:s7], [sflag:s8] =	dma.local @!p0 [hbm:s6], $0xF7A  }
0x23: {  	s9 =	sor.u32 $0xD0000000, s2;
	s6 =	simm.s32 $0x108;
	_ =	swait.ge @!p0 [sflag:s8], $0x0  }
0x24: {  	s3 =	sadd.s32 $0x88, s3;
	s6 =	simm.s32 @!p1 $0x1082;
	[sflag:s4] =	ssyncset.s32 $0xFFFFF086  }
0x25: {  	[simem:s6], [sflag:s4] =	dma.local [hbm:s3], $0xF7A  }
0x26: {  	[smem:$0x3F90] =	sst s1;
	(tag) =	ssettag s2;
	_ =	strace s9  }
0x27: {  	s1 =	sld [smem:$0x3FA0]  }
0x28: {  	s2 =	sld [smem:$0x3FA1]  }
0x29: {  	s4 =	sld [smem:$0x3FA3]  }
0x2a: {  	p0 =	seq.s32 s5, $0x0;
	s5 =	sld [smem:$0x3FA4]  }
0x2b: {  	s6 =	sld [smem:$0x3FA5]  }
0x2c: {  	s7 =	sld [smem:$0x3FA6]  }
0x2d: {  	s3 =	simm.s32 $0x108;
	s8 =	sld [smem:$0x3FA7]  }
0x2e: {  	s3 =	simm.s32 @!p0 $0x1082;
	s9 =	sld [smem:$0x3FA8]  }
0x2f: {  	lr =	sadd.s32 s0, s3;
	s0 =	sld [smem:$0x3F9F]  }
0x30: {  	s3 =	sld [smem:$0x3FA2]  }
0x31: {  	[smem:$0x3FAB] =	sst s10  }
0x32: {  	s10 =	sld [smem:$0x3FA9];
	_ =	sdelay $0x3  }
0x33: {  	p0 =	seq.s32 s10, $0x1;
	s10 =	sld [smem:$0x3FAB];
	_ =	sdelay $0x3  }
0x34: {  	[smem:$0x3FAB] =	sst s10  }
0x35: {  	s10 =	sld [smem:$0x3FAA];
	_ =	sdelay $0x3  }
0x36: {  	p1 =	seq.s32 s10, $0x1;
	s10 =	sld [smem:$0x3FAB];
	_ =	sdelay $0x3  }
0x37: {  	[smem:$0x3FAB] =	sst s10  }
0x38: {  	s10 =	sld [smem:$0x3FAC]  }
0x39: {  	_ = 	snop;
	(pc) =	sbr.ind lr, $3  }
0x3a: {  	_ = 	snop  }
0x3b: {  	_ = 	snop  }
0x3c: {  	p2 =	seq.s32 s10, $0x1;
	s10 =	sld [smem:$0x3FAB]  }
0x3d: {  	_ =	shalt  }
0x3e: {  	_ =	shalt  }
0x3f: {  	_ =	shalt  }
0x40: {  	_ =	shalt  }
0x41: {  	_ =	shalt  }
0x42: {  	_ =	shalt  }
0x43: {  	_ =	shalt  }
0x44: {  	_ =	shalt  }
0x45: {  	_ =	shalt  }
0x46: {  	_ =	shalt  }
0x47: {  	_ =	shalt  }
0x48: {  	_ =	shalt  }
0x49: {  	_ =	shalt  }
0x4a: {  	_ =	shalt  }
0x4b: {  	_ =	shalt  }
0x4c: {  	_ =	shalt  }
0x4d: {  	_ =	shalt  }
0x4e: {  	_ =	shalt  }
0x4f: {  	_ =	shalt  }
0x50: {  	_ =	shalt  }
0x51: {  	_ =	shalt  }
0x52: {  	_ =	shalt  }
0x53: {  	_ =	shalt  }
0x54: {  	_ =	shalt  }
0x55: {  	_ =	shalt  }
0x56: {  	_ =	shalt  }
0x57: {  	_ =	shalt  }
0x58: {  	_ =	shalt  }
0x59: {  	_ =	shalt  }
0x5a: {  	_ =	shalt  }
0x5b: {  	_ =	shalt  }
0x5c: {  	_ =	shalt  }
0x5d: {  	_ =	shalt  }
0x5e: {  	_ =	shalt  }
0x5f: {  	_ =	shalt  }
0x60: {  	_ =	shalt  }
0x61: {  	_ =	shalt  }
0x62: {  	_ =	shalt  }
0x63: {  	_ =	shalt  }
0x64: {  	_ =	shalt  }
0x65: {  	_ =	shalt  }
0x66: {  	_ =	shalt  }
0x67: {  	_ =	shalt  }
0x68: {  	_ =	shalt  }
0x69: {  	_ =	shalt  }
0x6a: {  	_ =	shalt  }
0x6b: {  	_ =	shalt  }
0x6c: {  	_ =	shalt  }
0x6d: {  	_ =	shalt  }
0x6e: {  	_ =	shalt  }
0x6f: {  	_ =	shalt  }
0x70: {  	_ =	shalt  }
0x71: {  	_ =	shalt  }
0x72: {  	_ =	shalt  }
0x73: {  	_ =	shalt  }
0x74: {  	_ =	shalt  }
0x75: {  	_ =	shalt  }
0x76: {  	_ =	shalt  }
0x77: {  	_ =	shalt  }
0x78: {  	_ =	shalt  }
0x79: {  	_ =	shalt  }
0x7a: {  	_ =	shalt  }
0x7b: {  	_ =	shalt  }
0x7c: {  	_ =	shalt  }
0x7d: {  	_ =	shalt  }
0x7e: {  	_ =	shalt  }
0x7f: {  	_ =	shalt  }
0x80: {  	_ =	shalt  }
0x81: {  	_ =	shalt  }
0x82: {  	_ =	shalt  }
0x83: {  	_ =	shalt  }
0x84: {  	_ =	shalt  }
0x85: {  	_ =	shalt  }
0x86: {  	_ =	shalt  }
0x87: {  	_ =	shalt  }
.Lfunc_end0:
.L_simem_size_0:
called_computation_lowered:
.L_overlay_start_0:
0x88: {  	s2 =	sld [smem:$0x3FD9]  }
0x89: {  	s3 =	sld [smem:$0x3FFE];
	_ =	sdelay $0x1  }
0x8a: {  	s1 =	srdreg.scid  }
0x8b: {  	s0 =	sand.u32 $0x1, s1  }
0x8c: {  	s14 =	sshll.u32 s0, $0xA;
	s2 =	sadd.s32 s3, s2  }
0x8d: {  	s2 =	sadd.s32 s2, s14  }
0x8e: {  	[smem:$0x3FB7] =	sst s2  }
0x8f: {  	_ = 	snop  }
0x90: {  	s2 =	sld [smem:$0x3FD0];
	_ =	sdelay $0x2  }
0x91: {  	s15 =	simm.s32 $0xA;
	s4 =	simm.s32 $0x10  }
0x92: {  	[smem:s4], [sflag:s15] =	dma.local [hbm:s2], $0x1  }
0x93: {  	_ =	swait.eq [sflag:s15], $0x1  }
0x94: {  	[sflag:s15] =	ssyncset.done $0x0  }
0x95: {  	[sflag:s15] =	ssyncadd.s32 $0xFFFFFFFF  }
0x96: {  	s16 =	sld [smem:$0x11];
	(tm) =	ssettm $0x1  }
0x97: {  	s17 =	sld [smem:$0x3FFB];
	_ =	sdelay $0x3  }
0x98: {  	_ =	strace s17  }
0x99: {  	s3 =	sld [smem:$0x3FFC];
	_ =	sdelay $0x3  }
0x9a: {  	_ =	strace s3  }
0x9b: {  	s3 =	sld [smem:$0x3FFD];
	_ =	sdelay $0x3  }
0x9c: {  	_ =	strace s3  }
0x9d: {  	_ =	strace $0x8FFFFFFF  }
0x9e: {  	s18 =	sld [smem:$0x3FDB];
	_ =	sdelay $0x1  }
0x9f: {  	s19 =	simm.s32 $_scs_section_size  }
0xa0: {  	s5 =	simm.s32 $_size__tile_overlayer_lowered;
	s6 =	simm.s32 $_tile_overlayer_lowered  }
0xa1: {  	s22 =	simm.s32 $0x1BFF;
	s21 =	sshll.u32 s6, $0x1;
	s3 =	sadd.s32 s19, s18  }
0xa2: {  	s7 =	simm.s32 $0x0;
	s20 =	sshll.u32 s5, $0x1;
	s5 =	sadd.s32 s21, s3  }
0xa3: {  	[timem:s7], [sflag:s22] =	dma.local [hbm:s5], s20  }
0xa4: {  	_ =	swait.ge [sflag:s22], s20  }
0xa5: {  	s4 =	ssub.s32 $0x0, s20;
	[sflag:s22] =	ssyncset.done $0x0  }
0xa6: {  	[sflag:s22] =	ssyncadd.s32 s4;
	_ =	sdelay $0x1  }
0xa7: {  	s23 =	simm.s32 $0x1B8B  }
0xa8: {  	_ =	swait.ge [sflag:s23], $0x1  }
0xa9: {  	[sflag:s23] =	ssyncset.done $0x0  }
0xaa: {  	s25 =	simm.s32 $0x1B8E;
	s24 =	sld [smem:$0x3FFE];
	[sflag:s23] =	ssyncadd.s32 $0xFFFFFFFF  }
0xab: {  	s26 =	simm.s32 $execute0_lowered;
	[smem:$0x3FD2] =	sst s25  }
0xac: {  	s5 =	sshll.u32 s26, $0x1;
	_ =	strace $0x80000046;
	[dreg:$0x1] =	wrdreg $0xFFFFFFFF  }
0xad: {  	s28 =	simm.s32 $_size_execute0_lowered;
	s3 =	sadd.s32 s3, s5;
	[dreg:$0x0] =	wrdreg $0x0  }
0xae: {  	s5 =	sshll.u32 s28, $0x1;
	[dreg:$0x2] =	wrdreg s3  }
0xaf: {  	[dreg:$0x3] =	wrdreg s5  }
0xb0: {  	[dreg:$0x4] =	wrdreg $0xC0  }
0xb1: {  	_ =	task [dreg:s7], $0x5FFFF  }
0xb2: {  	[dreg:$0x1] =	wrdreg $0xFFFFFFFF  }
0xb3: {  	[dreg:$0x0] =	wrdreg $0x60  }
0xb4: {  	[dreg:$0x2] =	wrdreg s24  }
0xb5: {  	[dreg:$0x3] =	wrdreg s16  }
0xb6: {  	[dreg:$0x4] =	wrdreg $0xBA000  }
0xb7: {  	[dreg:$0x5] =	wrdreg $0x9  }
0xb8: {  	_ =	task.clear_ibuf [dreg:s7], $0x6FFFF;
	_ =	strace $0x90000046  }
0xb9: {  	s29 =	simm.s32 $0x9;
	_ =	strace $0x80000048  }
0xba: {  	_ =	swait.ge [sflag:s29], $0x1  }
0xbb: {  	[sflag:s29] =	ssyncadd.s32 $0xFFFFFFFF  }
0xbc: {  	_ =	strace $0x90000048  }
0xbd: {  	_ =	sfence  }
0xbe: {  	s30 =	sld [smem:$0x0];
	_ =	sdelay $0x2  }
0xbf: {  	s31 =	sshll.u32 s1, $0xD;
	s1 =	sshrl.u32 s1, $0x2  }
0xc0: {  	s3 =	sand.u32 $0x4000, s31;
	s1 =	sadd.s32 s1, s30  }
0xc1: {  	s0 =	sor.u32 s3, s0;
	s1 =	sshll.u32 s1, $0x11  }
0xc2: {  	s0 =	sor.u32 s1, s0  }
0xc3: {  	s0 =	sadd.s32 $0x8F2B, s0  }
0xc4: {  	[sflag:s0] =	ssyncadd.remote.s32 $0x1  }
0xc5: {  	_ =	sfence.sel $0xFFFF  }
0xc6: {  	[dreg:$0x0] =	wrdreg $0xFFFFFFFF;
	(pc) =	sbr.abs _section_cstart, $3  }
0xc7: {  	[dreg:$0x1] =	wrdreg $0xFFFFFFFF  }
0xc8: {  	_ =	task.clear_ibuf [dreg:s7], $0x2FFFF;
	_ =	strace $0x9FFFFFFF  }
0xc9: {  	(tm) =	ssettm $0x7FFFFFFF  }
tec
execute0_lowered:
.L_overlay_start_1:
0x0: {  	(tag) =	ssettag $0x1  }
0x1: {  	s0 =	rddreg [dreg:$0x0]  }
0x2: {  	s10 =	rddreg [dreg:$0x1]  }
0x3: {  	s1 =	rddreg [dreg:$0x2];
	s2 =	simm.s32 $0x0  }
0x4: {  	[smem:$0x7FF] =	sst s2  }
0x5: {  	s3 =	sadd.s32 $0xD000, s0;
	s4 =	sadd.s32 $0x3200, s0;
	s11 =	sadd.s32 $0x4F8E00, s0  }
0x6: {  	s5 =	sadd.s32 $0x520000, s0;
	s6 =	sadd.s32 $0x547200, s0;
	s7 =	sadd.s32 $0x16E00, s0  }
0x7: {  	s9 =	stileid.u32;
	s12 =	sadd.s32 $0x5BCC00, s0;
	s8 =	sadd.s32 $0xA9EC00, s0  }
0x8: {  	s13 =	srdreg.scid;
	s30 =	sadd.s32 $0x56E400, s0;
	s31 =	sadd.s32 $0x595600, s0  }
0x9: {  	s13 =	sand.u32 $0x1, s13;
	s14 =	smul.u32 $0x270, s9;
	s15 =	sshll.u32 s9, $0x5  }
0xa: {  	s17 =	smul.u32 $0x4E000, s9;
	p2 =	slt.u32 s9, $0x8;
	p3 =	seq.s32 s9, $0x0  }
0xb: {  	_ =	strace $0x80000047;
	s16 =	ssub.s32 $0x2, s13;
	s15 =	sadd.s32 s15, s0  }
0xc: {  	p0 =	seq.s32 s13, $0x0;
	p1 =	seq.s32 s13, $0x1;
	[dreg:$0x4] =	wrdreg s30  }
0xd: {  	[dreg:$0x5] =	wrdreg s31;
	s26 =	sshrl.u32 s16, $0x1;
	s18 =	sadd.s32 $0x30, s14  }
0xe: {  	s19 =	sshrl.u32 s17, $0x2;
	s5 =	smov.u32 @p0 s11;
	s7 =	smov.u32 @p0 s10  }
0xf: {  	s10 =	sadd.s32 $0xF0, s14;
	s8 =	smov.u32 @p0 s12;
	s12 =	sadd.s32 $0x150, s14  }
0x10: {  	s28 =	sadd.s32 $0x1E0, s14;
	s29 =	sadd.s32 $0x210, s14;
	s0 =	ssub.s32 s16, s26  }
0x11: {  	s20 =	sshll.u32 s18, $0x7;
	s16 =	sadd.s32 s19, s1;
	s19 =	sadd.s32 $0x90, s14  }
0x12: {  	s25 =	sshll.u32 s10, $0x7;
	[dreg:$0x6] =	wrdreg s16;
	s21 =	sadd.s32 s20, s1  }
0x13: {  	s16 =	sadd.s32 $0x60, s14;
	s20 =	sshll.u32 s13, $0x9;
	s13 =	sadd.s32 $0xC0, s14  }
0x14: {  	s0 =	smax.u32 s0, $0x1;
	[dreg:$0x7] =	wrdreg s21;
	s22 =	sshll.u32 s16, $0x7  }
0x15: {  	s24 =	sshll.u32 s13, $0x7;
	[smem:$0x7FC] =	sst s0;
	s17 =	sadd.s32 s22, s1  }
0x16: {  	s21 =	sshll.u32 s12, $0x7;
	s11 =	sadd.s32 s24, s1;
	[dreg:$0x8] =	wrdreg s17  }
0x17: {  	s15 =	sadd.s32 s20, s15;
	s22 =	sadd.s32 s21, s1;
	[dreg:$0xa] =	wrdreg s11  }
0x18: {  	s23 =	sshll.u32 s19, $0x7;
	s15 =	sadd.s32 $0x5BC800, s15;
	[dreg:$0xd] =	wrdreg s22  }
0x19: {  	s17 =	sadd.s32 s23, s1;
	s11 =	sadd.s32 $0x120, s14;
	[dreg:$0x11] =	wrdreg s15  }
0x1a: {  	s22 =	sshll.u32 s28, $0x7;
	s15 =	sshll.u32 s18, $0x4;
	[dreg:$0x9] =	wrdreg s17  }
0x1b: {  	s26 =	sshll.u32 s11, $0x7;
	s17 =	sadd.s32 s25, s1;
	s25 =	sadd.s32 $0x1B0, s14  }
0x1c: {  	s22 =	sadd.s32 s22, s1;
	[dreg:$0xb] =	wrdreg s17;
	s20 =	sadd.s32 s26, s1  }
0x1d: {  	s17 =	sadd.s32 $0x180, s14;
	s24 =	sshll.u32 s25, $0x7;
	[dreg:$0xe] =	wrdreg s22  }
0x1e: {  	s14 =	sadd.s32 $0x240, s14;
	s22 =	simm.s32 $0x139;
	[dreg:$0xc] =	wrdreg s20  }
0x1f: {  	s23 =	sshll.u32 s17, $0x7;
	s21 =	sadd.s32 s24, s1;
	s24 =	sshll.u32 s14, $0x7  }
0x20: {  	s22 =	simm.s32 @!p2 $0x138;
	s20 =	sadd.s32 s23, s1;
	s23 =	sshll.u32 s29, $0x7  }
0x21: {  	p2 =	sne.s32 s9, $0x0;
	s26 =	sadd.s32 s24, s1;
	s23 =	sadd.s32 s23, s1  }
0x22: {  	[dreg:$0x10] =	wrdreg s26;
	s26 =	sshll.u32 s9, $0x6;
	s9 =	smul.u32 $0x2700, s9  }
0x23: {  	[dreg:$0xf] =	wrdreg s23;
	s23 =	sadd.s32 s31, s15  }
0x24: {  	s24 =	sadd.s32 s30, s9;
	[dreg:$0x15] =	wrdreg s23  }
0x25: {  	s18 =	sshll.u32 s19, $0x4;
	s9 =	sadd.s32 s31, s9;
	[dreg:$0x12] =	wrdreg s24  }
0x26: {  	s23 =	sadd.s32 s31, s18;
	[dreg:$0x13] =	wrdreg s9  }
0x27: {  	s16 =	sshll.u32 s16, $0x4;
	s24 =	sadd.s32 s30, s15;
	[dreg:$0x19] =	wrdreg s23  }
0x28: {  	s11 =	sshll.u32 s11, $0x4;
	s15 =	sadd.s32 s31, s16;
	[dreg:$0x14] =	wrdreg s24  }
0x29: {  	s23 =	sadd.s32 s31, s11;
	[dreg:$0x17] =	wrdreg s15  }
0x2a: {  	s24 =	sadd.s32 s30, s16;
	[dreg:$0x1f] =	wrdreg s23  }
0x2b: {  	s10 =	sshll.u32 s10, $0x4;
	s16 =	sadd.s32 s30, s18;
	[dreg:$0x16] =	wrdreg s24  }
0x2c: {  	s15 =	sadd.s32 s30, s10;
	[dreg:$0x18] =	wrdreg s16  }
0x2d: {  	s17 =	sshll.u32 s17, $0x4;
	s18 =	sadd.s32 s30, s11;
	[dreg:$0x1c] =	wrdreg s15  }
0x2e: {  	s14 =	sshll.u32 s14, $0x4;
	s11 =	sadd.s32 s30, s17;
	[dreg:$0x1e] =	wrdreg s18  }
0x2f: {  	s13 =	sshll.u32 s13, $0x4;
	s23 =	sadd.s32 s30, s14;
	[smem:$0x7F2] =	sst s11  }
0x30: {  	s12 =	sshll.u32 s12, $0x4;
	s24 =	sadd.s32 s30, s13;
	[smem:$0x7FA] =	sst s23  }
0x31: {  	s0 =	simm.s32 $0x2;
	s13 =	sadd.s32 s31, s13;
	[dreg:$0x1a] =	wrdreg s24  }
0x32: {  	s19 =	sshll.u32 s25, $0x4;
	s16 =	sadd.s32 s31, s10;
	[dreg:$0x1b] =	wrdreg s13  }
0x33: {  	s25 =	sshll.u32 s28, $0x4;
	s10 =	sadd.s32 s31, s12;
	[dreg:$0x1d] =	wrdreg s16  }
0x34: {  	s28 =	sshll.u32 s29, $0x4;
	s15 =	sadd.s32 s31, s19;
	[smem:$0x7F1] =	sst s10  }
0x35: {  	s29 =	simm.s32 $0x4100;
	s18 =	sadd.s32 s30, s28;
	[smem:$0x7F5] =	sst s15  }
0x36: {  	s9 =	simm.s32 $0x40;
	s24 =	sadd.s32 s30, s12;
	[smem:$0x7F8] =	sst s18  }
0x37: {  	s11 =	simm.s32 $0x6100;
	s12 =	sadd.s32 s31, s17;
	[smem:$0x7F0] =	sst s24  }
0x38: {  	s13 =	sadd.s32 s30, s19;
	s16 =	sadd.s32 s30, s25;
	[smem:$0x7F3] =	sst s12  }
0x39: {  	s17 =	sadd.s32 s31, s25;
	s19 =	sadd.s32 s31, s28;
	[smem:$0x7F4] =	sst s13  }
.Ltmp0:
0x3a: {  	s25 =	sadd.s32 $0x138000, s1;
	[smem:$0x7F6] =	sst s16;
	(pc) =	sbr.rel .LBB2_1-.Ltmp0, $4  }
0x3b: {  	s28 =	simm.s32 $0x80;
	s10 =	simm.s32 $0x2100;
	[smem:$0x7F7] =	sst s17  }
0x3c: {  	s30 =	simm.s32 $0x1;
	[smem:$0x7F9] =	sst s19;
	s24 =	sadd.s32 s31, s14  }
0x3d: {  	[smem:$0x7FD] =	sst s25;
	s31 =	simm.s32 $0xA100;
	s25 =	simm.s32 $0x100  }
0x3e: {  	v0 =	vimm.f32 $0.0e+00;
	s12 =	simm.s32 $0x8100;
	s13 =	simm.s32 $0x0;
	[smem:$0x7FB] =	sst s24  }
.LBB2_10:
0x3f: {  	s16 =	sld [smem:$0x7FD];
	_ =	sdelay $0x2  }
0x40: {  	s15 =	sadd.s32 $0x27000, s15;
	s16 =	sshrl.u32 s16, $0x3  }
0x41: {  	[hbm:s15], [sflag:s14] =	dma.local [spmem:s16], $0x100  }
0x42: {  	_ =	swait.ge [sflag:s0], $0x100  }
0x43: {  	[sflag:s0] =	ssyncset.done $0x0  }
0x44: {  	[sflag:s0] =	ssyncadd.s32 $0xFFFFFF00  }
.LBB2_11:
0x45: {  	s14 =	sld [smem:$0x7FC];
	_ =	sdelay $0x1  }
0x46: {  	s13 =	sadd.s32 $0x1, s13  }
0x47: {  	p4 =	sne.s32 s13, s14  }
.Ltmp1:
0x48: {  	_ = 	snop;
	(pc) =	sbr.rel @!p4 .LBB2_12-.Ltmp1, $1  }
0x49: {  	_ =	sdelay $0x3  }
.LBB2_1:
0x4a: {  	s14 =	simm.s32 $0x0;
	s15 =	simm.s32 $0x200  }
.LBB2_2:
0x4b: {  	p4 =	sne.s32 s15, $0x5E00;
	[tilespmem:s14+$0xA170] =	vst v0  }
0x4c: {  	[tilespmem:s14+$0xA100] =	vst v0  }
0x4d: {  	[tilespmem:s14+$0xA110] =	vst v0  }
.Ltmp2:
0x4e: {  	[tilespmem:s14+$0xA120] =	vst v0;
	(pc) =	sbr.rel @p4 .LBB2_2-.Ltmp2, $4  }
0x4f: {  	[tilespmem:s14+$0xA130] =	vst v0  }
0x50: {  	[tilespmem:s14+$0xA140] =	vst v0  }
0x51: {  	[tilespmem:s14+$0xA150] =	vst v0  }
0x52: {  	[tilespmem:s14+$0xA160] =	vst v0;
	s14 =	sshra.s32 s15, $0x2;
	s15 =	sadd.s32 $0x200, s15  }
0x53: {  	[tilespmem:s14+$0xA170] =	vst v0  }
0x54: {  	[tilespmem:s14+$0xA100] =	vst v0  }
0x55: {  	[tilespmem:s14+$0xA110] =	vst v0  }
0x56: {  	[tilespmem:s14+$0xA120] =	vst v0  }
0x57: {  	[tilespmem:s14+$0xA130] =	vst v0  }
0x58: {  	[tilespmem:s14+$0xA140] =	vst v0  }
0x59: {  	[tilespmem:s14+$0xA150] =	vst v0  }
0x5a: {  	[tilespmem:s14+$0xA160] =	vst v0;
	s18 =	rddreg [dreg:$0x6]  }
0x5b: {  	[spmem:s18] =	stream.linear.scatter [tilespmem:s31], [sflag:$0x2], $0x1800, $0x38;
	[tilespmem:$0x1F280] =	vst v63  }
0x5c: {  	_ =	swait.ge [sflag:s0], $0x1800  }
0x5d: {  	[sflag:s0] =	ssyncset.done $0x0  }
0x5e: {  	s19 =	rddreg [dreg:$0x7];
	[sflag:s0] =	ssyncadd.s32 $0xFFFFE800  }
0x5f: {  	[spmem:s19] =	stream.linear.scatter [tilespmem:s31], [sflag:$0x2], $0x1800, $0x38;
	[tilespmem:$0x1F280] =	vst v63  }
0x60: {  	_ =	swait.ge [sflag:s0], $0x1800  }
0x61: {  	[sflag:s0] =	ssyncset.done $0x0  }
0x62: {  	s23 =	rddreg [dreg:$0x8];
	[sflag:s0] =	ssyncadd.s32 $0xFFFFE800  }
0x63: {  	[spmem:s23] =	stream.linear.scatter [tilespmem:s31], [sflag:$0x2], $0x1800, $0x38;
	[tilespmem:$0x1F280] =	vst v63  }
0x64: {  	_ =	swait.ge [sflag:s0], $0x1800  }
0x65: {  	[sflag:s0] =	ssyncset.done $0x0  }
0x66: {  	s24 =	rddreg [dreg:$0x9];
	[sflag:s0] =	ssyncadd.s32 $0xFFFFE800  }
0x67: {  	[spmem:s24] =	stream.linear.scatter [tilespmem:s31], [sflag:$0x2], $0x1800, $0x38;
	[tilespmem:$0x1F280] =	vst v63  }
0x68: {  	_ =	swait.ge [sflag:s0], $0x1800  }
0x69: {  	[sflag:s0] =	ssyncset.done $0x0  }
0x6a: {  	s15 =	rddreg [dreg:$0xa];
	[sflag:s0] =	ssyncadd.s32 $0xFFFFE800  }
0x6b: {  	[spmem:s15] =	stream.linear.scatter [tilespmem:s31], [sflag:$0x2], $0x1800, $0x38;
	[tilespmem:$0x1F280] =	vst v63  }
0x6c: {  	_ =	swait.ge [sflag:s0], $0x1800  }
0x6d: {  	[sflag:s0] =	ssyncset.done $0x0  }
0x6e: {  	s16 =	rddreg [dreg:$0xb];
	[sflag:s0] =	ssyncadd.s32 $0xFFFFE800  }
0x6f: {  	[spmem:s16] =	stream.linear.scatter [tilespmem:s31], [sflag:$0x2], $0x1800, $0x38;
	[tilespmem:$0x1F280] =	vst v63  }
0x70: {  	_ =	swait.ge [sflag:s0], $0x1800  }
0x71: {  	[sflag:s0] =	ssyncset.done $0x0  }
0x72: {  	s17 =	rddreg [dreg:$0xc];
	[sflag:s0] =	ssyncadd.s32 $0xFFFFE800  }
0x73: {  	[spmem:s17] =	stream.linear.scatter [tilespmem:s31], [sflag:$0x2], $0x1800, $0x38;
	[tilespmem:$0x1F280] =	vst v63  }
0x74: {  	_ =	swait.ge [sflag:s0], $0x1800  }
0x75: {  	[sflag:s0] =	ssyncset.done $0x0  }
0x76: {  	s18 =	rddreg [dreg:$0xd];
	[sflag:s0] =	ssyncadd.s32 $0xFFFFE800  }
0x77: {  	[spmem:s18] =	stream.linear.scatter [tilespmem:s31], [sflag:$0x2], $0x1800, $0x38;
	[tilespmem:$0x1F280] =	vst v63  }
0x78: {  	_ =	swait.ge [sflag:s0], $0x1800  }
0x79: {  	[sflag:s0] =	ssyncset.done $0x0  }
0x7a: {  	[sflag:s0] =	ssyncadd.s32 $0xFFFFE800  }
0x7b: {  	[spmem:s20] =	stream.linear.scatter [tilespmem:s31], [sflag:$0x2], $0x1800, $0x38;
	[tilespmem:$0x1F280] =	vst v63  }
0x7c: {  	_ =	swait.ge [sflag:s0], $0x1800  }
0x7d: {  	[sflag:s0] =	ssyncset.done $0x0  }
0x7e: {  	[sflag:s0] =	ssyncadd.s32 $0xFFFFE800  }
0x7f: {  	[spmem:s21] =	stream.linear.scatter [tilespmem:s31], [sflag:$0x2], $0x1800, $0x38;
	[tilespmem:$0x1F280] =	vst v63  }
0x80: {  	_ =	swait.ge [sflag:s0], $0x1800  }
0x81: {  	[sflag:s0] =	ssyncset.done $0x0  }
0x82: {  	s19 =	rddreg [dreg:$0xe];
	[sflag:s0] =	ssyncadd.s32 $0xFFFFE800  }
0x83: {  	[spmem:s19] =	stream.linear.scatter [tilespmem:s31], [sflag:$0x2], $0x1800, $0x38;
	[tilespmem:$0x1F280] =	vst v63  }
0x84: {  	_ =	swait.ge [sflag:s0], $0x1800  }
0x85: {  	[sflag:s0] =	ssyncset.done $0x0  }
0x86: {  	s23 =	smov.u32 s20;
	s20 =	rddreg [dreg:$0xf];
	[sflag:s0] =	ssyncadd.s32 $0xFFFFE800  }
0x87: {  	[spmem:s20] =	stream.linear.scatter [tilespmem:s31], [sflag:$0x2], $0x1800, $0x38;
	[tilespmem:$0x1F280] =	vst v63  }
0x88: {  	_ =	swait.ge [sflag:s0], $0x1800  }
0x89: {  	[sflag:s0] =	ssyncset.done $0x0  }
0x8a: {  	s24 =	smov.u32 s21;
	s21 =	rddreg [dreg:$0x10];
	[sflag:s0] =	ssyncadd.s32 $0xFFFFE800  }
0x8b: {  	[spmem:s21] =	stream.linear.scatter [tilespmem:s31], [sflag:$0x2], $0x1800, $0x38;
	[tilespmem:$0x1F280] =	vst v63  }
0x8c: {  	_ =	swait.ge [sflag:s0], $0x1800  }
0x8d: {  	s15 =	sld [smem:$0x7FD]  }
0x8e: {  	[sflag:s0] =	ssyncset.done $0x0  }
0x8f: {  	s14 =	simm.s32 @!p2 $0xA100;
	[sflag:s0] =	ssyncadd.s32 $0xFFFFE800  }
0x90: {  	[spmem:s15] =	stream.linear.scatter @!p2 [tilespmem:s14], [sflag:$0x2], $0x800, $0x38;
	[tilespmem:$0x1F280] =	vst v63  }
0x91: {  	s14 =	simm.s32 @!p2 $0x2  }
0x92: {  	_ =	swait.ge @!p2 [sflag:s14], $0x800  }
0x93: {  	v4 =	vimm.f32 $0.0e+00;
	v2 =	vimm.f32 $0.0e+00;
	[sflag:s14] =	ssyncset.done @!p2 $0x0  }
0x94: {  	v6 =	vimm.f32 $0.0e+00;
	v8 =	vimm.f32 $0.0e+00;
	v3 =	vimm.f32 $0.0e+00;
	[sflag:s14] =	ssyncadd.s32 @!p2 $0xFFFFF800  }
0x95: {  	v1 =	vimm.f32 $0.0e+00;
	v5 =	vimm.f32 $0.0e+00;
	v7 =	vimm.f32 $0.0e+00;
	s15 =	simm.s32 $0x0;
	s14 =	simm.s32 $0x0;
	[bflag:$0x0] =	sbarrier.arrive $0xFFFF  }
.LBB2_4:
0x96: {  	s16 =	sshll.u32 s15, $0xA  }
0x97: {  	s16 =	sor.u32 s26, s16  }
0x98: {  	s17 =	sshrl.u32 s16, $0x3  }
0x99: {  	s18 =	sadd.s32 s3, s17  }
0x9a: {  	[tilespmem:s14], [sflag:$0x2] =	stream.linear.gather [hbm4b:s18+s14], $0x40, $0x38;
	[tilespmem:$0x1F280] =	vst v63  }
0x9b: {  	_ =	swait.ge [sflag:s0], $0x40  }
0x9c: {  	[sflag:s0] =	ssyncset.done $0x0  }
0x9d: {  	s17 =	sadd.s32 s4, s17;
	[sflag:s0] =	ssyncadd.s32 $0xFFFFFFC0  }
0x9e: {  	[tilespmem:s28], [sflag:$0x2] =	stream.linear.gather [hbm4b:s17+s14], $0x40, $0x38;
	[tilespmem:$0x1F280] =	vst v63  }
0x9f: {  	_ =	swait.ge [sflag:s0], $0x40  }
0xa0: {  	[sflag:s0] =	ssyncset.done $0x0  }
0xa1: {  	[sflag:s0] =	ssyncadd.s32 $0xFFFFFFC0  }
0xa2: {  	[tilespmem:s10], [sflag:$0x1] =	stream.indirect.gather [hbm4b:s6+s9], $0x80, s28, s9, $0xb8;
	[tilespmem:$0x1F280] =	vst v63  }
0xa3: {  	s16 =	sshll.u32 s16, $0x4  }
0xa4: {  	[tilespmem:s25], [sflag:$0x1] =	stream.indirect.gather [hbm4b:s5+s9], $0x80, s14, s9, $0xb8;
	[tilespmem:$0x1F280] =	vst v63  }
0xa5: {  	s21 =	sadd.s32 s7, s16  }
0xa6: {  	[tilespmem:s29], [sflag:$0x1] =	stream.linear.gather [hbm4b:s21+s14], $0x2000, $0x38;
	[tilespmem:$0x1F280] =	vst v63  }
0xa7: {  	_ =	swait.ge [sflag:s30], $0x2000  }
0xa8: {  	[sflag:s30] =	ssyncset.done $0x0  }
0xa9: {  	[sflag:s30] =	ssyncadd.s32 $0xFFFFE000  }
0xaa: {  	_ =	swait.ge [sflag:s30], $0x2000  }
0xab: {  	[sflag:s30] =	ssyncset.done $0x0  }
0xac: {  	[sflag:s30] =	ssyncadd.s32 $0xFFFFE000  }
0xad: {  	_ =	swait.ge [sflag:s30], $0x2000  }
0xae: {  	[sflag:s30] =	ssyncset.done $0x0  }
0xaf: {  	s17 =	simm.s32 $0x0;
	[sflag:s30] =	ssyncadd.s32 $0xFFFFE000  }
0xb0: {  	v9 =	vld [tilespmem:s17+$0x4100]  }
0xb1: {  	s19 =	simm.s32 $0x2100;
	s18 =	simm.s32 $0x2140;
	v10 =	vld [tilespmem:s17+$0x100]  }
0xb2: {  	s18 =	smov.u32 @p0 s19  }
0xb3: {  	v11 =	vld [tilespmem:s18+$0x0];
	_ =	sdelay $0x2  }
0xb4: {  	v9 =	vadd.f32 v10, v9;
	_ =	sdelay $0x1  }
0xb5: {  	v9 =	vadd.f32 v9, v11;
	_ =	sdelay $0x1  }
0xb6: {  	v10 =	vsub.f32 $0.0e+00, v9;
	_ =	sdelay $0x1  }
0xb7: {  	v10 =	vmul.f32 $1.442695020e+00, v10;
	_ =	sdelay $0x1  }
0xb8: {  	(erf) = vpow2.f32 v10;
	_ =	sdelay $0x8  }
0xb9: {  	v10 =	vpop (erf)  }
0xba: {  	v10 =	vadd.f32 $1.000000000e+00, v10;
	_ =	sdelay $0x1  }
0xbb: {  	(erf) = vrcp.f32 v10;
	_ =	sdelay $0x4  }
0xbc: {  	v10 =	vld [tilespmem:s17+$0x140];
	_ =	sdelay $0x3  }
0xbd: {  	v11 =	vpop (erf)  }
0xbe: {  	v12 =	vld [tilespmem:s17+$0x110];
	[tilespmem:s17+$0x6100] =	vst v9;
	v10 =	vmul.f32 v11, v10  }
0xbf: {  	s19 =	simm.s32 $0x2150;
	s18 =	simm.s32 $0x2110;
	[tilespmem:s17+$0x8140] =	vst v11;
	v11 =	vld [tilespmem:s17+$0x4110]  }
0xc0: {  	s19 =	smov.u32 @p0 s18;
	[tilespmem:s17+$0x8100] =	vst v10  }
0xc1: {  	v10 =	vld [tilespmem:s19+$0x0];
	_ =	sdelay $0x2  }
0xc2: {  	v11 =	vadd.f32 v12, v11;
	_ =	sdelay $0x1  }
0xc3: {  	v10 =	vadd.f32 v11, v10;
	_ =	sdelay $0x1  }
0xc4: {  	v11 =	vsub.f32 $0.0e+00, v10;
	_ =	sdelay $0x1  }
0xc5: {  	v11 =	vmul.f32 $1.442695020e+00, v11;
	_ =	sdelay $0x1  }
0xc6: {  	(erf) = vpow2.f32 v11;
	_ =	sdelay $0x8  }
0xc7: {  	v11 =	vpop (erf)  }
0xc8: {  	v11 =	vadd.f32 $1.000000000e+00, v11;
	_ =	sdelay $0x1  }
0xc9: {  	(erf) = vrcp.f32 v11;
	_ =	sdelay $0x4  }
0xca: {  	v11 =	vld [tilespmem:s17+$0x150];
	_ =	sdelay $0x3  }
0xcb: {  	v57 =	vpop (erf)  }
0xcc: {  	v58 =	vld [tilespmem:s17+$0x4120];
	[tilespmem:s17+$0x6110] =	vst v10;
	v11 =	vmul.f32 v57, v11  }
0xcd: {  	v13 =	vld [tilespmem:s17+$0x120];
	s18 =	simm.s32 $0x2120;
	s19 =	simm.s32 $0x2160;
	[tilespmem:s17+$0x8150] =	vst v57  }
0xce: {  	s19 =	smov.u32 @p0 s18;
	[tilespmem:s17+$0x8110] =	vst v11  }
0xcf: {  	v11 =	vld [tilespmem:s19+$0x0];
	_ =	sdelay $0x2  }
0xd0: {  	v12 =	vadd.f32 v13, v58;
	_ =	sdelay $0x1  }
0xd1: {  	v11 =	vadd.f32 v12, v11;
	_ =	sdelay $0x1  }
0xd2: {  	v12 =	vsub.f32 $0.0e+00, v11;
	_ =	sdelay $0x1  }
0xd3: {  	v12 =	vmul.f32 $1.442695020e+00, v12;
	_ =	sdelay $0x1  }
0xd4: {  	(erf) = vpow2.f32 v12;
	_ =	sdelay $0x8  }
0xd5: {  	v12 =	vpop (erf)  }
0xd6: {  	v12 =	vadd.f32 $1.000000000e+00, v12;
	_ =	sdelay $0x1  }
0xd7: {  	(erf) = vrcp.f32 v12;
	_ =	sdelay $0x4  }
0xd8: {  	v59 =	vld [tilespmem:s17+$0x160];
	_ =	sdelay $0x3  }
0xd9: {  	v60 =	vpop (erf)  }
0xda: {  	v61 =	vld [tilespmem:s17+$0x4130];
	[tilespmem:s17+$0x6120] =	vst v11;
	v12 =	vmul.f32 v60, v59  }
0xdb: {  	v14 =	vld [tilespmem:s17+$0x130];
	s18 =	simm.s32 $0x2130;
	s19 =	simm.s32 $0x2170;
	[tilespmem:s17+$0x8160] =	vst v60  }
0xdc: {  	s19 =	smov.u32 @p0 s18;
	[tilespmem:s17+$0x8120] =	vst v12  }
0xdd: {  	v12 =	vld [tilespmem:s19+$0x0];
	_ =	sdelay $0x2  }
0xde: {  	v13 =	vadd.f32 v14, v61;
	_ =	sdelay $0x1  }
0xdf: {  	v12 =	vadd.f32 v13, v12;
	_ =	sdelay $0x1  }
0xe0: {  	v13 =	vsub.f32 $0.0e+00, v12;
	_ =	sdelay $0x1  }
0xe1: {  	v13 =	vmul.f32 $1.442695020e+00, v13;
	_ =	sdelay $0x1  }
0xe2: {  	(erf) = vpow2.f32 v13;
	_ =	sdelay $0x8  }
0xe3: {  	v13 =	vpop (erf)  }
0xe4: {  	v13 =	vadd.f32 $1.000000000e+00, v13;
	_ =	sdelay $0x1  }
0xe5: {  	(erf) = vrcp.f32 v13;
	_ =	sdelay $0x4  }
0xe6: {  	v63 =	vld [tilespmem:s17+$0x170];
	v62 =	vmul.f32 v9, v9  }
0xe7: {  	v15 =	vmul.f32 v10, v10  }
0xe8: {  	v7 =	vadd.f32 v9, v7;
	v8 =	vadd.f32 v62, v8;
	v9 =	vmul.f32 v11, v11  }
0xe9: {  	v5 =	vadd.f32 v10, v5;
	v6 =	vadd.f32 v15, v6;
	v10 =	vmul.f32 v12, v12  }
0xea: {  	v1 =	vadd.f32 v11, v1;
	v2 =	vadd.f32 v9, v2;
	s19 =	simm.s32 $0x80;
	[tilespmem:s17+$0x6130] =	vst v12;
	v11 =	vpop (erf)  }
0xeb: {  	s18 =	simm.s32 $0x400;
	v3 =	vadd.f32 v12, v3;
	v9 =	vld [tilespmem:s19+$0x4100];
	v4 =	vadd.f32 v10, v4;
	[tilespmem:s17+$0x8170] =	vst v11;
	v10 =	vmul.f32 v11, v63  }
.LBB2_5:
0xec: {  	p4 =	sne.s32 s18, $0x7E00;
	s20 =	sadd.s32 $0x2140, s19;
	s21 =	sadd.s32 $0x2100, s19;
	v11 =	vld [tilespmem:s19+$0x100]  }
0xed: {  	s20 =	smov.u32 @p0 s21;
	[tilespmem:s17+$0x8130] =	vst v10;
	s17 =	smov.u32 s19  }
0xee: {  	v10 =	vld [tilespmem:s20+$0x0];
	_ =	sdelay $0x2  }
0xef: {  	v9 =	vadd.f32 v11, v9;
	_ =	sdelay $0x1  }
0xf0: {  	v9 =	vadd.f32 v9, v10;
	_ =	sdelay $0x1  }
0xf1: {  	[tilespmem:s17+$0x6100] =	vst v9;
	v10 =	vsub.f32 $0.0e+00, v9;
	v7 =	vadd.f32 v9, v7;
	v9 =	vmul.f32 v9, v9;
	_ =	sdelay $0x1  }
0xf2: {  	v10 =	vmul.f32 $1.442695020e+00, v10;
	v8 =	vadd.f32 v9, v8;
	_ =	sdelay $0x1  }
0xf3: {  	(erf) = vpow2.f32 v10;
	_ =	sdelay $0x8  }
0xf4: {  	v9 =	vpop (erf)  }
0xf5: {  	v9 =	vadd.f32 $1.000000000e+00, v9;
	_ =	sdelay $0x1  }
0xf6: {  	(erf) = vrcp.f32 v9;
	_ =	sdelay $0x4  }
0xf7: {  	v9 =	vld [tilespmem:s17+$0x140];
	_ =	sdelay $0x3  }
0xf8: {  	v10 =	vpop (erf)  }
0xf9: {  	[tilespmem:s17+$0x8140] =	vst v10;
	v9 =	vmul.f32 v10, v9;
	v10 =	vld [tilespmem:s17+$0x4110]  }
0xfa: {  	s19 =	sadd.s32 $0x2110, s17;
	s20 =	sadd.s32 $0x2150, s17;
	v11 =	vld [tilespmem:s17+$0x110]  }
0xfb: {  	s20 =	smov.u32 @p0 s19;
	[tilespmem:s17+$0x8100] =	vst v9  }
0xfc: {  	v9 =	vld [tilespmem:s20+$0x0];
	_ =	sdelay $0x2  }
0xfd: {  	v10 =	vadd.f32 v11, v10;
	_ =	sdelay $0x1  }
0xfe: {  	v9 =	vadd.f32 v10, v9;
	_ =	sdelay $0x1  }
0xff: {  	[tilespmem:s17+$0x6110] =	vst v9;
	v10 =	vsub.f32 $0.0e+00, v9;
	v5 =	vadd.f32 v9, v5;
	v9 =	vmul.f32 v9, v9;
	_ =	sdelay $0x1  }
0x100: {  	v10 =	vmul.f32 $1.442695020e+00, v10;
	v6 =	vadd.f32 v9, v6;
	_ =	sdelay $0x1  }
0x101: {  	(erf) = vpow2.f32 v10;
	_ =	sdelay $0x8  }
0x102: {  	v9 =	vpop (erf)  }
0x103: {  	v9 =	vadd.f32 $1.000000000e+00, v9;
	_ =	sdelay $0x1  }
0x104: {  	(erf) = vrcp.f32 v9;
	_ =	sdelay $0x4  }
0x105: {  	v9 =	vld [tilespmem:s17+$0x150];
	_ =	sdelay $0x3  }
0x106: {  	v10 =	vpop (erf)  }
0x107: {  	[tilespmem:s17+$0x8150] =	vst v10;
	v9 =	vmul.f32 v10, v9;
	v10 =	vld [tilespmem:s17+$0x4120]  }
0x108: {  	s19 =	sadd.s32 $0x2120, s17;
	s20 =	sadd.s32 $0x2160, s17;
	v11 =	vld [tilespmem:s17+$0x120]  }
0x109: {  	s20 =	smov.u32 @p0 s19;
	[tilespmem:s17+$0x8110] =	vst v9  }
0x10a: {  	v9 =	vld [tilespmem:s20+$0x0];
	_ =	sdelay $0x2  }
0x10b: {  	v10 =	vadd.f32 v11, v10;
	_ =	sdelay $0x1  }
0x10c: {  	v9 =	vadd.f32 v10, v9;
	_ =	sdelay $0x1  }
0x10d: {  	[tilespmem:s17+$0x6120] =	vst v9;
	v10 =	vsub.f32 $0.0e+00, v9;
	v1 =	vadd.f32 v9, v1;
	v9 =	vmul.f32 v9, v9;
	_ =	sdelay $0x1  }
0x10e: {  	v10 =	vmul.f32 $1.442695020e+00, v10;
	v2 =	vadd.f32 v9, v2;
	_ =	sdelay $0x1  }
0x10f: {  	(erf) = vpow2.f32 v10;
	_ =	sdelay $0x8  }
0x110: {  	v9 =	vpop (erf)  }
0x111: {  	v9 =	vadd.f32 $1.000000000e+00, v9;
	_ =	sdelay $0x1  }
0x112: {  	(erf) = vrcp.f32 v9;
	_ =	sdelay $0x4  }
0x113: {  	v9 =	vld [tilespmem:s17+$0x160];
	_ =	sdelay $0x3  }
0x114: {  	v10 =	vpop (erf)  }
0x115: {  	[tilespmem:s17+$0x8160] =	vst v10;
	v9 =	vmul.f32 v10, v9;
	v10 =	vld [tilespmem:s17+$0x4130]  }
0x116: {  	s19 =	sadd.s32 $0x2130, s17;
	s20 =	sadd.s32 $0x2170, s17;
	v11 =	vld [tilespmem:s17+$0x130]  }
0x117: {  	s20 =	smov.u32 @p0 s19;
	[tilespmem:s17+$0x8120] =	vst v9  }
0x118: {  	v9 =	vld [tilespmem:s20+$0x0];
	_ =	sdelay $0x2  }
0x119: {  	v10 =	vadd.f32 v11, v10;
	_ =	sdelay $0x1  }
0x11a: {  	v9 =	vadd.f32 v10, v9;
	_ =	sdelay $0x1  }
0x11b: {  	[tilespmem:s17+$0x6130] =	vst v9;
	v10 =	vsub.f32 $0.0e+00, v9;
	v3 =	vadd.f32 v9, v3;
	v9 =	vmul.f32 v9, v9;
	_ =	sdelay $0x1  }
0x11c: {  	v10 =	vmul.f32 $1.442695020e+00, v10;
	v4 =	vadd.f32 v9, v4;
	_ =	sdelay $0x1  }
0x11d: {  	(erf) = vpow2.f32 v10;
	_ =	sdelay $0x8  }
0x11e: {  	v9 =	vpop (erf)  }
0x11f: {  	v9 =	vadd.f32 $1.000000000e+00, v9;
	_ =	sdelay $0x1  }
0x120: {  	(erf) = vrcp.f32 v9;
	_ =	sdelay $0x4  }
0x121: {  	v10 =	vld [tilespmem:s17+$0x170]  }
.Ltmp3:
0x122: {  	(pc) =	sbr.rel @p4 .LBB2_5-.Ltmp3, $3  }
0x123: {  	_ =	sdelay $0x1  }
0x124: {  	s19 =	sshra.s32 s18, $0x2;
	v11 =	vpop (erf)  }
0x125: {  	s18 =	sadd.s32 $0x200, s18;
	v9 =	vld [tilespmem:s19+$0x4100];
	[tilespmem:s17+$0x8170] =	vst v11;
	v10 =	vmul.f32 v11, v10  }
0x126: {  	s18 =	sadd.s32 $0x2140, s19;
	s20 =	sadd.s32 $0x2100, s19;
	v11 =	vld [tilespmem:s19+$0x100]  }
0x127: {  	s18 =	smov.u32 @p0 s20;
	[tilespmem:s17+$0x8130] =	vst v10  }
0x128: {  	v10 =	vld [tilespmem:s18+$0x0];
	_ =	sdelay $0x2  }
0x129: {  	v9 =	vadd.f32 v11, v9;
	_ =	sdelay $0x1  }
0x12a: {  	v9 =	vadd.f32 v9, v10;
	_ =	sdelay $0x1  }
0x12b: {  	v10 =	vsub.f32 $0.0e+00, v9;
	_ =	sdelay $0x1  }
0x12c: {  	v10 =	vmul.f32 $1.442695020e+00, v10;
	_ =	sdelay $0x1  }
0x12d: {  	(erf) = vpow2.f32 v10;
	_ =	sdelay $0x8  }
0x12e: {  	v10 =	vpop (erf)  }
0x12f: {  	v10 =	vadd.f32 $1.000000000e+00, v10;
	_ =	sdelay $0x1  }
0x130: {  	(erf) = vrcp.f32 v10;
	_ =	sdelay $0x4  }
0x131: {  	v10 =	vld [tilespmem:s19+$0x140];
	_ =	sdelay $0x3  }
0x132: {  	v11 =	vpop (erf)  }
0x133: {  	v12 =	vld [tilespmem:s19+$0x110];
	[tilespmem:s19+$0x6100] =	vst v9;
	v10 =	vmul.f32 v11, v10  }
0x134: {  	s17 =	sadd.s32 $0x2110, s19;
	s18 =	sadd.s32 $0x2150, s19;
	[tilespmem:s19+$0x8140] =	vst v11;
	v11 =	vld [tilespmem:s19+$0x4110]  }
0x135: {  	s18 =	smov.u32 @p0 s17;
	[tilespmem:s19+$0x8100] =	vst v10  }
0x136: {  	v10 =	vld [tilespmem:s18+$0x0];
	_ =	sdelay $0x2  }
0x137: {  	v11 =	vadd.f32 v12, v11;
	_ =	sdelay $0x1  }
0x138: {  	v10 =	vadd.f32 v11, v10;
	_ =	sdelay $0x1  }
0x139: {  	v11 =	vsub.f32 $0.0e+00, v10;
	_ =	sdelay $0x1  }
0x13a: {  	v11 =	vmul.f32 $1.442695020e+00, v11;
	_ =	sdelay $0x1  }
0x13b: {  	(erf) = vpow2.f32 v11;
	_ =	sdelay $0x8  }
0x13c: {  	v11 =	vpop (erf)  }
0x13d: {  	v11 =	vadd.f32 $1.000000000e+00, v11;
	_ =	sdelay $0x1  }
0x13e: {  	(erf) = vrcp.f32 v11;
	_ =	sdelay $0x4  }
0x13f: {  	v11 =	vld [tilespmem:s19+$0x150];
	_ =	sdelay $0x3  }
0x140: {  	v55 =	vpop (erf)  }
0x141: {  	v56 =	vld [tilespmem:s19+$0x4120];
	[tilespmem:s19+$0x6110] =	vst v10;
	v11 =	vmul.f32 v55, v11  }
0x142: {  	v13 =	vld [tilespmem:s19+$0x120];
	s17 =	sadd.s32 $0x2120, s19;
	s18 =	sadd.s32 $0x2160, s19;
	[tilespmem:s19+$0x8150] =	vst v55  }
0x143: {  	s18 =	smov.u32 @p0 s17;
	[tilespmem:s19+$0x8110] =	vst v11  }
0x144: {  	v11 =	vld [tilespmem:s18+$0x0];
	_ =	sdelay $0x2  }
0x145: {  	v12 =	vadd.f32 v13, v56;
	_ =	sdelay $0x1  }
0x146: {  	v11 =	vadd.f32 v12, v11;
	_ =	sdelay $0x1  }
0x147: {  	v12 =	vsub.f32 $0.0e+00, v11;
	_ =	sdelay $0x1  }
0x148: {  	v12 =	vmul.f32 $1.442695020e+00, v12;
	_ =	sdelay $0x1  }
0x149: {  	(erf) = vpow2.f32 v12;
	_ =	sdelay $0x8  }
0x14a: {  	v12 =	vpop (erf)  }
0x14b: {  	v12 =	vadd.f32 $1.000000000e+00, v12;
	_ =	sdelay $0x1  }
0x14c: {  	(erf) = vrcp.f32 v12;
	_ =	sdelay $0x4  }
0x14d: {  	v57 =	vld [tilespmem:s19+$0x160];
	_ =	sdelay $0x3  }
0x14e: {  	v58 =	vpop (erf)  }
0x14f: {  	v59 =	vld [tilespmem:s19+$0x4130];
	[tilespmem:s19+$0x6120] =	vst v11;
	v12 =	vmul.f32 v58, v57  }
0x150: {  	v14 =	vld [tilespmem:s19+$0x130];
	s17 =	sadd.s32 $0x2130, s19;
	s18 =	sadd.s32 $0x2170, s19;
	[tilespmem:s19+$0x8160] =	vst v58  }
0x151: {  	s18 =	smov.u32 @p0 s17;
	[tilespmem:s19+$0x8120] =	vst v12  }
0x152: {  	v12 =	vld [tilespmem:s18+$0x0];
	_ =	sdelay $0x2  }
0x153: {  	v13 =	vadd.f32 v14, v59;
	_ =	sdelay $0x1  }
0x154: {  	v12 =	vadd.f32 v13, v12;
	_ =	sdelay $0x1  }
0x155: {  	v13 =	vsub.f32 $0.0e+00, v12;
	_ =	sdelay $0x1  }
0x156: {  	v13 =	vmul.f32 $1.442695020e+00, v13;
	_ =	sdelay $0x1  }
0x157: {  	(erf) = vpow2.f32 v13;
	_ =	sdelay $0x8  }
0x158: {  	v13 =	vpop (erf)  }
0x159: {  	v13 =	vadd.f32 $1.000000000e+00, v13;
	_ =	sdelay $0x1  }
0x15a: {  	(erf) = vrcp.f32 v13;
	_ =	sdelay $0x4  }
0x15b: {  	v60 =	vld [tilespmem:s19+$0x170];
	_ =	sdelay $0x3  }
0x15c: {  	v61 =	vpop (erf)  }
0x15d: {  	[tilespmem:s19+$0x6130] =	vst v12;
	v13 =	vmul.f32 v61, v60  }
0x15e: {  	[tilespmem:s19+$0x8170] =	vst v61  }
0x15f: {  	s16 =	sadd.s32 s8, s16;
	[tilespmem:s19+$0x8130] =	vst v13  }
0x160: {  	[hbm4b:s16+s2] =	stream.linear.scatter [tilespmem:s11], [sflag:$0x2], $0x2000, $0x38;
	[tilespmem:$0x1F280] =	vst v63  }
0x161: {  	s15 =	sadd.s32 $0x1, s15;
	_ =	swait.ge [sflag:s0], $0x2000  }
0x162: {  	p4 =	sne.s32 s15, s22;
	v62 =	vmul.f32 v9, v9;
	[sflag:s0] =	ssyncset.done $0x0  }
.Ltmp4:
0x163: {  	v63 =	vmul.f32 v10, v10;
	[sflag:s0] =	ssyncadd.s32 $0xFFFFE000;
	(pc) =	sbr.rel @p4 .LBB2_4-.Ltmp4, $4  }
0x164: {  	v7 =	vadd.f32 v9, v7;
	v8 =	vadd.f32 v62, v8;
	v9 =	vmul.f32 v11, v11;
	[spmem:s1] =	stream.indirect.scatter.add.f32 [tilespmem:s12], [sflag:$0x2], $0x80, s28, s9, $0xb8;
	[tilespmem:$0x1F280] =	vst v63  }
0x165: {  	v5 =	vadd.f32 v10, v5;
	v6 =	vadd.f32 v63, v6;
	v10 =	vmul.f32 v12, v12;
	_ =	swait.ge [sflag:s0], $0x2000  }
0x166: {  	v1 =	vadd.f32 v11, v1;
	v2 =	vadd.f32 v9, v2;
	[sflag:s0] =	ssyncset.done $0x0  }
0x167: {  	v3 =	vadd.f32 v12, v3;
	v4 =	vadd.f32 v10, v4;
	[sflag:s0] =	ssyncadd.s32 $0xFFFFE000  }
0x168: {  	[tilespmem:$0xB900] =	vst v7  }
0x169: {  	[tilespmem:$0xB980] =	vst v8  }
0x16a: {  	[tilespmem:$0xB910] =	vst v5  }
0x16b: {  	[tilespmem:$0xB990] =	vst v6  }
0x16c: {  	[tilespmem:$0xB920] =	vst v1  }
0x16d: {  	[tilespmem:$0xB9A0] =	vst v2  }
0x16e: {  	[tilespmem:$0xB930] =	vst v3  }
0x16f: {  	s14 =	rddreg [dreg:$0x11];
	s15 =	simm.s32 $0xB900;
	[tilespmem:$0xB9B0] =	vst v4  }
0x170: {  	[hbm4b:s14+s2] =	stream.linear.scatter [tilespmem:s15], [sflag:$0x2], $0x100, $0x38;
	[tilespmem:$0x1F280] =	vst v63  }
0x171: {  	_ =	swait.ge [sflag:s0], $0x100  }
.Ltmp5:
0x172: {  	[sflag:s0] =	ssyncset.done $0x0;
	(pc) =	sbr.rel @!p1 .LBB2_8-.Ltmp5, $4  }
0x173: {  	[sflag:s0] =	ssyncadd.s32 $0xFFFFFF00  }
0x174: {  	[bflag:$0x0] =	sbarrier.arrive $0xFFFF  }
0x175: {  	s21 =	rddreg [dreg:$0x6]  }
0x176: {  	s14 =	sor.u32 $0x1C02, s26;
	s15 =	sshrl.u32 s21, $0x3  }
0x177: {  	s14 =	sor.u32 $0x1C02, s26;
	s16 =	rddreg [dreg:$0x13]  }
0x178: {  	[hbm:s16], [sflag:s14] =	dma.local [spmem:s15], $0x300  }
0x179: {  	_ =	swait.ge [sflag:s0], $0x300  }
0x17a: {  	[sflag:s0] =	ssyncset.done $0x0;
	s16 =	rddreg [dreg:$0x7]  }
0x17b: {  	s17 =	rddreg [dreg:$0x15];
	[sflag:s0] =	ssyncadd.s32 $0xFFFFFD00;
	s15 =	sshrl.u32 s16, $0x3  }
0x17c: {  	[hbm:s17], [sflag:s14] =	dma.local [spmem:s15], $0x300  }
0x17d: {  	_ =	swait.ge [sflag:s0], $0x300  }
0x17e: {  	[sflag:s0] =	ssyncset.done $0x0;
	s18 =	rddreg [dreg:$0x8]  }
0x17f: {  	s19 =	rddreg [dreg:$0x17];
	[sflag:s0] =	ssyncadd.s32 $0xFFFFFD00;
	s15 =	sshrl.u32 s18, $0x3  }
0x180: {  	[hbm:s19], [sflag:s14] =	dma.local [spmem:s15], $0x300  }
0x181: {  	_ =	swait.ge [sflag:s0], $0x300  }
0x182: {  	[sflag:s0] =	ssyncset.done $0x0;
	s20 =	rddreg [dreg:$0x9]  }
0x183: {  	s21 =	rddreg [dreg:$0x19];
	[sflag:s0] =	ssyncadd.s32 $0xFFFFFD00;
	s15 =	sshrl.u32 s20, $0x3  }
0x184: {  	[hbm:s21], [sflag:s14] =	dma.local [spmem:s15], $0x300  }
0x185: {  	_ =	swait.ge [sflag:s0], $0x300  }
0x186: {  	[sflag:s0] =	ssyncset.done $0x0;
	s16 =	rddreg [dreg:$0xa]  }
0x187: {  	s17 =	rddreg [dreg:$0x1b];
	[sflag:s0] =	ssyncadd.s32 $0xFFFFFD00;
	s15 =	sshrl.u32 s16, $0x3  }
0x188: {  	[hbm:s17], [sflag:s14] =	dma.local [spmem:s15], $0x300  }
0x189: {  	_ =	swait.ge [sflag:s0], $0x300  }
0x18a: {  	[sflag:s0] =	ssyncset.done $0x0;
	s18 =	rddreg [dreg:$0xb]  }
0x18b: {  	s19 =	rddreg [dreg:$0x1d];
	[sflag:s0] =	ssyncadd.s32 $0xFFFFFD00;
	s15 =	sshrl.u32 s18, $0x3  }
0x18c: {  	[hbm:s19], [sflag:s14] =	dma.local [spmem:s15], $0x300  }
0x18d: {  	_ =	swait.ge [sflag:s0], $0x300  }
0x18e: {  	[sflag:s0] =	ssyncset.done $0x0;
	s20 =	rddreg [dreg:$0xc]  }
0x18f: {  	s21 =	rddreg [dreg:$0x1f];
	[sflag:s0] =	ssyncadd.s32 $0xFFFFFD00;
	s15 =	sshrl.u32 s20, $0x3  }
0x190: {  	[hbm:s21], [sflag:s14] =	dma.local [spmem:s15], $0x300  }
0x191: {  	_ =	swait.ge [sflag:s0], $0x300  }
0x192: {  	s18 =	sld [smem:$0x7F1]  }
0x193: {  	[sflag:s0] =	ssyncset.done $0x0;
	s17 =	rddreg [dreg:$0xd]  }
0x194: {  	[sflag:s0] =	ssyncadd.s32 $0xFFFFFD00;
	s15 =	sshrl.u32 s17, $0x3  }
0x195: {  	[hbm:s18], [sflag:s14] =	dma.local [spmem:s15], $0x300  }
0x196: {  	_ =	swait.ge [sflag:s0], $0x300  }
0x197: {  	s21 =	sld [smem:$0x7F3]  }
0x198: {  	[sflag:s0] =	ssyncset.done $0x0  }
0x199: {  	s19 =	sshrl.u32 s23, $0x3;
	[sflag:s0] =	ssyncadd.s32 $0xFFFFFD00  }
0x19a: {  	[hbm:s21], [sflag:s14] =	dma.local [spmem:s19], $0x300  }
0x19b: {  	s20 =	smov.u32 s23;
	_ =	swait.ge [sflag:s0], $0x300  }
0x19c: {  	s23 =	sshrl.u32 s24, $0x3;
	s21 =	smov.u32 s24;
	s24 =	sld [smem:$0x7F5]  }
0x19d: {  	[sflag:s0] =	ssyncset.done $0x0  }
0x19e: {  	[sflag:s0] =	ssyncadd.s32 $0xFFFFFD00  }
0x19f: {  	[hbm:s24], [sflag:s14] =	dma.local [spmem:s23], $0x300  }
0x1a0: {  	_ =	swait.ge [sflag:s0], $0x300  }
0x1a1: {  	s17 =	sld [smem:$0x7F7]  }
0x1a2: {  	[sflag:s0] =	ssyncset.done $0x0;
	s16 =	rddreg [dreg:$0xe]  }
0x1a3: {  	[sflag:s0] =	ssyncadd.s32 $0xFFFFFD00;
	s15 =	sshrl.u32 s16, $0x3  }
0x1a4: {  	[hbm:s17], [sflag:s14] =	dma.local [spmem:s15], $0x300  }
0x1a5: {  	_ =	swait.ge [sflag:s0], $0x300  }
0x1a6: {  	s19 =	sld [smem:$0x7F9]  }
0x1a7: {  	[sflag:s0] =	ssyncset.done $0x0;
	s18 =	rddreg [dreg:$0xf]  }
0x1a8: {  	[sflag:s0] =	ssyncadd.s32 $0xFFFFFD00;
	s15 =	sshrl.u32 s18, $0x3  }
0x1a9: {  	[hbm:s19], [sflag:s14] =	dma.local [spmem:s15], $0x300  }
0x1aa: {  	_ =	swait.ge [sflag:s0], $0x300  }
0x1ab: {  	s24 =	sld [smem:$0x7FB]  }
0x1ac: {  	[sflag:s0] =	ssyncset.done $0x0;
	s23 =	rddreg [dreg:$0x10]  }
0x1ad: {  	[sflag:s0] =	ssyncadd.s32 $0xFFFFFD00;
	s15 =	sshrl.u32 s23, $0x3  }
0x1ae: {  	[hbm:s24], [sflag:s14] =	dma.local [spmem:s15], $0x300  }
.Ltmp6:
0x1af: {  	_ = 	snop;
	(pc) =	sbr.rel @p2 .LBB2_11-.Ltmp6, $4  }
.Ltmp7:
0x1b0: {  	_ = 	snop;
	(pc) =	sbr.rel @!p2 .LBB2_10-.Ltmp7, $4  }
0x1b1: {  	_ =	swait.ge [sflag:s0], $0x300  }
0x1b2: {  	[sflag:s0] =	ssyncset.done $0x0  }
0x1b3: {  	s15 =	rddreg [dreg:$0x5];
	[sflag:s0] =	ssyncadd.s32 $0xFFFFFD00  }
0x1b4: {  	_ = 	snop  }
.LBB2_8:
0x1b5: {  	s16 =	rddreg [dreg:$0x12]  }
0x1b6: {  	[hbm:s16], [sflag:s14] =	dma.local [spmem:s15], $0x300  }
0x1b7: {  	_ =	swait.ge [sflag:s0], $0x300  }
0x1b8: {  	[sflag:s0] =	ssyncset.done $0x0;
	s16 =	rddreg [dreg:$0x7]  }
0x1b9: {  	s17 =	rddreg [dreg:$0x14];
	[sflag:s0] =	ssyncadd.s32 $0xFFFFFD00;
	s15 =	sshrl.u32 s16, $0x3  }
0x1ba: {  	[hbm:s17], [sflag:s14] =	dma.local [spmem:s15], $0x300  }
0x1bb: {  	_ =	swait.ge [sflag:s0], $0x300  }
0x1bc: {  	[sflag:s0] =	ssyncset.done $0x0;
	s18 =	rddreg [dreg:$0x8]  }
0x1bd: {  	s19 =	rddreg [dreg:$0x16];
	[sflag:s0] =	ssyncadd.s32 $0xFFFFFD00;
	s15 =	sshrl.u32 s18, $0x3  }
0x1be: {  	[hbm:s19], [sflag:s14] =	dma.local [spmem:s15], $0x300  }
0x1bf: {  	_ =	swait.ge [sflag:s0], $0x300  }
0x1c0: {  	[sflag:s0] =	ssyncset.done $0x0;
	s20 =	rddreg [dreg:$0x9]  }
0x1c1: {  	s21 =	rddreg [dreg:$0x18];
	[sflag:s0] =	ssyncadd.s32 $0xFFFFFD00;
	s15 =	sshrl.u32 s20, $0x3  }
0x1c2: {  	[hbm:s21], [sflag:s14] =	dma.local [spmem:s15], $0x300  }
0x1c3: {  	_ =	swait.ge [sflag:s0], $0x300  }
0x1c4: {  	[sflag:s0] =	ssyncset.done $0x0;
	s16 =	rddreg [dreg:$0xa]  }
0x1c5: {  	s17 =	rddreg [dreg:$0x1a];
	[sflag:s0] =	ssyncadd.s32 $0xFFFFFD00;
	s15 =	sshrl.u32 s16, $0x3  }
0x1c6: {  	[hbm:s17], [sflag:s14] =	dma.local [spmem:s15], $0x300  }
0x1c7: {  	_ =	swait.ge [sflag:s0], $0x300  }
0x1c8: {  	[sflag:s0] =	ssyncset.done $0x0;
	s18 =	rddreg [dreg:$0xb]  }
0x1c9: {  	s19 =	rddreg [dreg:$0x1c];
	[sflag:s0] =	ssyncadd.s32 $0xFFFFFD00;
	s15 =	sshrl.u32 s18, $0x3  }
0x1ca: {  	[hbm:s19], [sflag:s14] =	dma.local [spmem:s15], $0x300  }
0x1cb: {  	_ =	swait.ge [sflag:s0], $0x300  }
0x1cc: {  	[sflag:s0] =	ssyncset.done $0x0;
	s20 =	rddreg [dreg:$0xc]  }
0x1cd: {  	s21 =	rddreg [dreg:$0x1e];
	[sflag:s0] =	ssyncadd.s32 $0xFFFFFD00;
	s15 =	sshrl.u32 s20, $0x3  }
0x1ce: {  	[hbm:s21], [sflag:s14] =	dma.local [spmem:s15], $0x300  }
0x1cf: {  	_ =	swait.ge [sflag:s0], $0x300  }
0x1d0: {  	s18 =	sld [smem:$0x7F0]  }
0x1d1: {  	[sflag:s0] =	ssyncset.done $0x0;
	s17 =	rddreg [dreg:$0xd]  }
0x1d2: {  	[sflag:s0] =	ssyncadd.s32 $0xFFFFFD00;
	s15 =	sshrl.u32 s17, $0x3  }
0x1d3: {  	[hbm:s18], [sflag:s14] =	dma.local [spmem:s15], $0x300  }
0x1d4: {  	_ =	swait.ge [sflag:s0], $0x300  }
0x1d5: {  	s21 =	sld [smem:$0x7F2]  }
0x1d6: {  	[sflag:s0] =	ssyncset.done $0x0  }
0x1d7: {  	s19 =	sshrl.u32 s23, $0x3;
	[sflag:s0] =	ssyncadd.s32 $0xFFFFFD00  }
0x1d8: {  	[hbm:s21], [sflag:s14] =	dma.local [spmem:s19], $0x300  }
0x1d9: {  	s20 =	smov.u32 s23;
	_ =	swait.ge [sflag:s0], $0x300  }
0x1da: {  	s23 =	sshrl.u32 s24, $0x3;
	s21 =	smov.u32 s24;
	s24 =	sld [smem:$0x7F4]  }
0x1db: {  	[sflag:s0] =	ssyncset.done $0x0  }
0x1dc: {  	[sflag:s0] =	ssyncadd.s32 $0xFFFFFD00  }
0x1dd: {  	[hbm:s24], [sflag:s14] =	dma.local [spmem:s23], $0x300  }
0x1de: {  	_ =	swait.ge [sflag:s0], $0x300  }
0x1df: {  	s17 =	sld [smem:$0x7F6]  }
0x1e0: {  	[sflag:s0] =	ssyncset.done $0x0;
	s16 =	rddreg [dreg:$0xe]  }
0x1e1: {  	[sflag:s0] =	ssyncadd.s32 $0xFFFFFD00;
	s15 =	sshrl.u32 s16, $0x3  }
0x1e2: {  	[hbm:s17], [sflag:s14] =	dma.local [spmem:s15], $0x300  }
0x1e3: {  	_ =	swait.ge [sflag:s0], $0x300  }
0x1e4: {  	s19 =	sld [smem:$0x7F8]  }
0x1e5: {  	[sflag:s0] =	ssyncset.done $0x0;
	s18 =	rddreg [dreg:$0xf]  }
0x1e6: {  	[sflag:s0] =	ssyncadd.s32 $0xFFFFFD00;
	s15 =	sshrl.u32 s18, $0x3  }
0x1e7: {  	[hbm:s19], [sflag:s14] =	dma.local [spmem:s15], $0x300  }
0x1e8: {  	_ =	swait.ge [sflag:s0], $0x300  }
0x1e9: {  	s24 =	sld [smem:$0x7FA]  }
0x1ea: {  	[sflag:s0] =	ssyncset.done $0x0;
	s23 =	rddreg [dreg:$0x10]  }
0x1eb: {  	[sflag:s0] =	ssyncadd.s32 $0xFFFFFD00;
	s15 =	sshrl.u32 s23, $0x3  }
0x1ec: {  	[hbm:s24], [sflag:s14] =	dma.local [spmem:s15], $0x300  }
.Ltmp8:
0x1ed: {  	_ = 	snop;
	(pc) =	sbr.rel @!p3 .LBB2_11-.Ltmp8, $4  }
.Ltmp9:
0x1ee: {  	_ = 	snop;
	(pc) =	sbr.rel @p3 .LBB2_10-.Ltmp9, $4  }
0x1ef: {  	_ =	swait.ge [sflag:s0], $0x300  }
0x1f0: {  	[sflag:s0] =	ssyncset.done $0x0  }
0x1f1: {  	s15 =	rddreg [dreg:$0x4];
	[sflag:s0] =	ssyncadd.s32 $0xFFFFFD00  }
0x1f2: {  	_ = 	snop  }
.LBB2_12:
0x1f3: {  	_ =	sfence.sel $0x180000  }
0x1f4: {  	[bflag:$0x0] =	sbarrier.arrive $0xFFFF  }
0x1f5: {  	_ =	strace $0x90000047  }
0x1f6: {  	[bflag:$0x2] =	sbarrier.arrive $0xFFFF  }
0x1f7: {  	s0 =	rddreg [dreg:$0x3]  }
0x1f8: {  	s0 =	sadd.s32 @!p2 $0x100000, s0  }
0x1f9: {  	[sflag:s0] =	ssyncadd.tile.s32 @!p2 $0x1;
	_ =	shalt  }
.Lfunc_end2:
_tile_overlayer_lowered:
.L_overlay_start_2:
0x1fa: {  	(tag) =	ssettag $0x2  }
0x1fb: {  	s0 =	rddreg [dreg:$0x0];
	s2 =	stileid.u32  }
0x1fc: {  	s1 =	rddreg [dreg:$0x1];
	p0 =	sne.s32 s2, $0x0  }
0x1fd: {  	s3 =	rddreg [dreg:$0x2];
	[bflag:$0x3] =	sbarrier.arrive $0xFFFF;
	s2 =	simm.s32 @!p0 $0x1C02  }
0x1fe: {  	[timem:s3], [sflag:s2] =	dma.local @!p0 [hbm:s0], s1  }
0x1ff: {  	s0 =	simm.s32 @!p0 $0x2  }
0x200: {  	_ =	swait.ge @!p0 [sflag:s0], s1  }
0x201: {  	s1 =	ssub.s32 @!p0 $0x0, s1;
	[sflag:s0] =	ssyncset.done @!p0 $0x0  }
0x202: {  	[sflag:s0] =	ssyncadd.s32 @!p0 s1  }
0x203: {  	[bflag:$0x3] =	sbarrier.arrive $0xFFFF  }
0x204: {  	_ =	shalt  }

</sc_bundles>
